<compile_context>
chip_gen: v7x
topology: tpu7x:2x2x1
jax: 0.10.2.dev20260603
libtpu: 0.0.44.dev20260713+nightly
codegen_flags: <defaults>
</compile_context>

<pallas_src>
import functools

import jax
import jax.numpy as jnp
from jax import lax
from jax.experimental import pallas as pl
from jax.experimental.pallas import tpu as pltpu
from jax.experimental.pallas import tpu_sc as plsc

N = 10000
E = 320000
D = 128
H = 16
C = 40

NC = 2
NS = 16
L = 16
NW = NC * NS
CH = 128
NBLK = E // CH
BPW = NBLK // NW
NEXTRA = NBLK - BPW * NW
NP = 10240
G = NP // 8
GN = N // 8
RPT = NP // NS
ZROWS = 128


def _rand_noise(shape, seed):
    pltpu.prng_seed(seed)
    bits = pltpu.prng_random_bits(shape).astype(jnp.uint32)
    return (bits >> 8).astype(jnp.float32) * (2.0 ** -24) - 0.5


def _qd_from_stats(x, rmin, rmax, noise):
    denom = jnp.maximum(rmax - rmin, 1e-6)
    rscale = 255.0 / denom
    q = (x - rmin) * rscale
    q = jnp.clip(jnp.round(q + noise), 0.0, 255.0)
    return q / rscale + rmin


def _seg_stats(x, w):
    mins = []
    maxs = []
    for m in range(8):
        seg = x[:, w * m:w * (m + 1)]
        mn = jnp.min(seg, axis=1, keepdims=True)
        mx = jnp.max(seg, axis=1, keepdims=True)
        mins.append(jnp.broadcast_to(mn, seg.shape))
        maxs.append(jnp.broadcast_to(mx, seg.shape))
    return jnp.concatenate(mins, axis=1), jnp.concatenate(maxs, axis=1)


def _qd_mm_body(x_ref, w_ref, o_ref):
    x = x_ref[...]
    noise = _rand_noise(x.shape, 12301)
    rmin = jnp.min(x, axis=1, keepdims=True)
    rmax = jnp.max(x, axis=1, keepdims=True)
    dq = _qd_from_stats(x, rmin, rmax, noise)
    o_ref[...] = jnp.dot(dq, w_ref[...], preferred_element_type=jnp.float32)


def _combine_relu_qd_mm_body(zp_ref, w8_ref, o_ref):
    h = jnp.maximum(zp_ref[0] + zp_ref[1], 0.0)
    noise = _rand_noise(h.shape, 12302)
    rmin, rmax = _seg_stats(h, 16)
    dq = _qd_from_stats(h, rmin, rmax, noise)
    o_ref[...] = jnp.dot(dq, w8_ref[...], preferred_element_type=jnp.float32)


def _combine_relu_qd_body(zp_ref, o_ref):
    h = jnp.maximum(zp_ref[0] + zp_ref[1], 0.0)
    noise = _rand_noise(h.shape, 12303)
    rmin, rmax = _seg_stats(h, 16)
    o_ref[...] = _qd_from_stats(h, rmin, rmax, noise)


def _combine_mm_body(zp_ref, w_ref, o_ref):
    z = zp_ref[0] + zp_ref[1]
    ot = jax.lax.dot_general(w_ref[...], z, (((0,), (1,)), ((), ())),
                             preferred_element_type=jnp.float32)
    o_ref[...] = ot[:, :N]


def _qd_mm(x, w):
    return pl.pallas_call(
        _qd_mm_body,
        out_shape=jax.ShapeDtypeStruct((N, H), jnp.float32),
    )(x, w)


def _combine_relu_qd_mm(zp, w8):
    return pl.pallas_call(
        _combine_relu_qd_mm_body,
        out_shape=jax.ShapeDtypeStruct((G, 128), jnp.float32),
    )(zp, w8)


def _combine_relu_qd(zp):
    return pl.pallas_call(
        _combine_relu_qd_body,
        out_shape=jax.ShapeDtypeStruct((G, 128), jnp.float32),
    )(zp)


def _combine_mm(zp, w):
    return pl.pallas_call(
        _combine_mm_body,
        out_shape=jax.ShapeDtypeStruct((C, N), jnp.float32),
    )(zp, w)


def _spmm_sc_kernel(y_hbm, ev_hbm, out_hbm,
                    idx, rows, zbuf, zsh, sem_i, sem_g, sem_a):
    c = lax.axis_index("c")
    s = lax.axis_index("s")
    wid = s * NC + c
    bstart = wid * BPW
    nextra = jnp.where(wid < NEXTRA, 1, 0)

    ci = pltpu.async_copy(ev_hbm.at[pl.ds(bstart, BPW)], idx.at[pl.ds(0, BPW)],
                          sem_i)
    cx = pltpu.async_copy(
        ev_hbm.at[pl.ds(NW * BPW + jnp.minimum(wid, NEXTRA - 1), 1)],
        idx.at[pl.ds(BPW, 1)], sem_i)

    def zfill(i, _):
        zbuf[i, :] = jnp.zeros((L,), jnp.float32)
        return 0
    lax.fori_loop(0, ZROWS, zfill, 0)

    def zcopy(j, _):
        pltpu.sync_copy(zbuf, zsh.at[pl.ds(s * RPT + j * ZROWS, ZROWS)])
        return 0
    lax.fori_loop(0, RPT // ZROWS, zcopy, 0)
    ci.wait()
    cx.wait()
    plsc.subcore_barrier()

    @pl.when(nextra > 0)
    def _():
        pltpu.async_copy(y_hbm.at[idx.at[BPW, 0]], rows.at[0], sem_g).wait()
        pltpu.sync_copy(rows.at[0], zsh.at[idx.at[BPW, 1]], add=True)

    pltpu.async_copy(y_hbm.at[idx.at[0, 0]], rows.at[0], sem_g)
    pltpu.async_copy(y_hbm.at[idx.at[1, 0]], rows.at[1], sem_g)

    def chunk(g, _):
        b = lax.rem(g, 3)
        pltpu.make_async_copy(y_hbm.at[idx.at[g, 0]], rows.at[b], sem_g).wait()

        @pl.when(g + 2 < BPW)
        def _():
            bn = lax.rem(g + 2, 3)

            @pl.when(g >= 1)
            def _():
                pltpu.make_async_copy(y_hbm.at[idx.at[g, 0]], rows.at[bn],
                                      sem_a).wait()
            pltpu.async_copy(y_hbm.at[idx.at[g + 2, 0]], rows.at[bn], sem_g)

        pltpu.async_copy(rows.at[b], zsh.at[idx.at[g, 1]], sem_a, add=True)
        return 0
    lax.fori_loop(0, BPW, chunk, 0)
    pltpu.make_async_copy(y_hbm.at[idx.at[0, 0]], rows.at[0], sem_a).wait()
    pltpu.make_async_copy(y_hbm.at[idx.at[0, 0]], rows.at[0], sem_a).wait()
    pltpu.make_async_copy(y_hbm.at[idx.at[0, 0]], rows.at[0], sem_a).wait()
    plsc.subcore_barrier()

    pltpu.sync_copy(zsh.at[pl.ds(s * RPT, RPT)],
                    out_hbm.at[c].at[pl.ds(s * RPT, RPT)])


def _spmm_sc(y, ev):
    mesh = plsc.VectorSubcoreMesh(core_axis_name="c", subcore_axis_name="s")
    k = functools.partial(
        pl.kernel,
        out_type=jax.ShapeDtypeStruct((NC, NP, L), jnp.float32),
        mesh=mesh,
        scratch_types=[
            pltpu.VMEM((BPW + 1, 2, CH), jnp.int32),
            pltpu.VMEM((3, CH, L), jnp.float32),
            pltpu.VMEM((ZROWS, L), jnp.float32),
            pltpu.VMEM_SHARED((NP, L), jnp.float32),
            pltpu.SemaphoreType.DMA,
            pltpu.SemaphoreType.DMA,
            pltpu.SemaphoreType.DMA,
        ],
        compiler_params=pltpu.CompilerParams(use_tc_tiling_on_sc=False),
    )(_spmm_sc_kernel)
    return k(y, ev)


def kernel(features, edge_index, W1, W2, W3):
    ev = edge_index.reshape(2, NBLK, CH).transpose(1, 0, 2)
    eye8 = jnp.eye(8, dtype=jnp.float32)
    W2g = jnp.kron(eye8, W2)

    y1 = _qd_mm(features, W1)
    z1 = _spmm_sc(y1, ev)
    y2 = _combine_relu_qd_mm(z1.reshape(NC, G, 128), W2g)
    z2 = _spmm_sc(y2.reshape(NP, H), ev)
    y3 = _combine_relu_qd(z2.reshape(NC, G, 128))
    z3 = _spmm_sc(y3.reshape(NP, H), ev)
    outt = _combine_mm(z3, W3)
    return outt.T

# --- scband reference (transcript-rebuilt; emitter-appended) ---
"""Pipeline reference for scband-qgcn-16183436771632 (READ-ONLY COPY).

The authoritative reference and input builder live on the scoring server;
editing this copy changes nothing except your own understanding.
"""

import jax, jax.numpy as jnp
import numpy as np

N = 10000
E = 320000
D = 128
H = 16
C = 40
NBITS = 8


def setup_inputs(seed: int = 0) -> dict:
    key = jax.random.key(seed)
    k1, k2, k3, k4, k5 = jax.random.split(key, 5)
    features = jax.random.normal(k1, (N, D), dtype=jnp.float32)
    edge_index = jax.random.randint(k2, (2, E), 0, N, dtype=jnp.int32)

    def xavier(k, fan_in, fan_out):
        a = float(np.sqrt(6.0 / (fan_in + fan_out)))
        return jax.random.uniform(k, (fan_in, fan_out), dtype=jnp.float32, minval=-a, maxval=a)

    W1 = xavier(k3, D, H)
    W2 = xavier(k4, H, H)
    W3 = xavier(k5, H, C)
    return {"features": features, "edge_index": edge_index, "W1": W1, "W2": W2, "W3": W3}


def _quant_dequant(x, key):
    # quantization(features, nbits=8, is_stochastic=True) followed by dequantization
    rmin = jnp.min(x, axis=1)
    rmax = jnp.max(x, axis=1)
    denom = jnp.maximum(rmax - rmin, 1e-6)  # guard against constant rows (torch code would produce inf/nan)
    rscale = (2 ** NBITS - 1) / denom
    q = (x - rmin[:, None]) * rscale[:, None]
    noise = jax.random.uniform(key, x.shape, dtype=x.dtype) - 0.5
    q = jnp.clip(jnp.round(q + noise), 0.0, float(2 ** NBITS - 1))
    q = q.astype(jnp.uint8).astype(jnp.float32)
    return q / rscale[:, None] + rmin[:, None]


def _spmm(edge_index, feats, num_nodes):
    # z_loc += A @ feats  with binary adjacency given by edge_index (src -> dst)
    src = edge_index[0]
    dst = edge_index[1]
    gathered = jnp.take(feats, src, axis=0)
    return jax.ops.segment_sum(gathered, dst, num_segments=num_nodes)


def _dist_gcn_layer(x, W, edge_index, key):
    # broadcast_fwd (world_size=1): quantize -> dequantize -> spmm, then mm with weight
    dq = _quant_dequant(x, key)
    z = _spmm(edge_index, dq, x.shape[0])
    return z @ W


def reference(features, edge_index, W1, W2, W3):
    kq = jax.random.split(jax.random.key(42), 3)
    h = jax.nn.relu(_dist_gcn_layer(features, W1, edge_index, kq[0]))
    h = jax.nn.relu(_dist_gcn_layer(h, W2, edge_index, kq[1]))
    out = _dist_gcn_layer(h, W3, edge_index, kq[2])
    return out

if __name__ == "__main__":
    import jax
    _d = setup_inputs()
    print(jax.jit(kernel)(*tuple(_d.values())))

</pallas_src>

<mosaic_0001>
#map = affine_map<(d0, d1) -> (0, 0)>
#map1 = affine_map<(d0, d1) -> (0, 0, 0)>
module attributes {stable_mosaic.version = 14 : i64} {
  func.func @_spmm_sc_kernel(%arg0: i32, %arg1: i32, %arg2: memref<10240x16xf32, #tpu.memory_space<hbm>>, %arg3: memref<2500x2x128xi32, #tpu.memory_space<hbm>>, %arg4: memref<2x10240x16xf32, #tpu.memory_space<hbm>>, %arg5: memref<79x2x128xi32, #tpu.memory_space<vmem>>, %arg6: memref<3x128x16xf32, #tpu.memory_space<vmem>>, %arg7: memref<128x16xf32, #tpu.memory_space<vmem>>, %arg8: memref<10240x16xf32, #tpu.memory_space<vmem_shared>>, %arg9: memref<!tpu.dma_semaphore, #tpu.memory_space<semaphore_mem>>, %arg10: memref<!tpu.dma_semaphore, #tpu.memory_space<semaphore_mem>>, %arg11: memref<!tpu.dma_semaphore, #tpu.memory_space<semaphore_mem>>) attributes {dimension_semantics = [#tpu.dimension_semantics<core_parallel>, #tpu.dimension_semantics<subcore_parallel>], iteration_bounds = array<i64: 2, 16>, scalar_prefetch = 0 : i64, scratch_operands = 7 : i64, tpu.core_type = #tpu.core_type<sc_vector_subcore>, window_params = [{transform_indices = #map}, {transform_indices = #map1}, {transform_indices = #map1}]} {
    %mul3A = arith.constant 2 : i32
    %mul3A_0 = arith.muli %arg1, %mul3A : i32
    %add3A = arith.addi %mul3A_0, %arg0 : i32
    %mul3A_1 = arith.constant 78 : i32
    %mul3A_2 = arith.muli %add3A, %mul3A_1 : i32
    %lt3A = arith.constant 4 : i32
    %lt3A_3 = arith.cmpi slt, %add3A, %lt3A : i32
    %jit3A = arith.constant 1 : i32
    %jit3A_4 = arith.constant 0 : i32
    %select_n3A = arith.select %lt3A_3, %jit3A, %jit3A_4 : i32
    %dma_start3A = arith.constant 0 : i32
    %dma_start3A_5 = arith.constant 0 : i32
    %dma_start3A_6 = arith.constant 0 : i32
    %dma_start3A_7 = tpu.memref_slice %arg5[%dma_start3A, %dma_start3A_5, %dma_start3A_6] : memref<79x2x128xi32, #tpu.memory_space<vmem>> -> memref<78x2x128xi32, #tpu.memory_space<vmem>>
    %dma_start3A_8 = arith.constant 0 : i32
    %dma_start3A_9 = arith.constant 0 : i32
    %dma_start3A_10 = tpu.memref_slice %arg3[%mul3A_2, %dma_start3A_8, %dma_start3A_9] : memref<2500x2x128xi32, #tpu.memory_space<hbm>> -> memref<78x2x128xi32, #tpu.memory_space<hbm>>
    %dma_start3A_11 = arith.constant 0 : i32
    %dma_start3A_12 = arith.constant 0 : i32
    %dma_start3A_13 = arith.constant 0 : i32
    %dma_start3A_14 = tpu.memref_slice %arg5[%dma_start3A_11, %dma_start3A_12, %dma_start3A_13] : memref<79x2x128xi32, #tpu.memory_space<vmem>> -> memref<78x2x128xi32, #tpu.memory_space<vmem>>
    %dma_start3A_15 = arith.constant 0 : i32
    %dma_start3A_16 = arith.constant 0 : i32
    %dma_start3A_17 = tpu.memref_slice %arg3[%mul3A_2, %dma_start3A_15, %dma_start3A_16] : memref<2500x2x128xi32, #tpu.memory_space<hbm>> -> memref<78x2x128xi32, #tpu.memory_space<hbm>>
    tpu.enqueue_dma source(%dma_start3A_17 : memref<78x2x128xi32, #tpu.memory_space<hbm>>) target(%dma_start3A_14 : memref<78x2x128xi32, #tpu.memory_space<vmem>>) target_semaphore(%arg9 : memref<!tpu.dma_semaphore, #tpu.memory_space<semaphore_mem>>)
    %min3A = arith.constant 3 : i32
    %min3A_18 = arith.minsi %add3A, %min3A : i32
    %add3A_19 = arith.constant 2496 : i32
    %add3A_20 = arith.addi %add3A_19, %min3A_18 : i32
    %dma_start3A_21 = arith.constant 78 : i32
    %dma_start3A_22 = arith.constant 0 : i32
    %dma_start3A_23 = arith.constant 0 : i32
    %dma_start3A_24 = tpu.memref_slice %arg5[%dma_start3A_21, %dma_start3A_22, %dma_start3A_23] : memref<79x2x128xi32, #tpu.memory_space<vmem>> -> memref<1x2x128xi32, #tpu.memory_space<vmem>>
    %dma_start3A_25 = arith.constant 0 : i32
    %dma_start3A_26 = arith.constant 0 : i32
    %dma_start3A_27 = tpu.memref_slice %arg3[%add3A_20, %dma_start3A_25, %dma_start3A_26] : memref<2500x2x128xi32, #tpu.memory_space<hbm>> -> memref<1x2x128xi32, #tpu.memory_space<hbm>>
    %dma_start3A_28 = arith.constant 78 : i32
    %dma_start3A_29 = arith.constant 0 : i32
    %dma_start3A_30 = arith.constant 0 : i32
    %dma_start3A_31 = tpu.memref_slice %arg5[%dma_start3A_28, %dma_start3A_29, %dma_start3A_30] : memref<79x2x128xi32, #tpu.memory_space<vmem>> -> memref<1x2x128xi32, #tpu.memory_space<vmem>>
    %dma_start3A_32 = arith.constant 0 : i32
    %dma_start3A_33 = arith.constant 0 : i32
    %dma_start3A_34 = tpu.memref_slice %arg3[%add3A_20, %dma_start3A_32, %dma_start3A_33] : memref<2500x2x128xi32, #tpu.memory_space<hbm>> -> memref<1x2x128xi32, #tpu.memory_space<hbm>>
    tpu.enqueue_dma source(%dma_start3A_34 : memref<1x2x128xi32, #tpu.memory_space<hbm>>) target(%dma_start3A_31 : memref<1x2x128xi32, #tpu.memory_space<vmem>>) target_semaphore(%arg9 : memref<!tpu.dma_semaphore, #tpu.memory_space<semaphore_mem>>)
    %scan3A = arith.constant 0 : i32
    %scan3A_35 = arith.constant 0 : i32
    %scan3A_36 = arith.constant 128 : i32
    %scan3A_37 = arith.addi %scan3A_35, %scan3A_36 : i32
    %scan3A_38 = arith.constant 1 : i32
    %scan3A_39 = scf.for %scan3A_154 = %scan3A_35 to %scan3A_37 step %scan3A_38 iter_args(%scan3A_155 = %scan3A) -> (i32)  : i32 {
      %broadcast_in_dim3A = arith.constant 0.000000e+00 : f32
      %broadcast_in_dim3A_156 = vector.broadcast %broadcast_in_dim3A : f32 to vector<16xf32>
      %swap3A = arith.index_cast %scan3A_154 : i32 to index
      %swap3A_157 = arith.constant 0 : index
      %swap3A_158 = tpu.vector_load %arg7[%swap3A, %swap3A_157] {strides = array<i32>} : memref<128x16xf32, #tpu.memory_space<vmem>>, vector<1x16xf32>,
      %swap3A_159 = vector.shape_cast %swap3A_158 : vector<1x16xf32> to vector<16xf32>
      %swap3A_160 = vector.shape_cast %broadcast_in_dim3A_156 : vector<16xf32> to vector<1x16xf32>
      tpu.vector_store %arg7[%swap3A, %swap3A_157], %swap3A_160 {strides = array<i32>} : memref<128x16xf32, #tpu.memory_space<vmem>>, vector<1x16xf32>,
      %scan3A_161 = arith.constant 0 : i32
      scf.yield %scan3A_161 : i32
    }
    %scan3A_40 = arith.constant 128 : i32
    %scan3A_41 = arith.constant 0 : i32
    %scan3A_42 = arith.constant 0 : i32
    %scan3A_43 = arith.constant 5 : i32
    %scan3A_44 = arith.addi %scan3A_42, %scan3A_43 : i32
    %scan3A_45 = arith.constant 1 : i32
    %scan3A_46 = scf.for %scan3A_154 = %scan3A_42 to %scan3A_44 step %scan3A_45 iter_args(%scan3A_155 = %scan3A_41) -> (i32)  : i32 {
      %mul3A_156 = arith.constant 640 : i32
      %mul3A_157 = arith.muli %arg1, %mul3A_156 : i32
      %mul3A_158 = arith.constant 128 : i32
      %mul3A_159 = arith.muli %scan3A_154, %mul3A_158 : i32
      %add3A_160 = arith.addi %mul3A_157, %mul3A_159 : i32
      "tpu.region"() ({
        %run_scoped3A = tpu.sem_alloc : memref<!tpu.dma_semaphore, #tpu.memory_space<semaphore_mem>>
        %dma_start3A_162 = arith.constant 0 : i32
        %dma_start3A_163 = tpu.memref_slice %arg8[%add3A_160, %dma_start3A_162] : memref<10240x16xf32, #tpu.memory_space<vmem_shared>> -> memref<128x16xf32, #tpu.memory_space<vmem_shared>>
        %dma_start3A_164 = arith.constant 0 : i32
        %dma_start3A_165 = tpu.memref_slice %arg8[%add3A_160, %dma_start3A_164] : memref<10240x16xf32, #tpu.memory_space<vmem_shared>> -> memref<128x16xf32, #tpu.memory_space<vmem_shared>>
        tpu.enqueue_dma source(%arg7 : memref<128x16xf32, #tpu.memory_space<vmem>>) target(%dma_start3A_165 : memref<128x16xf32, #tpu.memory_space<vmem_shared>>) target_semaphore(%run_scoped3A : memref<!tpu.dma_semaphore, #tpu.memory_space<semaphore_mem>>)
        %dma_wait3A_166 = arith.constant 0 : i32
        %dma_wait3A_167 = tpu.memref_slice %arg8[%add3A_160, %dma_wait3A_166] : memref<10240x16xf32, #tpu.memory_space<vmem_shared>> -> memref<128x16xf32, #tpu.memory_space<vmem_shared>>
        %dma_wait3A_168 = arith.constant 0 : i32
        %dma_wait3A_169 = tpu.memref_slice %arg8[%add3A_160, %dma_wait3A_168] : memref<10240x16xf32, #tpu.memory_space<vmem_shared>> -> memref<128x16xf32, #tpu.memory_space<vmem_shared>>
        tpu.wait_dma2 semaphore(%run_scoped3A : memref<!tpu.dma_semaphore, #tpu.memory_space<semaphore_mem>>) src(%arg7 : memref<128x16xf32, #tpu.memory_space<vmem>>) dst(%dma_wait3A_169 : memref<128x16xf32, #tpu.memory_space<vmem_shared>>)
        tpu.yield
      }) : () -> ()
      %scan3A_161 = arith.constant 0 : i32
      scf.yield %scan3A_161 : i32
    }
    %scan3A_47 = arith.constant 5 : i32
    %dma_wait3A = arith.constant 0 : i32
    %dma_wait3A_48 = arith.constant 0 : i32
    %dma_wait3A_49 = arith.constant 0 : i32
    %dma_wait3A_50 = tpu.memref_slice %arg5[%dma_wait3A, %dma_wait3A_48, %dma_wait3A_49] : memref<79x2x128xi32, #tpu.memory_space<vmem>> -> memref<78x2x128xi32, #tpu.memory_space<vmem>>
    %dma_wait3A_51 = arith.constant 0 : i32
    %dma_wait3A_52 = arith.constant 0 : i32
    %dma_wait3A_53 = tpu.memref_slice %arg3[%mul3A_2, %dma_wait3A_51, %dma_wait3A_52] : memref<2500x2x128xi32, #tpu.memory_space<hbm>> -> memref<78x2x128xi32, #tpu.memory_space<hbm>>
    %dma_wait3A_54 = arith.constant 0 : i32
    %dma_wait3A_55 = arith.constant 0 : i32
    %dma_wait3A_56 = arith.constant 0 : i32
    %dma_wait3A_57 = tpu.memref_slice %arg5[%dma_wait3A_54, %dma_wait3A_55, %dma_wait3A_56] : memref<79x2x128xi32, #tpu.memory_space<vmem>> -> memref<78x2x128xi32, #tpu.memory_space<vmem>>
    %dma_wait3A_58 = arith.constant 0 : i32
    %dma_wait3A_59 = arith.constant 0 : i32
    %dma_wait3A_60 = tpu.memref_slice %arg3[%mul3A_2, %dma_wait3A_58, %dma_wait3A_59] : memref<2500x2x128xi32, #tpu.memory_space<hbm>> -> memref<78x2x128xi32, #tpu.memory_space<hbm>>
    tpu.wait_dma2 semaphore(%arg9 : memref<!tpu.dma_semaphore, #tpu.memory_space<semaphore_mem>>) src(%dma_wait3A_60 : memref<78x2x128xi32, #tpu.memory_space<hbm>>) dst(%dma_wait3A_57 : memref<78x2x128xi32, #tpu.memory_space<vmem>>)
    %dma_wait3A_61 = arith.constant 78 : i32
    %dma_wait3A_62 = arith.constant 0 : i32
    %dma_wait3A_63 = arith.constant 0 : i32
    %dma_wait3A_64 = tpu.memref_slice %arg5[%dma_wait3A_61, %dma_wait3A_62, %dma_wait3A_63] : memref<79x2x128xi32, #tpu.memory_space<vmem>> -> memref<1x2x128xi32, #tpu.memory_space<vmem>>
    %dma_wait3A_65 = arith.constant 0 : i32
    %dma_wait3A_66 = arith.constant 0 : i32
    %dma_wait3A_67 = tpu.memref_slice %arg3[%add3A_20, %dma_wait3A_65, %dma_wait3A_66] : memref<2500x2x128xi32, #tpu.memory_space<hbm>> -> memref<1x2x128xi32, #tpu.memory_space<hbm>>
    %dma_wait3A_68 = arith.constant 78 : i32
    %dma_wait3A_69 = arith.constant 0 : i32
    %dma_wait3A_70 = arith.constant 0 : i32
    %dma_wait3A_71 = tpu.memref_slice %arg5[%dma_wait3A_68, %dma_wait3A_69, %dma_wait3A_70] : memref<79x2x128xi32, #tpu.memory_space<vmem>> -> memref<1x2x128xi32, #tpu.memory_space<vmem>>
    %dma_wait3A_72 = arith.constant 0 : i32
    %dma_wait3A_73 = arith.constant 0 : i32
    %dma_wait3A_74 = tpu.memref_slice %arg3[%add3A_20, %dma_wait3A_72, %dma_wait3A_73] : memref<2500x2x128xi32, #tpu.memory_space<hbm>> -> memref<1x2x128xi32, #tpu.memory_space<hbm>>
    tpu.wait_dma2 semaphore(%arg9 : memref<!tpu.dma_semaphore, #tpu.memory_space<semaphore_mem>>) src(%dma_wait3A_74 : memref<1x2x128xi32, #tpu.memory_space<hbm>>) dst(%dma_wait3A_71 : memref<1x2x128xi32, #tpu.memory_space<vmem>>)
    %barrier3A = arith.constant 0 : index
    tpu.barrier barrier_id(%barrier3A)
    %gt3A = arith.constant 0 : i32
    %gt3A_75 = arith.cmpi sgt, %select_n3A, %gt3A : i32
    %convert_element_type3A = arith.extui %gt3A_75 : i1 to i32
    %cond3A = arith.constant 0 : i32
    %cond3A_76 = arith.cmpi ne, %convert_element_type3A, %cond3A : i32
    scf.if %cond3A_76 {
      %dma_start3A_154 = arith.constant 78 : i32
      %dma_start3A_155 = arith.constant 0 : i32
      %dma_start3A_156 = arith.constant 0 : i32
      %dma_start3A_157 = arith.constant 0 : i32
      %dma_start3A_158 = arith.constant 0 : i32
      %dma_start3A_159 = tpu.memref_slice %arg6[%dma_start3A_156, %dma_start3A_157, %dma_start3A_158] : memref<3x128x16xf32, #tpu.memory_space<vmem>> -> memref<1x128x16xf32, #tpu.memory_space<vmem>>
      %dma_start3A_160 = tpu.memref_squeeze %dma_start3A_159 : memref<1x128x16xf32, #tpu.memory_space<vmem>> -> memref<128x16xf32, #tpu.memory_space<vmem>>
      %dma_start3A_161 = arith.constant 0 : i32
      %dma_start3A_162 = tpu.memref_slice %arg5[%dma_start3A_154, %dma_start3A_155, %dma_start3A_161] : memref<79x2x128xi32, #tpu.memory_space<vmem>> -> memref<1x1x128xi32, #tpu.memory_space<vmem>>
      %dma_start3A_163 = tpu.memref_squeeze %dma_start3A_162 : memref<1x1x128xi32, #tpu.memory_space<vmem>> -> memref<128xi32, #tpu.memory_space<vmem>>
      %dma_start3A_164 = arith.constant 0 : i32
      %dma_start3A_165 = arith.constant 0 : i32
      %dma_start3A_166 = tpu.memref_slice %arg2[%dma_start3A_164, %dma_start3A_165] : memref<10240x16xf32, #tpu.memory_space<hbm>> -> memref<10240x16xf32, #tpu.memory_space<hbm>>
      tpu.enqueue_indirect_dma source(%dma_start3A_166 : memref<10240x16xf32, #tpu.memory_space<hbm>>) target(%dma_start3A_160 : memref<128x16xf32, #tpu.memory_space<vmem>>) offsets(%dma_start3A_163 : memref<128xi32, #tpu.memory_space<vmem>>) semaphore(%arg10 : memref<!tpu.dma_semaphore, #tpu.memory_space<semaphore_mem>>)
      %dma_wait3A_167 = arith.constant 78 : i32
      %dma_wait3A_168 = arith.constant 0 : i32
      %dma_wait3A_169 = arith.constant 0 : i32
      %dma_wait3A_170 = arith.constant 0 : i32
      %dma_wait3A_171 = arith.constant 0 : i32
      %dma_wait3A_172 = tpu.memref_slice %arg6[%dma_wait3A_169, %dma_wait3A_170, %dma_wait3A_171] : memref<3x128x16xf32, #tpu.memory_space<vmem>> -> memref<1x128x16xf32, #tpu.memory_space<vmem>>
      %dma_wait3A_173 = tpu.memref_squeeze %dma_wait3A_172 : memref<1x128x16xf32, #tpu.memory_space<vmem>> -> memref<128x16xf32, #tpu.memory_space<vmem>>
      %dma_wait3A_174 = arith.constant 0 : i32
      %dma_wait3A_175 = tpu.memref_slice %arg5[%dma_wait3A_167, %dma_wait3A_168, %dma_wait3A_174] : memref<79x2x128xi32, #tpu.memory_space<vmem>> -> memref<1x1x128xi32, #tpu.memory_space<vmem>>
      %dma_wait3A_176 = tpu.memref_squeeze %dma_wait3A_175 : memref<1x1x128xi32, #tpu.memory_space<vmem>> -> memref<128xi32, #tpu.memory_space<vmem>>
      %dma_wait3A_177 = arith.constant 0 : i32
      %dma_wait3A_178 = arith.constant 0 : i32
      %dma_wait3A_179 = tpu.memref_slice %arg2[%dma_wait3A_177, %dma_wait3A_178] : memref<10240x16xf32, #tpu.memory_space<hbm>> -> memref<10240x16xf32, #tpu.memory_space<hbm>>
      tpu.wait_indirect_dma semaphore(%arg10 : memref<!tpu.dma_semaphore, #tpu.memory_space<semaphore_mem>>) src(%dma_wait3A_179 : memref<10240x16xf32, #tpu.memory_space<hbm>>) dst(%dma_wait3A_173 : memref<128x16xf32, #tpu.memory_space<vmem>>)
      %run_scoped3A = arith.constant 0 : i32
      %run_scoped3A_180 = arith.constant 78 : i32
      %run_scoped3A_181 = arith.constant 1 : i32
      "tpu.region"() ({
        %run_scoped3A_182 = tpu.sem_alloc : memref<!tpu.dma_semaphore, #tpu.memory_space<semaphore_mem>>
        %dma_start3A_183 = arith.constant 0 : i32
        %dma_start3A_184 = arith.constant 0 : i32
        %dma_start3A_185 = tpu.memref_slice %arg6[%run_scoped3A, %dma_start3A_183, %dma_start3A_184] : memref<3x128x16xf32, #tpu.memory_space<vmem>> -> memref<1x128x16xf32, #tpu.memory_space<vmem>>
        %dma_start3A_186 = tpu.memref_squeeze %dma_start3A_185 : memref<1x128x16xf32, #tpu.memory_space<vmem>> -> memref<128x16xf32, #tpu.memory_space<vmem>>
        %dma_start3A_187 = arith.constant 0 : i32
        %dma_start3A_188 = tpu.memref_slice %arg5[%run_scoped3A_180, %run_scoped3A_181, %dma_start3A_187] : memref<79x2x128xi32, #tpu.memory_space<vmem>> -> memref<1x1x128xi32, #tpu.memory_space<vmem>>
        %dma_start3A_189 = tpu.memref_squeeze %dma_start3A_188 : memref<1x1x128xi32, #tpu.memory_space<vmem>> -> memref<128xi32, #tpu.memory_space<vmem>>
        %dma_start3A_190 = arith.constant 0 : i32
        %dma_start3A_191 = arith.constant 0 : i32
        %dma_start3A_192 = tpu.memref_slice %arg8[%dma_start3A_190, %dma_start3A_191] : memref<10240x16xf32, #tpu.memory_space<vmem_shared>> -> memref<10240x16xf32, #tpu.memory_space<vmem_shared>>
        tpu.enqueue_indirect_dma source(%dma_start3A_186 : memref<128x16xf32, #tpu.memory_space<vmem>>) target(%dma_start3A_192 : memref<10240x16xf32, #tpu.memory_space<vmem_shared>>) offsets(%dma_start3A_189 : memref<128xi32, #tpu.memory_space<vmem>>) semaphore(%run_scoped3A_182 : memref<!tpu.dma_semaphore, #tpu.memory_space<semaphore_mem>>) {add = true}
        %dma_wait3A_193 = arith.constant 0 : i32
        %dma_wait3A_194 = arith.constant 0 : i32
        %dma_wait3A_195 = tpu.memref_slice %arg6[%run_scoped3A, %dma_wait3A_193, %dma_wait3A_194] : memref<3x128x16xf32, #tpu.memory_space<vmem>> -> memref<1x128x16xf32, #tpu.memory_space<vmem>>
        %dma_wait3A_196 = tpu.memref_squeeze %dma_wait3A_195 : memref<1x128x16xf32, #tpu.memory_space<vmem>> -> memref<128x16xf32, #tpu.memory_space<vmem>>
        %dma_wait3A_197 = arith.constant 0 : i32
        %dma_wait3A_198 = tpu.memref_slice %arg5[%run_scoped3A_180, %run_scoped3A_181, %dma_wait3A_197] : memref<79x2x128xi32, #tpu.memory_space<vmem>> -> memref<1x1x128xi32, #tpu.memory_space<vmem>>
        %dma_wait3A_199 = tpu.memref_squeeze %dma_wait3A_198 : memref<1x1x128xi32, #tpu.memory_space<vmem>> -> memref<128xi32, #tpu.memory_space<vmem>>
        %dma_wait3A_200 = arith.constant 0 : i32
        %dma_wait3A_201 = arith.constant 0 : i32
        %dma_wait3A_202 = tpu.memref_slice %arg8[%dma_wait3A_200, %dma_wait3A_201] : memref<10240x16xf32, #tpu.memory_space<vmem_shared>> -> memref<10240x16xf32, #tpu.memory_space<vmem_shared>>
        tpu.wait_indirect_dma semaphore(%run_scoped3A_182 : memref<!tpu.dma_semaphore, #tpu.memory_space<semaphore_mem>>) src(%dma_wait3A_196 : memref<128x16xf32, #tpu.memory_space<vmem>>) dst(%dma_wait3A_202 : memref<10240x16xf32, #tpu.memory_space<vmem_shared>>)
        tpu.yield
      }) : () -> ()
    } else {
    }
    %dma_start3A_77 = arith.constant 0 : i32
    %dma_start3A_78 = arith.constant 0 : i32
    %dma_start3A_79 = arith.constant 0 : i32
    %dma_start3A_80 = arith.constant 0 : i32
    %dma_start3A_81 = arith.constant 0 : i32
    %dma_start3A_82 = tpu.memref_slice %arg6[%dma_start3A_79, %dma_start3A_80, %dma_start3A_81] : memref<3x128x16xf32, #tpu.memory_space<vmem>> -> memref<1x128x16xf32, #tpu.memory_space<vmem>>
    %dma_start3A_83 = tpu.memref_squeeze %dma_start3A_82 : memref<1x128x16xf32, #tpu.memory_space<vmem>> -> memref<128x16xf32, #tpu.memory_space<vmem>>
    %dma_start3A_84 = arith.constant 0 : i32
    %dma_start3A_85 = tpu.memref_slice %arg5[%dma_start3A_77, %dma_start3A_78, %dma_start3A_84] : memref<79x2x128xi32, #tpu.memory_space<vmem>> -> memref<1x1x128xi32, #tpu.memory_space<vmem>>
    %dma_start3A_86 = tpu.memref_squeeze %dma_start3A_85 : memref<1x1x128xi32, #tpu.memory_space<vmem>> -> memref<128xi32, #tpu.memory_space<vmem>>
    %dma_start3A_87 = arith.constant 0 : i32
    %dma_start3A_88 = arith.constant 0 : i32
    %dma_start3A_89 = tpu.memref_slice %arg2[%dma_start3A_87, %dma_start3A_88] : memref<10240x16xf32, #tpu.memory_space<hbm>> -> memref<10240x16xf32, #tpu.memory_space<hbm>>
    tpu.enqueue_indirect_dma source(%dma_start3A_89 : memref<10240x16xf32, #tpu.memory_space<hbm>>) target(%dma_start3A_83 : memref<128x16xf32, #tpu.memory_space<vmem>>) offsets(%dma_start3A_86 : memref<128xi32, #tpu.memory_space<vmem>>) semaphore(%arg10 : memref<!tpu.dma_semaphore, #tpu.memory_space<semaphore_mem>>)
    %dma_start3A_90 = arith.constant 1 : i32
    %dma_start3A_91 = arith.constant 0 : i32
    %dma_start3A_92 = arith.constant 1 : i32
    %dma_start3A_93 = arith.constant 0 : i32
    %dma_start3A_94 = arith.constant 0 : i32
    %dma_start3A_95 = tpu.memref_slice %arg6[%dma_start3A_92, %dma_start3A_93, %dma_start3A_94] : memref<3x128x16xf32, #tpu.memory_space<vmem>> -> memref<1x128x16xf32, #tpu.memory_space<vmem>>
    %dma_start3A_96 = tpu.memref_squeeze %dma_start3A_95 : memref<1x128x16xf32, #tpu.memory_space<vmem>> -> memref<128x16xf32, #tpu.memory_space<vmem>>
    %dma_start3A_97 = arith.constant 0 : i32
    %dma_start3A_98 = tpu.memref_slice %arg5[%dma_start3A_90, %dma_start3A_91, %dma_start3A_97] : memref<79x2x128xi32, #tpu.memory_space<vmem>> -> memref<1x1x128xi32, #tpu.memory_space<vmem>>
    %dma_start3A_99 = tpu.memref_squeeze %dma_start3A_98 : memref<1x1x128xi32, #tpu.memory_space<vmem>> -> memref<128xi32, #tpu.memory_space<vmem>>
    %dma_start3A_100 = arith.constant 0 : i32
    %dma_start3A_101 = arith.constant 0 : i32
    %dma_start3A_102 = tpu.memref_slice %arg2[%dma_start3A_100, %dma_start3A_101] : memref<10240x16xf32, #tpu.memory_space<hbm>> -> memref<10240x16xf32, #tpu.memory_space<hbm>>
    tpu.enqueue_indirect_dma source(%dma_start3A_102 : memref<10240x16xf32, #tpu.memory_space<hbm>>) target(%dma_start3A_96 : memref<128x16xf32, #tpu.memory_space<vmem>>) offsets(%dma_start3A_99 : memref<128xi32, #tpu.memory_space<vmem>>) semaphore(%arg10 : memref<!tpu.dma_semaphore, #tpu.memory_space<semaphore_mem>>)
    %scan3A_103 = arith.constant 0 : i32
    %scan3A_104 = arith.constant 0 : i32
    %scan3A_105 = arith.constant 78 : i32
    %scan3A_106 = arith.addi %scan3A_104, %scan3A_105 : i32
    %scan3A_107 = arith.constant 1 : i32
    %scan3A_108 = scf.for %scan3A_154 = %scan3A_104 to %scan3A_106 step %scan3A_107 iter_args(%scan3A_155 = %scan3A_103) -> (i32)  : i32 {
      %rem3A = arith.constant 3 : i32
      %rem3A_156 = arith.remsi %scan3A_154, %rem3A : i32
      %dma_wait3A_157 = arith.constant 0 : i32
      %dma_wait3A_158 = arith.constant 0 : i32
      %dma_wait3A_159 = arith.constant 0 : i32
      %dma_wait3A_160 = tpu.memref_slice %arg6[%rem3A_156, %dma_wait3A_158, %dma_wait3A_159] : memref<3x128x16xf32, #tpu.memory_space<vmem>> -> memref<1x128x16xf32, #tpu.memory_space<vmem>>
      %dma_wait3A_161 = tpu.memref_squeeze %dma_wait3A_160 : memref<1x128x16xf32, #tpu.memory_space<vmem>> -> memref<128x16xf32, #tpu.memory_space<vmem>>
      %dma_wait3A_162 = arith.constant 0 : i32
      %dma_wait3A_163 = tpu.memref_slice %arg5[%scan3A_154, %dma_wait3A_157, %dma_wait3A_162] : memref<79x2x128xi32, #tpu.memory_space<vmem>> -> memref<1x1x128xi32, #tpu.memory_space<vmem>>
      %dma_wait3A_164 = tpu.memref_squeeze %dma_wait3A_163 : memref<1x1x128xi32, #tpu.memory_space<vmem>> -> memref<128xi32, #tpu.memory_space<vmem>>
      %dma_wait3A_165 = arith.constant 0 : i32
      %dma_wait3A_166 = arith.constant 0 : i32
      %dma_wait3A_167 = tpu.memref_slice %arg2[%dma_wait3A_165, %dma_wait3A_166] : memref<10240x16xf32, #tpu.memory_space<hbm>> -> memref<10240x16xf32, #tpu.memory_space<hbm>>
      tpu.wait_indirect_dma semaphore(%arg10 : memref<!tpu.dma_semaphore, #tpu.memory_space<semaphore_mem>>) src(%dma_wait3A_167 : memref<10240x16xf32, #tpu.memory_space<hbm>>) dst(%dma_wait3A_161 : memref<128x16xf32, #tpu.memory_space<vmem>>)
      %add3A_168 = arith.constant 2 : i32
      %add3A_169 = arith.addi %scan3A_154, %add3A_168 : i32
      %lt3A_170 = arith.constant 78 : i32
      %lt3A_171 = arith.cmpi slt, %add3A_169, %lt3A_170 : i32
      %convert_element_type3A_172 = arith.extui %lt3A_171 : i1 to i32
      %cond3A_173 = arith.constant 0 : i32
      %cond3A_174 = arith.cmpi ne, %convert_element_type3A_172, %cond3A_173 : i32
      scf.if %cond3A_174 {
        %add3A_187 = arith.constant 2 : i32
        %add3A_188 = arith.addi %scan3A_154, %add3A_187 : i32
        %rem3A_189 = arith.constant 3 : i32
        %rem3A_190 = arith.remsi %add3A_188, %rem3A_189 : i32
        %ge3A = arith.constant 1 : i32
        %ge3A_191 = arith.cmpi sge, %scan3A_154, %ge3A : i32
        %convert_element_type3A_192 = arith.extui %ge3A_191 : i1 to i32
        %cond3A_193 = arith.constant 0 : i32
        %cond3A_194 = arith.cmpi ne, %convert_element_type3A_192, %cond3A_193 : i32
        scf.if %cond3A_194 {
          %dma_wait3A_208 = arith.constant 0 : i32
          %dma_wait3A_209 = arith.constant 0 : i32
          %dma_wait3A_210 = arith.constant 0 : i32
          %dma_wait3A_211 = tpu.memref_slice %arg6[%rem3A_190, %dma_wait3A_209, %dma_wait3A_210] : memref<3x128x16xf32, #tpu.memory_space<vmem>> -> memref<1x128x16xf32, #tpu.memory_space<vmem>>
          %dma_wait3A_212 = tpu.memref_squeeze %dma_wait3A_211 : memref<1x128x16xf32, #tpu.memory_space<vmem>> -> memref<128x16xf32, #tpu.memory_space<vmem>>
          %dma_wait3A_213 = arith.constant 0 : i32
          %dma_wait3A_214 = tpu.memref_slice %arg5[%scan3A_154, %dma_wait3A_208, %dma_wait3A_213] : memref<79x2x128xi32, #tpu.memory_space<vmem>> -> memref<1x1x128xi32, #tpu.memory_space<vmem>>
          %dma_wait3A_215 = tpu.memref_squeeze %dma_wait3A_214 : memref<1x1x128xi32, #tpu.memory_space<vmem>> -> memref<128xi32, #tpu.memory_space<vmem>>
          %dma_wait3A_216 = arith.constant 0 : i32
          %dma_wait3A_217 = arith.constant 0 : i32
          %dma_wait3A_218 = tpu.memref_slice %arg2[%dma_wait3A_216, %dma_wait3A_217] : memref<10240x16xf32, #tpu.memory_space<hbm>> -> memref<10240x16xf32, #tpu.memory_space<hbm>>
          tpu.wait_indirect_dma semaphore(%arg11 : memref<!tpu.dma_semaphore, #tpu.memory_space<semaphore_mem>>) src(%dma_wait3A_218 : memref<10240x16xf32, #tpu.memory_space<hbm>>) dst(%dma_wait3A_212 : memref<128x16xf32, #tpu.memory_space<vmem>>)
        } else {
        }
        %add3A_195 = arith.constant 2 : i32
        %add3A_196 = arith.addi %scan3A_154, %add3A_195 : i32
        %dma_start3A_197 = arith.constant 0 : i32
        %dma_start3A_198 = arith.constant 0 : i32
        %dma_start3A_199 = arith.constant 0 : i32
        %dma_start3A_200 = tpu.memref_slice %arg6[%rem3A_190, %dma_start3A_198, %dma_start3A_199] : memref<3x128x16xf32, #tpu.memory_space<vmem>> -> memref<1x128x16xf32, #tpu.memory_space<vmem>>
        %dma_start3A_201 = tpu.memref_squeeze %dma_start3A_200 : memref<1x128x16xf32, #tpu.memory_space<vmem>> -> memref<128x16xf32, #tpu.memory_space<vmem>>
        %dma_start3A_202 = arith.constant 0 : i32
        %dma_start3A_203 = tpu.memref_slice %arg5[%add3A_196, %dma_start3A_197, %dma_start3A_202] : memref<79x2x128xi32, #tpu.memory_space<vmem>> -> memref<1x1x128xi32, #tpu.memory_space<vmem>>
        %dma_start3A_204 = tpu.memref_squeeze %dma_start3A_203 : memref<1x1x128xi32, #tpu.memory_space<vmem>> -> memref<128xi32, #tpu.memory_space<vmem>>
        %dma_start3A_205 = arith.constant 0 : i32
        %dma_start3A_206 = arith.constant 0 : i32
        %dma_start3A_207 = tpu.memref_slice %arg2[%dma_start3A_205, %dma_start3A_206] : memref<10240x16xf32, #tpu.memory_space<hbm>> -> memref<10240x16xf32, #tpu.memory_space<hbm>>
        tpu.enqueue_indirect_dma source(%dma_start3A_207 : memref<10240x16xf32, #tpu.memory_space<hbm>>) target(%dma_start3A_201 : memref<128x16xf32, #tpu.memory_space<vmem>>) offsets(%dma_start3A_204 : memref<128xi32, #tpu.memory_space<vmem>>) semaphore(%arg10 : memref<!tpu.dma_semaphore, #tpu.memory_space<semaphore_mem>>)
      } else {
      }
      %dma_start3A_175 = arith.constant 1 : i32
      %dma_start3A_176 = arith.constant 0 : i32
      %dma_start3A_177 = arith.constant 0 : i32
      %dma_start3A_178 = tpu.memref_slice %arg6[%rem3A_156, %dma_start3A_176, %dma_start3A_177] : memref<3x128x16xf32, #tpu.memory_space<vmem>> -> memref<1x128x16xf32, #tpu.memory_space<vmem>>
      %dma_start3A_179 = tpu.memref_squeeze %dma_start3A_178 : memref<1x128x16xf32, #tpu.memory_space<vmem>> -> memref<128x16xf32, #tpu.memory_space<vmem>>
      %dma_start3A_180 = arith.constant 0 : i32
      %dma_start3A_181 = tpu.memref_slice %arg5[%scan3A_154, %dma_start3A_175, %dma_start3A_180] : memref<79x2x128xi32, #tpu.memory_space<vmem>> -> memref<1x1x128xi32, #tpu.memory_space<vmem>>
      %dma_start3A_182 = tpu.memref_squeeze %dma_start3A_181 : memref<1x1x128xi32, #tpu.memory_space<vmem>> -> memref<128xi32, #tpu.memory_space<vmem>>
      %dma_start3A_183 = arith.constant 0 : i32
      %dma_start3A_184 = arith.constant 0 : i32
      %dma_start3A_185 = tpu.memref_slice %arg8[%dma_start3A_183, %dma_start3A_184] : memref<10240x16xf32, #tpu.memory_space<vmem_shared>> -> memref<10240x16xf32, #tpu.memory_space<vmem_shared>>
      tpu.enqueue_indirect_dma source(%dma_start3A_179 : memref<128x16xf32, #tpu.memory_space<vmem>>) target(%dma_start3A_185 : memref<10240x16xf32, #tpu.memory_space<vmem_shared>>) offsets(%dma_start3A_182 : memref<128xi32, #tpu.memory_space<vmem>>) semaphore(%arg11 : memref<!tpu.dma_semaphore, #tpu.memory_space<semaphore_mem>>) {add = true}
      %scan3A_186 = arith.constant 0 : i32
      scf.yield %scan3A_186 : i32
    }
    %scan3A_109 = arith.constant 78 : i32
    %dma_wait3A_110 = arith.constant 0 : i32
    %dma_wait3A_111 = arith.constant 0 : i32
    %dma_wait3A_112 = arith.constant 0 : i32
    %dma_wait3A_113 = arith.constant 0 : i32
    %dma_wait3A_114 = arith.constant 0 : i32
    %dma_wait3A_115 = tpu.memref_slice %arg6[%dma_wait3A_112, %dma_wait3A_113, %dma_wait3A_114] : memref<3x128x16xf32, #tpu.memory_space<vmem>> -> memref<1x128x16xf32, #tpu.memory_space<vmem>>
    %dma_wait3A_116 = tpu.memref_squeeze %dma_wait3A_115 : memref<1x128x16xf32, #tpu.memory_space<vmem>> -> memref<128x16xf32, #tpu.memory_space<vmem>>
    %dma_wait3A_117 = arith.constant 0 : i32
    %dma_wait3A_118 = tpu.memref_slice %arg5[%dma_wait3A_110, %dma_wait3A_111, %dma_wait3A_117] : memref<79x2x128xi32, #tpu.memory_space<vmem>> -> memref<1x1x128xi32, #tpu.memory_space<vmem>>
    %dma_wait3A_119 = tpu.memref_squeeze %dma_wait3A_118 : memref<1x1x128xi32, #tpu.memory_space<vmem>> -> memref<128xi32, #tpu.memory_space<vmem>>
    %dma_wait3A_120 = arith.constant 0 : i32
    %dma_wait3A_121 = arith.constant 0 : i32
    %dma_wait3A_122 = tpu.memref_slice %arg2[%dma_wait3A_120, %dma_wait3A_121] : memref<10240x16xf32, #tpu.memory_space<hbm>> -> memref<10240x16xf32, #tpu.memory_space<hbm>>
    tpu.wait_indirect_dma semaphore(%arg11 : memref<!tpu.dma_semaphore, #tpu.memory_space<semaphore_mem>>) src(%dma_wait3A_122 : memref<10240x16xf32, #tpu.memory_space<hbm>>) dst(%dma_wait3A_116 : memref<128x16xf32, #tpu.memory_space<vmem>>)
    %dma_wait3A_123 = arith.constant 0 : i32
    %dma_wait3A_124 = arith.constant 0 : i32
    %dma_wait3A_125 = arith.constant 0 : i32
    %dma_wait3A_126 = arith.constant 0 : i32
    %dma_wait3A_127 = arith.constant 0 : i32
    %dma_wait3A_128 = tpu.memref_slice %arg6[%dma_wait3A_125, %dma_wait3A_126, %dma_wait3A_127] : memref<3x128x16xf32, #tpu.memory_space<vmem>> -> memref<1x128x16xf32, #tpu.memory_space<vmem>>
    %dma_wait3A_129 = tpu.memref_squeeze %dma_wait3A_128 : memref<1x128x16xf32, #tpu.memory_space<vmem>> -> memref<128x16xf32, #tpu.memory_space<vmem>>
    %dma_wait3A_130 = arith.constant 0 : i32
    %dma_wait3A_131 = tpu.memref_slice %arg5[%dma_wait3A_123, %dma_wait3A_124, %dma_wait3A_130] : memref<79x2x128xi32, #tpu.memory_space<vmem>> -> memref<1x1x128xi32, #tpu.memory_space<vmem>>
    %dma_wait3A_132 = tpu.memref_squeeze %dma_wait3A_131 : memref<1x1x128xi32, #tpu.memory_space<vmem>> -> memref<128xi32, #tpu.memory_space<vmem>>
    %dma_wait3A_133 = arith.constant 0 : i32
    %dma_wait3A_134 = arith.constant 0 : i32
    %dma_wait3A_135 = tpu.memref_slice %arg2[%dma_wait3A_133, %dma_wait3A_134] : memref<10240x16xf32, #tpu.memory_space<hbm>> -> memref<10240x16xf32, #tpu.memory_space<hbm>>
    tpu.wait_indirect_dma semaphore(%arg11 : memref<!tpu.dma_semaphore, #tpu.memory_space<semaphore_mem>>) src(%dma_wait3A_135 : memref<10240x16xf32, #tpu.memory_space<hbm>>) dst(%dma_wait3A_129 : memref<128x16xf32, #tpu.memory_space<vmem>>)
    %dma_wait3A_136 = arith.constant 0 : i32
    %dma_wait3A_137 = arith.constant 0 : i32
    %dma_wait3A_138 = arith.constant 0 : i32
    %dma_wait3A_139 = arith.constant 0 : i32
    %dma_wait3A_140 = arith.constant 0 : i32
    %dma_wait3A_141 = tpu.memref_slice %arg6[%dma_wait3A_138, %dma_wait3A_139, %dma_wait3A_140] : memref<3x128x16xf32, #tpu.memory_space<vmem>> -> memref<1x128x16xf32, #tpu.memory_space<vmem>>
    %dma_wait3A_142 = tpu.memref_squeeze %dma_wait3A_141 : memref<1x128x16xf32, #tpu.memory_space<vmem>> -> memref<128x16xf32, #tpu.memory_space<vmem>>
    %dma_wait3A_143 = arith.constant 0 : i32
    %dma_wait3A_144 = tpu.memref_slice %arg5[%dma_wait3A_136, %dma_wait3A_137, %dma_wait3A_143] : memref<79x2x128xi32, #tpu.memory_space<vmem>> -> memref<1x1x128xi32, #tpu.memory_space<vmem>>
    %dma_wait3A_145 = tpu.memref_squeeze %dma_wait3A_144 : memref<1x1x128xi32, #tpu.memory_space<vmem>> -> memref<128xi32, #tpu.memory_space<vmem>>
    %dma_wait3A_146 = arith.constant 0 : i32
    %dma_wait3A_147 = arith.constant 0 : i32
    %dma_wait3A_148 = tpu.memref_slice %arg2[%dma_wait3A_146, %dma_wait3A_147] : memref<10240x16xf32, #tpu.memory_space<hbm>> -> memref<10240x16xf32, #tpu.memory_space<hbm>>
    tpu.wait_indirect_dma semaphore(%arg11 : memref<!tpu.dma_semaphore, #tpu.memory_space<semaphore_mem>>) src(%dma_wait3A_148 : memref<10240x16xf32, #tpu.memory_space<hbm>>) dst(%dma_wait3A_142 : memref<128x16xf32, #tpu.memory_space<vmem>>)
    %barrier3A_149 = arith.constant 0 : index
    tpu.barrier barrier_id(%barrier3A_149)
    %mul3A_150 = arith.constant 640 : i32
    %mul3A_151 = arith.muli %arg1, %mul3A_150 : i32
    %mul3A_152 = arith.constant 640 : i32
    %mul3A_153 = arith.muli %arg1, %mul3A_152 : i32
    "tpu.region"() ({
      %run_scoped3A = tpu.sem_alloc : memref<!tpu.dma_semaphore, #tpu.memory_space<semaphore_mem>>
      %dma_start3A_154 = arith.constant 0 : i32
      %dma_start3A_155 = arith.constant 0 : i32
      %dma_start3A_156 = tpu.memref_slice %arg4[%arg0, %dma_start3A_154, %dma_start3A_155] : memref<2x10240x16xf32, #tpu.memory_space<hbm>> -> memref<1x10240x16xf32, #tpu.memory_space<hbm>>
      %dma_start3A_157 = tpu.memref_squeeze %dma_start3A_156 : memref<1x10240x16xf32, #tpu.memory_space<hbm>> -> memref<10240x16xf32, #tpu.memory_space<hbm>>
      %dma_start3A_158 = arith.constant 0 : i32
      %dma_start3A_159 = tpu.memref_slice %dma_start3A_157[%mul3A_153, %dma_start3A_158] : memref<10240x16xf32, #tpu.memory_space<hbm>> -> memref<640x16xf32, #tpu.memory_space<hbm>>
      %dma_start3A_160 = arith.constant 0 : i32
      %dma_start3A_161 = tpu.memref_slice %arg8[%mul3A_151, %dma_start3A_160] : memref<10240x16xf32, #tpu.memory_space<vmem_shared>> -> memref<640x16xf32, #tpu.memory_space<vmem_shared>>
      tpu.enqueue_dma source(%dma_start3A_161 : memref<640x16xf32, #tpu.memory_space<vmem_shared>>) target(%dma_start3A_159 : memref<640x16xf32, #tpu.memory_space<hbm>>) target_semaphore(%run_scoped3A : memref<!tpu.dma_semaphore, #tpu.memory_space<semaphore_mem>>)
      %dma_wait3A_162 = arith.constant 0 : i32
      %dma_wait3A_163 = arith.constant 0 : i32
      %dma_wait3A_164 = tpu.memref_slice %arg4[%arg0, %dma_wait3A_162, %dma_wait3A_163] : memref<2x10240x16xf32, #tpu.memory_space<hbm>> -> memref<1x10240x16xf32, #tpu.memory_space<hbm>>
      %dma_wait3A_165 = tpu.memref_squeeze %dma_wait3A_164 : memref<1x10240x16xf32, #tpu.memory_space<hbm>> -> memref<10240x16xf32, #tpu.memory_space<hbm>>
      %dma_wait3A_166 = arith.constant 0 : i32
      %dma_wait3A_167 = tpu.memref_slice %dma_wait3A_165[%mul3A_153, %dma_wait3A_166] : memref<10240x16xf32, #tpu.memory_space<hbm>> -> memref<640x16xf32, #tpu.memory_space<hbm>>
      %dma_wait3A_168 = arith.constant 0 : i32
      %dma_wait3A_169 = tpu.memref_slice %arg8[%mul3A_151, %dma_wait3A_168] : memref<10240x16xf32, #tpu.memory_space<vmem_shared>> -> memref<640x16xf32, #tpu.memory_space<vmem_shared>>
      tpu.wait_dma2 semaphore(%run_scoped3A : memref<!tpu.dma_semaphore, #tpu.memory_space<semaphore_mem>>) src(%dma_wait3A_169 : memref<640x16xf32, #tpu.memory_space<vmem_shared>>) dst(%dma_wait3A_167 : memref<640x16xf32, #tpu.memory_space<hbm>>)
      tpu.yield
    }) : () -> ()
    return
  }
}

#map = affine_map<(d0, d1) -> (0, 0)>
#map1 = affine_map<(d0, d1) -> (0, 0, 0)>
module attributes {stable_mosaic.version = 14 : i64} {
  func.func @_spmm_sc_kernel(%arg0: i32, %arg1: i32, %arg2: memref<10000x16xf32, #tpu.memory_space<hbm>>, %arg3: memref<2500x2x128xi32, #tpu.memory_space<hbm>>, %arg4: memref<2x10240x16xf32, #tpu.memory_space<hbm>>, %arg5: memref<79x2x128xi32, #tpu.memory_space<vmem>>, %arg6: memref<3x128x16xf32, #tpu.memory_space<vmem>>, %arg7: memref<128x16xf32, #tpu.memory_space<vmem>>, %arg8: memref<10240x16xf32, #tpu.memory_space<vmem_shared>>, %arg9: memref<!tpu.dma_semaphore, #tpu.memory_space<semaphore_mem>>, %arg10: memref<!tpu.dma_semaphore, #tpu.memory_space<semaphore_mem>>, %arg11: memref<!tpu.dma_semaphore, #tpu.memory_space<semaphore_mem>>) attributes {dimension_semantics = [#tpu.dimension_semantics<core_parallel>, #tpu.dimension_semantics<subcore_parallel>], iteration_bounds = array<i64: 2, 16>, scalar_prefetch = 0 : i64, scratch_operands = 7 : i64, tpu.core_type = #tpu.core_type<sc_vector_subcore>, window_params = [{transform_indices = #map}, {transform_indices = #map1}, {transform_indices = #map1}]} {
    %mul3A = arith.constant 2 : i32
    %mul3A_0 = arith.muli %arg1, %mul3A : i32
    %add3A = arith.addi %mul3A_0, %arg0 : i32
    %mul3A_1 = arith.constant 78 : i32
    %mul3A_2 = arith.muli %add3A, %mul3A_1 : i32
    %lt3A = arith.constant 4 : i32
    %lt3A_3 = arith.cmpi slt, %add3A, %lt3A : i32
    %jit3A = arith.constant 1 : i32
    %jit3A_4 = arith.constant 0 : i32
    %select_n3A = arith.select %lt3A_3, %jit3A, %jit3A_4 : i32
    %dma_start3A = arith.constant 0 : i32
    %dma_start3A_5 = arith.constant 0 : i32
    %dma_start3A_6 = arith.constant 0 : i32
    %dma_start3A_7 = tpu.memref_slice %arg5[%dma_start3A, %dma_start3A_5, %dma_start3A_6] : memref<79x2x128xi32, #tpu.memory_space<vmem>> -> memref<78x2x128xi32, #tpu.memory_space<vmem>>
    %dma_start3A_8 = arith.constant 0 : i32
    %dma_start3A_9 = arith.constant 0 : i32
    %dma_start3A_10 = tpu.memref_slice %arg3[%mul3A_2, %dma_start3A_8, %dma_start3A_9] : memref<2500x2x128xi32, #tpu.memory_space<hbm>> -> memref<78x2x128xi32, #tpu.memory_space<hbm>>
    %dma_start3A_11 = arith.constant 0 : i32
    %dma_start3A_12 = arith.constant 0 : i32
    %dma_start3A_13 = arith.constant 0 : i32
    %dma_start3A_14 = tpu.memref_slice %arg5[%dma_start3A_11, %dma_start3A_12, %dma_start3A_13] : memref<79x2x128xi32, #tpu.memory_space<vmem>> -> memref<78x2x128xi32, #tpu.memory_space<vmem>>
    %dma_start3A_15 = arith.constant 0 : i32
    %dma_start3A_16 = arith.constant 0 : i32
    %dma_start3A_17 = tpu.memref_slice %arg3[%mul3A_2, %dma_start3A_15, %dma_start3A_16] : memref<2500x2x128xi32, #tpu.memory_space<hbm>> -> memref<78x2x128xi32, #tpu.memory_space<hbm>>
    tpu.enqueue_dma source(%dma_start3A_17 : memref<78x2x128xi32, #tpu.memory_space<hbm>>) target(%dma_start3A_14 : memref<78x2x128xi32, #tpu.memory_space<vmem>>) target_semaphore(%arg9 : memref<!tpu.dma_semaphore, #tpu.memory_space<semaphore_mem>>)
    %min3A = arith.constant 3 : i32
    %min3A_18 = arith.minsi %add3A, %min3A : i32
    %add3A_19 = arith.constant 2496 : i32
    %add3A_20 = arith.addi %add3A_19, %min3A_18 : i32
    %dma_start3A_21 = arith.constant 78 : i32
    %dma_start3A_22 = arith.constant 0 : i32
    %dma_start3A_23 = arith.constant 0 : i32
    %dma_start3A_24 = tpu.memref_slice %arg5[%dma_start3A_21, %dma_start3A_22, %dma_start3A_23] : memref<79x2x128xi32, #tpu.memory_space<vmem>> -> memref<1x2x128xi32, #tpu.memory_space<vmem>>
    %dma_start3A_25 = arith.constant 0 : i32
    %dma_start3A_26 = arith.constant 0 : i32
    %dma_start3A_27 = tpu.memref_slice %arg3[%add3A_20, %dma_start3A_25, %dma_start3A_26] : memref<2500x2x128xi32, #tpu.memory_space<hbm>> -> memref<1x2x128xi32, #tpu.memory_space<hbm>>
    %dma_start3A_28 = arith.constant 78 : i32
    %dma_start3A_29 = arith.constant 0 : i32
    %dma_start3A_30 = arith.constant 0 : i32
    %dma_start3A_31 = tpu.memref_slice %arg5[%dma_start3A_28, %dma_start3A_29, %dma_start3A_30] : memref<79x2x128xi32, #tpu.memory_space<vmem>> -> memref<1x2x128xi32, #tpu.memory_space<vmem>>
    %dma_start3A_32 = arith.constant 0 : i32
    %dma_start3A_33 = arith.constant 0 : i32
    %dma_start3A_34 = tpu.memref_slice %arg3[%add3A_20, %dma_start3A_32, %dma_start3A_33] : memref<2500x2x128xi32, #tpu.memory_space<hbm>> -> memref<1x2x128xi32, #tpu.memory_space<hbm>>
    tpu.enqueue_dma source(%dma_start3A_34 : memref<1x2x128xi32, #tpu.memory_space<hbm>>) target(%dma_start3A_31 : memref<1x2x128xi32, #tpu.memory_space<vmem>>) target_semaphore(%arg9 : memref<!tpu.dma_semaphore, #tpu.memory_space<semaphore_mem>>)
    %scan3A = arith.constant 0 : i32
    %scan3A_35 = arith.constant 0 : i32
    %scan3A_36 = arith.constant 128 : i32
    %scan3A_37 = arith.addi %scan3A_35, %scan3A_36 : i32
    %scan3A_38 = arith.constant 1 : i32
    %scan3A_39 = scf.for %scan3A_154 = %scan3A_35 to %scan3A_37 step %scan3A_38 iter_args(%scan3A_155 = %scan3A) -> (i32)  : i32 {
      %broadcast_in_dim3A = arith.constant 0.000000e+00 : f32
      %broadcast_in_dim3A_156 = vector.broadcast %broadcast_in_dim3A : f32 to vector<16xf32>
      %swap3A = arith.index_cast %scan3A_154 : i32 to index
      %swap3A_157 = arith.constant 0 : index
      %swap3A_158 = tpu.vector_load %arg7[%swap3A, %swap3A_157] {strides = array<i32>} : memref<128x16xf32, #tpu.memory_space<vmem>>, vector<1x16xf32>,
      %swap3A_159 = vector.shape_cast %swap3A_158 : vector<1x16xf32> to vector<16xf32>
      %swap3A_160 = vector.shape_cast %broadcast_in_dim3A_156 : vector<16xf32> to vector<1x16xf32>
      tpu.vector_store %arg7[%swap3A, %swap3A_157], %swap3A_160 {strides = array<i32>} : memref<128x16xf32, #tpu.memory_space<vmem>>, vector<1x16xf32>,
      %scan3A_161 = arith.constant 0 : i32
      scf.yield %scan3A_161 : i32
    }
    %scan3A_40 = arith.constant 128 : i32
    %scan3A_41 = arith.constant 0 : i32
    %scan3A_42 = arith.constant 0 : i32
    %scan3A_43 = arith.constant 5 : i32
    %scan3A_44 = arith.addi %scan3A_42, %scan3A_43 : i32
    %scan3A_45 = arith.constant 1 : i32
    %scan3A_46 = scf.for %scan3A_154 = %scan3A_42 to %scan3A_44 step %scan3A_45 iter_args(%scan3A_155 = %scan3A_41) -> (i32)  : i32 {
      %mul3A_156 = arith.constant 640 : i32
      %mul3A_157 = arith.muli %arg1, %mul3A_156 : i32
      %mul3A_158 = arith.constant 128 : i32
      %mul3A_159 = arith.muli %scan3A_154, %mul3A_158 : i32
      %add3A_160 = arith.addi %mul3A_157, %mul3A_159 : i32
      "tpu.region"() ({
        %run_scoped3A = tpu.sem_alloc : memref<!tpu.dma_semaphore, #tpu.memory_space<semaphore_mem>>
        %dma_start3A_162 = arith.constant 0 : i32
        %dma_start3A_163 = tpu.memref_slice %arg8[%add3A_160, %dma_start3A_162] : memref<10240x16xf32, #tpu.memory_space<vmem_shared>> -> memref<128x16xf32, #tpu.memory_space<vmem_shared>>
        %dma_start3A_164 = arith.constant 0 : i32
        %dma_start3A_165 = tpu.memref_slice %arg8[%add3A_160, %dma_start3A_164] : memref<10240x16xf32, #tpu.memory_space<vmem_shared>> -> memref<128x16xf32, #tpu.memory_space<vmem_shared>>
        tpu.enqueue_dma source(%arg7 : memref<128x16xf32, #tpu.memory_space<vmem>>) target(%dma_start3A_165 : memref<128x16xf32, #tpu.memory_space<vmem_shared>>) target_semaphore(%run_scoped3A : memref<!tpu.dma_semaphore, #tpu.memory_space<semaphore_mem>>)
        %dma_wait3A_166 = arith.constant 0 : i32
        %dma_wait3A_167 = tpu.memref_slice %arg8[%add3A_160, %dma_wait3A_166] : memref<10240x16xf32, #tpu.memory_space<vmem_shared>> -> memref<128x16xf32, #tpu.memory_space<vmem_shared>>
        %dma_wait3A_168 = arith.constant 0 : i32
        %dma_wait3A_169 = tpu.memref_slice %arg8[%add3A_160, %dma_wait3A_168] : memref<10240x16xf32, #tpu.memory_space<vmem_shared>> -> memref<128x16xf32, #tpu.memory_space<vmem_shared>>
        tpu.wait_dma2 semaphore(%run_scoped3A : memref<!tpu.dma_semaphore, #tpu.memory_space<semaphore_mem>>) src(%arg7 : memref<128x16xf32, #tpu.memory_space<vmem>>) dst(%dma_wait3A_169 : memref<128x16xf32, #tpu.memory_space<vmem_shared>>)
        tpu.yield
      }) : () -> ()
      %scan3A_161 = arith.constant 0 : i32
      scf.yield %scan3A_161 : i32
    }
    %scan3A_47 = arith.constant 5 : i32
    %dma_wait3A = arith.constant 0 : i32
    %dma_wait3A_48 = arith.constant 0 : i32
    %dma_wait3A_49 = arith.constant 0 : i32
    %dma_wait3A_50 = tpu.memref_slice %arg5[%dma_wait3A, %dma_wait3A_48, %dma_wait3A_49] : memref<79x2x128xi32, #tpu.memory_space<vmem>> -> memref<78x2x128xi32, #tpu.memory_space<vmem>>
    %dma_wait3A_51 = arith.constant 0 : i32
    %dma_wait3A_52 = arith.constant 0 : i32
    %dma_wait3A_53 = tpu.memref_slice %arg3[%mul3A_2, %dma_wait3A_51, %dma_wait3A_52] : memref<2500x2x128xi32, #tpu.memory_space<hbm>> -> memref<78x2x128xi32, #tpu.memory_space<hbm>>
    %dma_wait3A_54 = arith.constant 0 : i32
    %dma_wait3A_55 = arith.constant 0 : i32
    %dma_wait3A_56 = arith.constant 0 : i32
    %dma_wait3A_57 = tpu.memref_slice %arg5[%dma_wait3A_54, %dma_wait3A_55, %dma_wait3A_56] : memref<79x2x128xi32, #tpu.memory_space<vmem>> -> memref<78x2x128xi32, #tpu.memory_space<vmem>>
    %dma_wait3A_58 = arith.constant 0 : i32
    %dma_wait3A_59 = arith.constant 0 : i32
    %dma_wait3A_60 = tpu.memref_slice %arg3[%mul3A_2, %dma_wait3A_58, %dma_wait3A_59] : memref<2500x2x128xi32, #tpu.memory_space<hbm>> -> memref<78x2x128xi32, #tpu.memory_space<hbm>>
    tpu.wait_dma2 semaphore(%arg9 : memref<!tpu.dma_semaphore, #tpu.memory_space<semaphore_mem>>) src(%dma_wait3A_60 : memref<78x2x128xi32, #tpu.memory_space<hbm>>) dst(%dma_wait3A_57 : memref<78x2x128xi32, #tpu.memory_space<vmem>>)
    %dma_wait3A_61 = arith.constant 78 : i32
    %dma_wait3A_62 = arith.constant 0 : i32
    %dma_wait3A_63 = arith.constant 0 : i32
    %dma_wait3A_64 = tpu.memref_slice %arg5[%dma_wait3A_61, %dma_wait3A_62, %dma_wait3A_63] : memref<79x2x128xi32, #tpu.memory_space<vmem>> -> memref<1x2x128xi32, #tpu.memory_space<vmem>>
    %dma_wait3A_65 = arith.constant 0 : i32
    %dma_wait3A_66 = arith.constant 0 : i32
    %dma_wait3A_67 = tpu.memref_slice %arg3[%add3A_20, %dma_wait3A_65, %dma_wait3A_66] : memref<2500x2x128xi32, #tpu.memory_space<hbm>> -> memref<1x2x128xi32, #tpu.memory_space<hbm>>
    %dma_wait3A_68 = arith.constant 78 : i32
    %dma_wait3A_69 = arith.constant 0 : i32
    %dma_wait3A_70 = arith.constant 0 : i32
    %dma_wait3A_71 = tpu.memref_slice %arg5[%dma_wait3A_68, %dma_wait3A_69, %dma_wait3A_70] : memref<79x2x128xi32, #tpu.memory_space<vmem>> -> memref<1x2x128xi32, #tpu.memory_space<vmem>>
    %dma_wait3A_72 = arith.constant 0 : i32
    %dma_wait3A_73 = arith.constant 0 : i32
    %dma_wait3A_74 = tpu.memref_slice %arg3[%add3A_20, %dma_wait3A_72, %dma_wait3A_73] : memref<2500x2x128xi32, #tpu.memory_space<hbm>> -> memref<1x2x128xi32, #tpu.memory_space<hbm>>
    tpu.wait_dma2 semaphore(%arg9 : memref<!tpu.dma_semaphore, #tpu.memory_space<semaphore_mem>>) src(%dma_wait3A_74 : memref<1x2x128xi32, #tpu.memory_space<hbm>>) dst(%dma_wait3A_71 : memref<1x2x128xi32, #tpu.memory_space<vmem>>)
    %barrier3A = arith.constant 0 : index
    tpu.barrier barrier_id(%barrier3A)
    %gt3A = arith.constant 0 : i32
    %gt3A_75 = arith.cmpi sgt, %select_n3A, %gt3A : i32
    %convert_element_type3A = arith.extui %gt3A_75 : i1 to i32
    %cond3A = arith.constant 0 : i32
    %cond3A_76 = arith.cmpi ne, %convert_element_type3A, %cond3A : i32
    scf.if %cond3A_76 {
      %dma_start3A_154 = arith.constant 78 : i32
      %dma_start3A_155 = arith.constant 0 : i32
      %dma_start3A_156 = arith.constant 0 : i32
      %dma_start3A_157 = arith.constant 0 : i32
      %dma_start3A_158 = arith.constant 0 : i32
      %dma_start3A_159 = tpu.memref_slice %arg6[%dma_start3A_156, %dma_start3A_157, %dma_start3A_158] : memref<3x128x16xf32, #tpu.memory_space<vmem>> -> memref<1x128x16xf32, #tpu.memory_space<vmem>>
      %dma_start3A_160 = tpu.memref_squeeze %dma_start3A_159 : memref<1x128x16xf32, #tpu.memory_space<vmem>> -> memref<128x16xf32, #tpu.memory_space<vmem>>
      %dma_start3A_161 = arith.constant 0 : i32
      %dma_start3A_162 = tpu.memref_slice %arg5[%dma_start3A_154, %dma_start3A_155, %dma_start3A_161] : memref<79x2x128xi32, #tpu.memory_space<vmem>> -> memref<1x1x128xi32, #tpu.memory_space<vmem>>
      %dma_start3A_163 = tpu.memref_squeeze %dma_start3A_162 : memref<1x1x128xi32, #tpu.memory_space<vmem>> -> memref<128xi32, #tpu.memory_space<vmem>>
      %dma_start3A_164 = arith.constant 0 : i32
      %dma_start3A_165 = arith.constant 0 : i32
      %dma_start3A_166 = tpu.memref_slice %arg2[%dma_start3A_164, %dma_start3A_165] : memref<10000x16xf32, #tpu.memory_space<hbm>> -> memref<10000x16xf32, #tpu.memory_space<hbm>>
      tpu.enqueue_indirect_dma source(%dma_start3A_166 : memref<10000x16xf32, #tpu.memory_space<hbm>>) target(%dma_start3A_160 : memref<128x16xf32, #tpu.memory_space<vmem>>) offsets(%dma_start3A_163 : memref<128xi32, #tpu.memory_space<vmem>>) semaphore(%arg10 : memref<!tpu.dma_semaphore, #tpu.memory_space<semaphore_mem>>)
      %dma_wait3A_167 = arith.constant 78 : i32
      %dma_wait3A_168 = arith.constant 0 : i32
      %dma_wait3A_169 = arith.constant 0 : i32
      %dma_wait3A_170 = arith.constant 0 : i32
      %dma_wait3A_171 = arith.constant 0 : i32
      %dma_wait3A_172 = tpu.memref_slice %arg6[%dma_wait3A_169, %dma_wait3A_170, %dma_wait3A_171] : memref<3x128x16xf32, #tpu.memory_space<vmem>> -> memref<1x128x16xf32, #tpu.memory_space<vmem>>
      %dma_wait3A_173 = tpu.memref_squeeze %dma_wait3A_172 : memref<1x128x16xf32, #tpu.memory_space<vmem>> -> memref<128x16xf32, #tpu.memory_space<vmem>>
      %dma_wait3A_174 = arith.constant 0 : i32
      %dma_wait3A_175 = tpu.memref_slice %arg5[%dma_wait3A_167, %dma_wait3A_168, %dma_wait3A_174] : memref<79x2x128xi32, #tpu.memory_space<vmem>> -> memref<1x1x128xi32, #tpu.memory_space<vmem>>
      %dma_wait3A_176 = tpu.memref_squeeze %dma_wait3A_175 : memref<1x1x128xi32, #tpu.memory_space<vmem>> -> memref<128xi32, #tpu.memory_space<vmem>>
      %dma_wait3A_177 = arith.constant 0 : i32
      %dma_wait3A_178 = arith.constant 0 : i32
      %dma_wait3A_179 = tpu.memref_slice %arg2[%dma_wait3A_177, %dma_wait3A_178] : memref<10000x16xf32, #tpu.memory_space<hbm>> -> memref<10000x16xf32, #tpu.memory_space<hbm>>
      tpu.wait_indirect_dma semaphore(%arg10 : memref<!tpu.dma_semaphore, #tpu.memory_space<semaphore_mem>>) src(%dma_wait3A_179 : memref<10000x16xf32, #tpu.memory_space<hbm>>) dst(%dma_wait3A_173 : memref<128x16xf32, #tpu.memory_space<vmem>>)
      %run_scoped3A = arith.constant 0 : i32
      %run_scoped3A_180 = arith.constant 78 : i32
      %run_scoped3A_181 = arith.constant 1 : i32
      "tpu.region"() ({
        %run_scoped3A_182 = tpu.sem_alloc : memref<!tpu.dma_semaphore, #tpu.memory_space<semaphore_mem>>
        %dma_start3A_183 = arith.constant 0 : i32
        %dma_start3A_184 = arith.constant 0 : i32
        %dma_start3A_185 = tpu.memref_slice %arg6[%run_scoped3A, %dma_start3A_183, %dma_start3A_184] : memref<3x128x16xf32, #tpu.memory_space<vmem>> -> memref<1x128x16xf32, #tpu.memory_space<vmem>>
        %dma_start3A_186 = tpu.memref_squeeze %dma_start3A_185 : memref<1x128x16xf32, #tpu.memory_space<vmem>> -> memref<128x16xf32, #tpu.memory_space<vmem>>
        %dma_start3A_187 = arith.constant 0 : i32
        %dma_start3A_188 = tpu.memref_slice %arg5[%run_scoped3A_180, %run_scoped3A_181, %dma_start3A_187] : memref<79x2x128xi32, #tpu.memory_space<vmem>> -> memref<1x1x128xi32, #tpu.memory_space<vmem>>
        %dma_start3A_189 = tpu.memref_squeeze %dma_start3A_188 : memref<1x1x128xi32, #tpu.memory_space<vmem>> -> memref<128xi32, #tpu.memory_space<vmem>>
        %dma_start3A_190 = arith.constant 0 : i32
        %dma_start3A_191 = arith.constant 0 : i32
        %dma_start3A_192 = tpu.memref_slice %arg8[%dma_start3A_190, %dma_start3A_191] : memref<10240x16xf32, #tpu.memory_space<vmem_shared>> -> memref<10240x16xf32, #tpu.memory_space<vmem_shared>>
        tpu.enqueue_indirect_dma source(%dma_start3A_186 : memref<128x16xf32, #tpu.memory_space<vmem>>) target(%dma_start3A_192 : memref<10240x16xf32, #tpu.memory_space<vmem_shared>>) offsets(%dma_start3A_189 : memref<128xi32, #tpu.memory_space<vmem>>) semaphore(%run_scoped3A_182 : memref<!tpu.dma_semaphore, #tpu.memory_space<semaphore_mem>>) {add = true}
        %dma_wait3A_193 = arith.constant 0 : i32
        %dma_wait3A_194 = arith.constant 0 : i32
        %dma_wait3A_195 = tpu.memref_slice %arg6[%run_scoped3A, %dma_wait3A_193, %dma_wait3A_194] : memref<3x128x16xf32, #tpu.memory_space<vmem>> -> memref<1x128x16xf32, #tpu.memory_space<vmem>>
        %dma_wait3A_196 = tpu.memref_squeeze %dma_wait3A_195 : memref<1x128x16xf32, #tpu.memory_space<vmem>> -> memref<128x16xf32, #tpu.memory_space<vmem>>
        %dma_wait3A_197 = arith.constant 0 : i32
        %dma_wait3A_198 = tpu.memref_slice %arg5[%run_scoped3A_180, %run_scoped3A_181, %dma_wait3A_197] : memref<79x2x128xi32, #tpu.memory_space<vmem>> -> memref<1x1x128xi32, #tpu.memory_space<vmem>>
        %dma_wait3A_199 = tpu.memref_squeeze %dma_wait3A_198 : memref<1x1x128xi32, #tpu.memory_space<vmem>> -> memref<128xi32, #tpu.memory_space<vmem>>
        %dma_wait3A_200 = arith.constant 0 : i32
        %dma_wait3A_201 = arith.constant 0 : i32
        %dma_wait3A_202 = tpu.memref_slice %arg8[%dma_wait3A_200, %dma_wait3A_201] : memref<10240x16xf32, #tpu.memory_space<vmem_shared>> -> memref<10240x16xf32, #tpu.memory_space<vmem_shared>>
        tpu.wait_indirect_dma semaphore(%run_scoped3A_182 : memref<!tpu.dma_semaphore, #tpu.memory_space<semaphore_mem>>) src(%dma_wait3A_196 : memref<128x16xf32, #tpu.memory_space<vmem>>) dst(%dma_wait3A_202 : memref<10240x16xf32, #tpu.memory_space<vmem_shared>>)
        tpu.yield
      }) : () -> ()
    } else {
    }
    %dma_start3A_77 = arith.constant 0 : i32
    %dma_start3A_78 = arith.constant 0 : i32
    %dma_start3A_79 = arith.constant 0 : i32
    %dma_start3A_80 = arith.constant 0 : i32
    %dma_start3A_81 = arith.constant 0 : i32
    %dma_start3A_82 = tpu.memref_slice %arg6[%dma_start3A_79, %dma_start3A_80, %dma_start3A_81] : memref<3x128x16xf32, #tpu.memory_space<vmem>> -> memref<1x128x16xf32, #tpu.memory_space<vmem>>
    %dma_start3A_83 = tpu.memref_squeeze %dma_start3A_82 : memref<1x128x16xf32, #tpu.memory_space<vmem>> -> memref<128x16xf32, #tpu.memory_space<vmem>>
    %dma_start3A_84 = arith.constant 0 : i32
    %dma_start3A_85 = tpu.memref_slice %arg5[%dma_start3A_77, %dma_start3A_78, %dma_start3A_84] : memref<79x2x128xi32, #tpu.memory_space<vmem>> -> memref<1x1x128xi32, #tpu.memory_space<vmem>>
    %dma_start3A_86 = tpu.memref_squeeze %dma_start3A_85 : memref<1x1x128xi32, #tpu.memory_space<vmem>> -> memref<128xi32, #tpu.memory_space<vmem>>
    %dma_start3A_87 = arith.constant 0 : i32
    %dma_start3A_88 = arith.constant 0 : i32
    %dma_start3A_89 = tpu.memref_slice %arg2[%dma_start3A_87, %dma_start3A_88] : memref<10000x16xf32, #tpu.memory_space<hbm>> -> memref<10000x16xf32, #tpu.memory_space<hbm>>
    tpu.enqueue_indirect_dma source(%dma_start3A_89 : memref<10000x16xf32, #tpu.memory_space<hbm>>) target(%dma_start3A_83 : memref<128x16xf32, #tpu.memory_space<vmem>>) offsets(%dma_start3A_86 : memref<128xi32, #tpu.memory_space<vmem>>) semaphore(%arg10 : memref<!tpu.dma_semaphore, #tpu.memory_space<semaphore_mem>>)
    %dma_start3A_90 = arith.constant 1 : i32
    %dma_start3A_91 = arith.constant 0 : i32
    %dma_start3A_92 = arith.constant 1 : i32
    %dma_start3A_93 = arith.constant 0 : i32
    %dma_start3A_94 = arith.constant 0 : i32
    %dma_start3A_95 = tpu.memref_slice %arg6[%dma_start3A_92, %dma_start3A_93, %dma_start3A_94] : memref<3x128x16xf32, #tpu.memory_space<vmem>> -> memref<1x128x16xf32, #tpu.memory_space<vmem>>
    %dma_start3A_96 = tpu.memref_squeeze %dma_start3A_95 : memref<1x128x16xf32, #tpu.memory_space<vmem>> -> memref<128x16xf32, #tpu.memory_space<vmem>>
    %dma_start3A_97 = arith.constant 0 : i32
    %dma_start3A_98 = tpu.memref_slice %arg5[%dma_start3A_90, %dma_start3A_91, %dma_start3A_97] : memref<79x2x128xi32, #tpu.memory_space<vmem>> -> memref<1x1x128xi32, #tpu.memory_space<vmem>>
    %dma_start3A_99 = tpu.memref_squeeze %dma_start3A_98 : memref<1x1x128xi32, #tpu.memory_space<vmem>> -> memref<128xi32, #tpu.memory_space<vmem>>
    %dma_start3A_100 = arith.constant 0 : i32
    %dma_start3A_101 = arith.constant 0 : i32
    %dma_start3A_102 = tpu.memref_slice %arg2[%dma_start3A_100, %dma_start3A_101] : memref<10000x16xf32, #tpu.memory_space<hbm>> -> memref<10000x16xf32, #tpu.memory_space<hbm>>
    tpu.enqueue_indirect_dma source(%dma_start3A_102 : memref<10000x16xf32, #tpu.memory_space<hbm>>) target(%dma_start3A_96 : memref<128x16xf32, #tpu.memory_space<vmem>>) offsets(%dma_start3A_99 : memref<128xi32, #tpu.memory_space<vmem>>) semaphore(%arg10 : memref<!tpu.dma_semaphore, #tpu.memory_space<semaphore_mem>>)
    %scan3A_103 = arith.constant 0 : i32
    %scan3A_104 = arith.constant 0 : i32
    %scan3A_105 = arith.constant 78 : i32
    %scan3A_106 = arith.addi %scan3A_104, %scan3A_105 : i32
    %scan3A_107 = arith.constant 1 : i32
    %scan3A_108 = scf.for %scan3A_154 = %scan3A_104 to %scan3A_106 step %scan3A_107 iter_args(%scan3A_155 = %scan3A_103) -> (i32)  : i32 {
      %rem3A = arith.constant 3 : i32
      %rem3A_156 = arith.remsi %scan3A_154, %rem3A : i32
      %dma_wait3A_157 = arith.constant 0 : i32
      %dma_wait3A_158 = arith.constant 0 : i32
      %dma_wait3A_159 = arith.constant 0 : i32
      %dma_wait3A_160 = tpu.memref_slice %arg6[%rem3A_156, %dma_wait3A_158, %dma_wait3A_159] : memref<3x128x16xf32, #tpu.memory_space<vmem>> -> memref<1x128x16xf32, #tpu.memory_space<vmem>>
      %dma_wait3A_161 = tpu.memref_squeeze %dma_wait3A_160 : memref<1x128x16xf32, #tpu.memory_space<vmem>> -> memref<128x16xf32, #tpu.memory_space<vmem>>
      %dma_wait3A_162 = arith.constant 0 : i32
      %dma_wait3A_163 = tpu.memref_slice %arg5[%scan3A_154, %dma_wait3A_157, %dma_wait3A_162] : memref<79x2x128xi32, #tpu.memory_space<vmem>> -> memref<1x1x128xi32, #tpu.memory_space<vmem>>
      %dma_wait3A_164 = tpu.memref_squeeze %dma_wait3A_163 : memref<1x1x128xi32, #tpu.memory_space<vmem>> -> memref<128xi32, #tpu.memory_space<vmem>>
      %dma_wait3A_165 = arith.constant 0 : i32
      %dma_wait3A_166 = arith.constant 0 : i32
      %dma_wait3A_167 = tpu.memref_slice %arg2[%dma_wait3A_165, %dma_wait3A_166] : memref<10000x16xf32, #tpu.memory_space<hbm>> -> memref<10000x16xf32, #tpu.memory_space<hbm>>
      tpu.wait_indirect_dma semaphore(%arg10 : memref<!tpu.dma_semaphore, #tpu.memory_space<semaphore_mem>>) src(%dma_wait3A_167 : memref<10000x16xf32, #tpu.memory_space<hbm>>) dst(%dma_wait3A_161 : memref<128x16xf32, #tpu.memory_space<vmem>>)
      %add3A_168 = arith.constant 2 : i32
      %add3A_169 = arith.addi %scan3A_154, %add3A_168 : i32
      %lt3A_170 = arith.constant 78 : i32
      %lt3A_171 = arith.cmpi slt, %add3A_169, %lt3A_170 : i32
      %convert_element_type3A_172 = arith.extui %lt3A_171 : i1 to i32
      %cond3A_173 = arith.constant 0 : i32
      %cond3A_174 = arith.cmpi ne, %convert_element_type3A_172, %cond3A_173 : i32
      scf.if %cond3A_174 {
        %add3A_187 = arith.constant 2 : i32
        %add3A_188 = arith.addi %scan3A_154, %add3A_187 : i32
        %rem3A_189 = arith.constant 3 : i32
        %rem3A_190 = arith.remsi %add3A_188, %rem3A_189 : i32
        %ge3A = arith.constant 1 : i32
        %ge3A_191 = arith.cmpi sge, %scan3A_154, %ge3A : i32
        %convert_element_type3A_192 = arith.extui %ge3A_191 : i1 to i32
        %cond3A_193 = arith.constant 0 : i32
        %cond3A_194 = arith.cmpi ne, %convert_element_type3A_192, %cond3A_193 : i32
        scf.if %cond3A_194 {
          %dma_wait3A_208 = arith.constant 0 : i32
          %dma_wait3A_209 = arith.constant 0 : i32
          %dma_wait3A_210 = arith.constant 0 : i32
          %dma_wait3A_211 = tpu.memref_slice %arg6[%rem3A_190, %dma_wait3A_209, %dma_wait3A_210] : memref<3x128x16xf32, #tpu.memory_space<vmem>> -> memref<1x128x16xf32, #tpu.memory_space<vmem>>
          %dma_wait3A_212 = tpu.memref_squeeze %dma_wait3A_211 : memref<1x128x16xf32, #tpu.memory_space<vmem>> -> memref<128x16xf32, #tpu.memory_space<vmem>>
          %dma_wait3A_213 = arith.constant 0 : i32
          %dma_wait3A_214 = tpu.memref_slice %arg5[%scan3A_154, %dma_wait3A_208, %dma_wait3A_213] : memref<79x2x128xi32, #tpu.memory_space<vmem>> -> memref<1x1x128xi32, #tpu.memory_space<vmem>>
          %dma_wait3A_215 = tpu.memref_squeeze %dma_wait3A_214 : memref<1x1x128xi32, #tpu.memory_space<vmem>> -> memref<128xi32, #tpu.memory_space<vmem>>
          %dma_wait3A_216 = arith.constant 0 : i32
          %dma_wait3A_217 = arith.constant 0 : i32
          %dma_wait3A_218 = tpu.memref_slice %arg2[%dma_wait3A_216, %dma_wait3A_217] : memref<10000x16xf32, #tpu.memory_space<hbm>> -> memref<10000x16xf32, #tpu.memory_space<hbm>>
          tpu.wait_indirect_dma semaphore(%arg11 : memref<!tpu.dma_semaphore, #tpu.memory_space<semaphore_mem>>) src(%dma_wait3A_218 : memref<10000x16xf32, #tpu.memory_space<hbm>>) dst(%dma_wait3A_212 : memref<128x16xf32, #tpu.memory_space<vmem>>)
        } else {
        }
        %add3A_195 = arith.constant 2 : i32
        %add3A_196 = arith.addi %scan3A_154, %add3A_195 : i32
        %dma_start3A_197 = arith.constant 0 : i32
        %dma_start3A_198 = arith.constant 0 : i32
        %dma_start3A_199 = arith.constant 0 : i32
        %dma_start3A_200 = tpu.memref_slice %arg6[%rem3A_190, %dma_start3A_198, %dma_start3A_199] : memref<3x128x16xf32, #tpu.memory_space<vmem>> -> memref<1x128x16xf32, #tpu.memory_space<vmem>>
        %dma_start3A_201 = tpu.memref_squeeze %dma_start3A_200 : memref<1x128x16xf32, #tpu.memory_space<vmem>> -> memref<128x16xf32, #tpu.memory_space<vmem>>
        %dma_start3A_202 = arith.constant 0 : i32
        %dma_start3A_203 = tpu.memref_slice %arg5[%add3A_196, %dma_start3A_197, %dma_start3A_202] : memref<79x2x128xi32, #tpu.memory_space<vmem>> -> memref<1x1x128xi32, #tpu.memory_space<vmem>>
        %dma_start3A_204 = tpu.memref_squeeze %dma_start3A_203 : memref<1x1x128xi32, #tpu.memory_space<vmem>> -> memref<128xi32, #tpu.memory_space<vmem>>
        %dma_start3A_205 = arith.constant 0 : i32
        %dma_start3A_206 = arith.constant 0 : i32
        %dma_start3A_207 = tpu.memref_slice %arg2[%dma_start3A_205, %dma_start3A_206] : memref<10000x16xf32, #tpu.memory_space<hbm>> -> memref<10000x16xf32, #tpu.memory_space<hbm>>
        tpu.enqueue_indirect_dma source(%dma_start3A_207 : memref<10000x16xf32, #tpu.memory_space<hbm>>) target(%dma_start3A_201 : memref<128x16xf32, #tpu.memory_space<vmem>>) offsets(%dma_start3A_204 : memref<128xi32, #tpu.memory_space<vmem>>) semaphore(%arg10 : memref<!tpu.dma_semaphore, #tpu.memory_space<semaphore_mem>>)
      } else {
      }
      %dma_start3A_175 = arith.constant 1 : i32
      %dma_start3A_176 = arith.constant 0 : i32
      %dma_start3A_177 = arith.constant 0 : i32
      %dma_start3A_178 = tpu.memref_slice %arg6[%rem3A_156, %dma_start3A_176, %dma_start3A_177] : memref<3x128x16xf32, #tpu.memory_space<vmem>> -> memref<1x128x16xf32, #tpu.memory_space<vmem>>
      %dma_start3A_179 = tpu.memref_squeeze %dma_start3A_178 : memref<1x128x16xf32, #tpu.memory_space<vmem>> -> memref<128x16xf32, #tpu.memory_space<vmem>>
      %dma_start3A_180 = arith.constant 0 : i32
      %dma_start3A_181 = tpu.memref_slice %arg5[%scan3A_154, %dma_start3A_175, %dma_start3A_180] : memref<79x2x128xi32, #tpu.memory_space<vmem>> -> memref<1x1x128xi32, #tpu.memory_space<vmem>>
      %dma_start3A_182 = tpu.memref_squeeze %dma_start3A_181 : memref<1x1x128xi32, #tpu.memory_space<vmem>> -> memref<128xi32, #tpu.memory_space<vmem>>
      %dma_start3A_183 = arith.constant 0 : i32
      %dma_start3A_184 = arith.constant 0 : i32
      %dma_start3A_185 = tpu.memref_slice %arg8[%dma_start3A_183, %dma_start3A_184] : memref<10240x16xf32, #tpu.memory_space<vmem_shared>> -> memref<10240x16xf32, #tpu.memory_space<vmem_shared>>
      tpu.enqueue_indirect_dma source(%dma_start3A_179 : memref<128x16xf32, #tpu.memory_space<vmem>>) target(%dma_start3A_185 : memref<10240x16xf32, #tpu.memory_space<vmem_shared>>) offsets(%dma_start3A_182 : memref<128xi32, #tpu.memory_space<vmem>>) semaphore(%arg11 : memref<!tpu.dma_semaphore, #tpu.memory_space<semaphore_mem>>) {add = true}
      %scan3A_186 = arith.constant 0 : i32
      scf.yield %scan3A_186 : i32
    }
    %scan3A_109 = arith.constant 78 : i32
    %dma_wait3A_110 = arith.constant 0 : i32
    %dma_wait3A_111 = arith.constant 0 : i32
    %dma_wait3A_112 = arith.constant 0 : i32
    %dma_wait3A_113 = arith.constant 0 : i32
    %dma_wait3A_114 = arith.constant 0 : i32
    %dma_wait3A_115 = tpu.memref_slice %arg6[%dma_wait3A_112, %dma_wait3A_113, %dma_wait3A_114] : memref<3x128x16xf32, #tpu.memory_space<vmem>> -> memref<1x128x16xf32, #tpu.memory_space<vmem>>
    %dma_wait3A_116 = tpu.memref_squeeze %dma_wait3A_115 : memref<1x128x16xf32, #tpu.memory_space<vmem>> -> memref<128x16xf32, #tpu.memory_space<vmem>>
    %dma_wait3A_117 = arith.constant 0 : i32
    %dma_wait3A_118 = tpu.memref_slice %arg5[%dma_wait3A_110, %dma_wait3A_111, %dma_wait3A_117] : memref<79x2x128xi32, #tpu.memory_space<vmem>> -> memref<1x1x128xi32, #tpu.memory_space<vmem>>
    %dma_wait3A_119 = tpu.memref_squeeze %dma_wait3A_118 : memref<1x1x128xi32, #tpu.memory_space<vmem>> -> memref<128xi32, #tpu.memory_space<vmem>>
    %dma_wait3A_120 = arith.constant 0 : i32
    %dma_wait3A_121 = arith.constant 0 : i32
    %dma_wait3A_122 = tpu.memref_slice %arg2[%dma_wait3A_120, %dma_wait3A_121] : memref<10000x16xf32, #tpu.memory_space<hbm>> -> memref<10000x16xf32, #tpu.memory_space<hbm>>
    tpu.wait_indirect_dma semaphore(%arg11 : memref<!tpu.dma_semaphore, #tpu.memory_space<semaphore_mem>>) src(%dma_wait3A_122 : memref<10000x16xf32, #tpu.memory_space<hbm>>) dst(%dma_wait3A_116 : memref<128x16xf32, #tpu.memory_space<vmem>>)
    %dma_wait3A_123 = arith.constant 0 : i32
    %dma_wait3A_124 = arith.constant 0 : i32
    %dma_wait3A_125 = arith.constant 0 : i32
    %dma_wait3A_126 = arith.constant 0 : i32
    %dma_wait3A_127 = arith.constant 0 : i32
    %dma_wait3A_128 = tpu.memref_slice %arg6[%dma_wait3A_125, %dma_wait3A_126, %dma_wait3A_127] : memref<3x128x16xf32, #tpu.memory_space<vmem>> -> memref<1x128x16xf32, #tpu.memory_space<vmem>>
    %dma_wait3A_129 = tpu.memref_squeeze %dma_wait3A_128 : memref<1x128x16xf32, #tpu.memory_space<vmem>> -> memref<128x16xf32, #tpu.memory_space<vmem>>
    %dma_wait3A_130 = arith.constant 0 : i32
    %dma_wait3A_131 = tpu.memref_slice %arg5[%dma_wait3A_123, %dma_wait3A_124, %dma_wait3A_130] : memref<79x2x128xi32, #tpu.memory_space<vmem>> -> memref<1x1x128xi32, #tpu.memory_space<vmem>>
    %dma_wait3A_132 = tpu.memref_squeeze %dma_wait3A_131 : memref<1x1x128xi32, #tpu.memory_space<vmem>> -> memref<128xi32, #tpu.memory_space<vmem>>
    %dma_wait3A_133 = arith.constant 0 : i32
    %dma_wait3A_134 = arith.constant 0 : i32
    %dma_wait3A_135 = tpu.memref_slice %arg2[%dma_wait3A_133, %dma_wait3A_134] : memref<10000x16xf32, #tpu.memory_space<hbm>> -> memref<10000x16xf32, #tpu.memory_space<hbm>>
    tpu.wait_indirect_dma semaphore(%arg11 : memref<!tpu.dma_semaphore, #tpu.memory_space<semaphore_mem>>) src(%dma_wait3A_135 : memref<10000x16xf32, #tpu.memory_space<hbm>>) dst(%dma_wait3A_129 : memref<128x16xf32, #tpu.memory_space<vmem>>)
    %dma_wait3A_136 = arith.constant 0 : i32
    %dma_wait3A_137 = arith.constant 0 : i32
    %dma_wait3A_138 = arith.constant 0 : i32
    %dma_wait3A_139 = arith.constant 0 : i32
    %dma_wait3A_140 = arith.constant 0 : i32
    %dma_wait3A_141 = tpu.memref_slice %arg6[%dma_wait3A_138, %dma_wait3A_139, %dma_wait3A_140] : memref<3x128x16xf32, #tpu.memory_space<vmem>> -> memref<1x128x16xf32, #tpu.memory_space<vmem>>
    %dma_wait3A_142 = tpu.memref_squeeze %dma_wait3A_141 : memref<1x128x16xf32, #tpu.memory_space<vmem>> -> memref<128x16xf32, #tpu.memory_space<vmem>>
    %dma_wait3A_143 = arith.constant 0 : i32
    %dma_wait3A_144 = tpu.memref_slice %arg5[%dma_wait3A_136, %dma_wait3A_137, %dma_wait3A_143] : memref<79x2x128xi32, #tpu.memory_space<vmem>> -> memref<1x1x128xi32, #tpu.memory_space<vmem>>
    %dma_wait3A_145 = tpu.memref_squeeze %dma_wait3A_144 : memref<1x1x128xi32, #tpu.memory_space<vmem>> -> memref<128xi32, #tpu.memory_space<vmem>>
    %dma_wait3A_146 = arith.constant 0 : i32
    %dma_wait3A_147 = arith.constant 0 : i32
    %dma_wait3A_148 = tpu.memref_slice %arg2[%dma_wait3A_146, %dma_wait3A_147] : memref<10000x16xf32, #tpu.memory_space<hbm>> -> memref<10000x16xf32, #tpu.memory_space<hbm>>
    tpu.wait_indirect_dma semaphore(%arg11 : memref<!tpu.dma_semaphore, #tpu.memory_space<semaphore_mem>>) src(%dma_wait3A_148 : memref<10000x16xf32, #tpu.memory_space<hbm>>) dst(%dma_wait3A_142 : memref<128x16xf32, #tpu.memory_space<vmem>>)
    %barrier3A_149 = arith.constant 0 : index
    tpu.barrier barrier_id(%barrier3A_149)
    %mul3A_150 = arith.constant 640 : i32
    %mul3A_151 = arith.muli %arg1, %mul3A_150 : i32
    %mul3A_152 = arith.constant 640 : i32
    %mul3A_153 = arith.muli %arg1, %mul3A_152 : i32
    "tpu.region"() ({
      %run_scoped3A = tpu.sem_alloc : memref<!tpu.dma_semaphore, #tpu.memory_space<semaphore_mem>>
      %dma_start3A_154 = arith.constant 0 : i32
      %dma_start3A_155 = arith.constant 0 : i32
      %dma_start3A_156 = tpu.memref_slice %arg4[%arg0, %dma_start3A_154, %dma_start3A_155] : memref<2x10240x16xf32, #tpu.memory_space<hbm>> -> memref<1x10240x16xf32, #tpu.memory_space<hbm>>
      %dma_start3A_157 = tpu.memref_squeeze %dma_start3A_156 : memref<1x10240x16xf32, #tpu.memory_space<hbm>> -> memref<10240x16xf32, #tpu.memory_space<hbm>>
      %dma_start3A_158 = arith.constant 0 : i32
      %dma_start3A_159 = tpu.memref_slice %dma_start3A_157[%mul3A_153, %dma_start3A_158] : memref<10240x16xf32, #tpu.memory_space<hbm>> -> memref<640x16xf32, #tpu.memory_space<hbm>>
      %dma_start3A_160 = arith.constant 0 : i32
      %dma_start3A_161 = tpu.memref_slice %arg8[%mul3A_151, %dma_start3A_160] : memref<10240x16xf32, #tpu.memory_space<vmem_shared>> -> memref<640x16xf32, #tpu.memory_space<vmem_shared>>
      tpu.enqueue_dma source(%dma_start3A_161 : memref<640x16xf32, #tpu.memory_space<vmem_shared>>) target(%dma_start3A_159 : memref<640x16xf32, #tpu.memory_space<hbm>>) target_semaphore(%run_scoped3A : memref<!tpu.dma_semaphore, #tpu.memory_space<semaphore_mem>>)
      %dma_wait3A_162 = arith.constant 0 : i32
      %dma_wait3A_163 = arith.constant 0 : i32
      %dma_wait3A_164 = tpu.memref_slice %arg4[%arg0, %dma_wait3A_162, %dma_wait3A_163] : memref<2x10240x16xf32, #tpu.memory_space<hbm>> -> memref<1x10240x16xf32, #tpu.memory_space<hbm>>
      %dma_wait3A_165 = tpu.memref_squeeze %dma_wait3A_164 : memref<1x10240x16xf32, #tpu.memory_space<hbm>> -> memref<10240x16xf32, #tpu.memory_space<hbm>>
      %dma_wait3A_166 = arith.constant 0 : i32
      %dma_wait3A_167 = tpu.memref_slice %dma_wait3A_165[%mul3A_153, %dma_wait3A_166] : memref<10240x16xf32, #tpu.memory_space<hbm>> -> memref<640x16xf32, #tpu.memory_space<hbm>>
      %dma_wait3A_168 = arith.constant 0 : i32
      %dma_wait3A_169 = tpu.memref_slice %arg8[%mul3A_151, %dma_wait3A_168] : memref<10240x16xf32, #tpu.memory_space<vmem_shared>> -> memref<640x16xf32, #tpu.memory_space<vmem_shared>>
      tpu.wait_dma2 semaphore(%run_scoped3A : memref<!tpu.dma_semaphore, #tpu.memory_space<semaphore_mem>>) src(%dma_wait3A_169 : memref<640x16xf32, #tpu.memory_space<vmem_shared>>) dst(%dma_wait3A_167 : memref<640x16xf32, #tpu.memory_space<hbm>>)
      tpu.yield
    }) : () -> ()
    return
  }
}

#map = affine_map<(d0, d1) -> (0, 0)>
#map1 = affine_map<(d0, d1) -> (0, 0, 0)>
module attributes {stable_mosaic.version = 14 : i64} {
  func.func @_spmm_sc_kernel(%arg0: i32, %arg1: i32, %arg2: memref<10240x16xf32, #tpu.memory_space<hbm>>, %arg3: memref<2500x2x128xi32, #tpu.memory_space<hbm>>, %arg4: memref<2x10240x16xf32, #tpu.memory_space<hbm>>, %arg5: memref<79x2x128xi32, #tpu.memory_space<vmem>>, %arg6: memref<3x128x16xf32, #tpu.memory_space<vmem>>, %arg7: memref<128x16xf32, #tpu.memory_space<vmem>>, %arg8: memref<10240x16xf32, #tpu.memory_space<vmem_shared>>, %arg9: memref<!tpu.dma_semaphore, #tpu.memory_space<semaphore_mem>>, %arg10: memref<!tpu.dma_semaphore, #tpu.memory_space<semaphore_mem>>, %arg11: memref<!tpu.dma_semaphore, #tpu.memory_space<semaphore_mem>>) attributes {dimension_semantics = [#tpu.dimension_semantics<core_parallel>, #tpu.dimension_semantics<subcore_parallel>], iteration_bounds = array<i64: 2, 16>, scalar_prefetch = 0 : i64, scratch_operands = 7 : i64, tpu.core_type = #tpu.core_type<sc_vector_subcore>, window_params = [{transform_indices = #map}, {transform_indices = #map1}, {transform_indices = #map1}]} {
    %mul3A = arith.constant 2 : i32
    %mul3A_0 = arith.muli %arg1, %mul3A : i32
    %add3A = arith.addi %mul3A_0, %arg0 : i32
    %mul3A_1 = arith.constant 78 : i32
    %mul3A_2 = arith.muli %add3A, %mul3A_1 : i32
    %lt3A = arith.constant 4 : i32
    %lt3A_3 = arith.cmpi slt, %add3A, %lt3A : i32
    %jit3A = arith.constant 1 : i32
    %jit3A_4 = arith.constant 0 : i32
    %select_n3A = arith.select %lt3A_3, %jit3A, %jit3A_4 : i32
    %dma_start3A = arith.constant 0 : i32
    %dma_start3A_5 = arith.constant 0 : i32
    %dma_start3A_6 = arith.constant 0 : i32
    %dma_start3A_7 = tpu.memref_slice %arg5[%dma_start3A, %dma_start3A_5, %dma_start3A_6] : memref<79x2x128xi32, #tpu.memory_space<vmem>> -> memref<78x2x128xi32, #tpu.memory_space<vmem>>
    %dma_start3A_8 = arith.constant 0 : i32
    %dma_start3A_9 = arith.constant 0 : i32
    %dma_start3A_10 = tpu.memref_slice %arg3[%mul3A_2, %dma_start3A_8, %dma_start3A_9] : memref<2500x2x128xi32, #tpu.memory_space<hbm>> -> memref<78x2x128xi32, #tpu.memory_space<hbm>>
    %dma_start3A_11 = arith.constant 0 : i32
    %dma_start3A_12 = arith.constant 0 : i32
    %dma_start3A_13 = arith.constant 0 : i32
    %dma_start3A_14 = tpu.memref_slice %arg5[%dma_start3A_11, %dma_start3A_12, %dma_start3A_13] : memref<79x2x128xi32, #tpu.memory_space<vmem>> -> memref<78x2x128xi32, #tpu.memory_space<vmem>>
    %dma_start3A_15 = arith.constant 0 : i32
    %dma_start3A_16 = arith.constant 0 : i32
    %dma_start3A_17 = tpu.memref_slice %arg3[%mul3A_2, %dma_start3A_15, %dma_start3A_16] : memref<2500x2x128xi32, #tpu.memory_space<hbm>> -> memref<78x2x128xi32, #tpu.memory_space<hbm>>
    tpu.enqueue_dma source(%dma_start3A_17 : memref<78x2x128xi32, #tpu.memory_space<hbm>>) target(%dma_start3A_14 : memref<78x2x128xi32, #tpu.memory_space<vmem>>) target_semaphore(%arg9 : memref<!tpu.dma_semaphore, #tpu.memory_space<semaphore_mem>>)
    %min3A = arith.constant 3 : i32
    %min3A_18 = arith.minsi %add3A, %min3A : i32
    %add3A_19 = arith.constant 2496 : i32
    %add3A_20 = arith.addi %add3A_19, %min3A_18 : i32
    %dma_start3A_21 = arith.constant 78 : i32
    %dma_start3A_22 = arith.constant 0 : i32
    %dma_start3A_23 = arith.constant 0 : i32
    %dma_start3A_24 = tpu.memref_slice %arg5[%dma_start3A_21, %dma_start3A_22, %dma_start3A_23] : memref<79x2x128xi32, #tpu.memory_space<vmem>> -> memref<1x2x128xi32, #tpu.memory_space<vmem>>
    %dma_start3A_25 = arith.constant 0 : i32
    %dma_start3A_26 = arith.constant 0 : i32
    %dma_start3A_27 = tpu.memref_slice %arg3[%add3A_20, %dma_start3A_25, %dma_start3A_26] : memref<2500x2x128xi32, #tpu.memory_space<hbm>> -> memref<1x2x128xi32, #tpu.memory_space<hbm>>
    %dma_start3A_28 = arith.constant 78 : i32
    %dma_start3A_29 = arith.constant 0 : i32
    %dma_start3A_30 = arith.constant 0 : i32
    %dma_start3A_31 = tpu.memref_slice %arg5[%dma_start3A_28, %dma_start3A_29, %dma_start3A_30] : memref<79x2x128xi32, #tpu.memory_space<vmem>> -> memref<1x2x128xi32, #tpu.memory_space<vmem>>
    %dma_start3A_32 = arith.constant 0 : i32
    %dma_start3A_33 = arith.constant 0 : i32
    %dma_start3A_34 = tpu.memref_slice %arg3[%add3A_20, %dma_start3A_32, %dma_start3A_33] : memref<2500x2x128xi32, #tpu.memory_space<hbm>> -> memref<1x2x128xi32, #tpu.memory_space<hbm>>
    tpu.enqueue_dma source(%dma_start3A_34 : memref<1x2x128xi32, #tpu.memory_space<hbm>>) target(%dma_start3A_31 : memref<1x2x128xi32, #tpu.memory_space<vmem>>) target_semaphore(%arg9 : memref<!tpu.dma_semaphore, #tpu.memory_space<semaphore_mem>>)
    %scan3A = arith.constant 0 : i32
    %scan3A_35 = arith.constant 0 : i32
    %scan3A_36 = arith.constant 128 : i32
    %scan3A_37 = arith.addi %scan3A_35, %scan3A_36 : i32
    %scan3A_38 = arith.constant 1 : i32
    %scan3A_39 = scf.for %scan3A_154 = %scan3A_35 to %scan3A_37 step %scan3A_38 iter_args(%scan3A_155 = %scan3A) -> (i32)  : i32 {
      %broadcast_in_dim3A = arith.constant 0.000000e+00 : f32
      %broadcast_in_dim3A_156 = vector.broadcast %broadcast_in_dim3A : f32 to vector<16xf32>
      %swap3A = arith.index_cast %scan3A_154 : i32 to index
      %swap3A_157 = arith.constant 0 : index
      %swap3A_158 = tpu.vector_load %arg7[%swap3A, %swap3A_157] {strides = array<i32>} : memref<128x16xf32, #tpu.memory_space<vmem>>, vector<1x16xf32>,
      %swap3A_159 = vector.shape_cast %swap3A_158 : vector<1x16xf32> to vector<16xf32>
      %swap3A_160 = vector.shape_cast %broadcast_in_dim3A_156 : vector<16xf32> to vector<1x16xf32>
      tpu.vector_store %arg7[%swap3A, %swap3A_157], %swap3A_160 {strides = array<i32>} : memref<128x16xf32, #tpu.memory_space<vmem>>, vector<1x16xf32>,
      %scan3A_161 = arith.constant 0 : i32
      scf.yield %scan3A_161 : i32
    }
    %scan3A_40 = arith.constant 128 : i32
    %scan3A_41 = arith.constant 0 : i32
    %scan3A_42 = arith.constant 0 : i32
    %scan3A_43 = arith.constant 5 : i32
    %scan3A_44 = arith.addi %scan3A_42, %scan3A_43 : i32
    %scan3A_45 = arith.constant 1 : i32
    %scan3A_46 = scf.for %scan3A_154 = %scan3A_42 to %scan3A_44 step %scan3A_45 iter_args(%scan3A_155 = %scan3A_41) -> (i32)  : i32 {
      %mul3A_156 = arith.constant 640 : i32
      %mul3A_157 = arith.muli %arg1, %mul3A_156 : i32
      %mul3A_158 = arith.constant 128 : i32
      %mul3A_159 = arith.muli %scan3A_154, %mul3A_158 : i32
      %add3A_160 = arith.addi %mul3A_157, %mul3A_159 : i32
      "tpu.region"() ({
        %run_scoped3A = tpu.sem_alloc : memref<!tpu.dma_semaphore, #tpu.memory_space<semaphore_mem>>
        %dma_start3A_162 = arith.constant 0 : i32
        %dma_start3A_163 = tpu.memref_slice %arg8[%add3A_160, %dma_start3A_162] : memref<10240x16xf32, #tpu.memory_space<vmem_shared>> -> memref<128x16xf32, #tpu.memory_space<vmem_shared>>
        %dma_start3A_164 = arith.constant 0 : i32
        %dma_start3A_165 = tpu.memref_slice %arg8[%add3A_160, %dma_start3A_164] : memref<10240x16xf32, #tpu.memory_space<vmem_shared>> -> memref<128x16xf32, #tpu.memory_space<vmem_shared>>
        tpu.enqueue_dma source(%arg7 : memref<128x16xf32, #tpu.memory_space<vmem>>) target(%dma_start3A_165 : memref<128x16xf32, #tpu.memory_space<vmem_shared>>) target_semaphore(%run_scoped3A : memref<!tpu.dma_semaphore, #tpu.memory_space<semaphore_mem>>)
        %dma_wait3A_166 = arith.constant 0 : i32
        %dma_wait3A_167 = tpu.memref_slice %arg8[%add3A_160, %dma_wait3A_166] : memref<10240x16xf32, #tpu.memory_space<vmem_shared>> -> memref<128x16xf32, #tpu.memory_space<vmem_shared>>
        %dma_wait3A_168 = arith.constant 0 : i32
        %dma_wait3A_169 = tpu.memref_slice %arg8[%add3A_160, %dma_wait3A_168] : memref<10240x16xf32, #tpu.memory_space<vmem_shared>> -> memref<128x16xf32, #tpu.memory_space<vmem_shared>>
        tpu.wait_dma2 semaphore(%run_scoped3A : memref<!tpu.dma_semaphore, #tpu.memory_space<semaphore_mem>>) src(%arg7 : memref<128x16xf32, #tpu.memory_space<vmem>>) dst(%dma_wait3A_169 : memref<128x16xf32, #tpu.memory_space<vmem_shared>>)
        tpu.yield
      }) : () -> ()
      %scan3A_161 = arith.constant 0 : i32
      scf.yield %scan3A_161 : i32
    }
    %scan3A_47 = arith.constant 5 : i32
    %dma_wait3A = arith.constant 0 : i32
    %dma_wait3A_48 = arith.constant 0 : i32
    %dma_wait3A_49 = arith.constant 0 : i32
    %dma_wait3A_50 = tpu.memref_slice %arg5[%dma_wait3A, %dma_wait3A_48, %dma_wait3A_49] : memref<79x2x128xi32, #tpu.memory_space<vmem>> -> memref<78x2x128xi32, #tpu.memory_space<vmem>>
    %dma_wait3A_51 = arith.constant 0 : i32
    %dma_wait3A_52 = arith.constant 0 : i32
    %dma_wait3A_53 = tpu.memref_slice %arg3[%mul3A_2, %dma_wait3A_51, %dma_wait3A_52] : memref<2500x2x128xi32, #tpu.memory_space<hbm>> -> memref<78x2x128xi32, #tpu.memory_space<hbm>>
    %dma_wait3A_54 = arith.constant 0 : i32
    %dma_wait3A_55 = arith.constant 0 : i32
    %dma_wait3A_56 = arith.constant 0 : i32
    %dma_wait3A_57 = tpu.memref_slice %arg5[%dma_wait3A_54, %dma_wait3A_55, %dma_wait3A_56] : memref<79x2x128xi32, #tpu.memory_space<vmem>> -> memref<78x2x128xi32, #tpu.memory_space<vmem>>
    %dma_wait3A_58 = arith.constant 0 : i32
    %dma_wait3A_59 = arith.constant 0 : i32
    %dma_wait3A_60 = tpu.memref_slice %arg3[%mul3A_2, %dma_wait3A_58, %dma_wait3A_59] : memref<2500x2x128xi32, #tpu.memory_space<hbm>> -> memref<78x2x128xi32, #tpu.memory_space<hbm>>
    tpu.wait_dma2 semaphore(%arg9 : memref<!tpu.dma_semaphore, #tpu.memory_space<semaphore_mem>>) src(%dma_wait3A_60 : memref<78x2x128xi32, #tpu.memory_space<hbm>>) dst(%dma_wait3A_57 : memref<78x2x128xi32, #tpu.memory_space<vmem>>)
    %dma_wait3A_61 = arith.constant 78 : i32
    %dma_wait3A_62 = arith.constant 0 : i32
    %dma_wait3A_63 = arith.constant 0 : i32
    %dma_wait3A_64 = tpu.memref_slice %arg5[%dma_wait3A_61, %dma_wait3A_62, %dma_wait3A_63] : memref<79x2x128xi32, #tpu.memory_space<vmem>> -> memref<1x2x128xi32, #tpu.memory_space<vmem>>
    %dma_wait3A_65 = arith.constant 0 : i32
    %dma_wait3A_66 = arith.constant 0 : i32
    %dma_wait3A_67 = tpu.memref_slice %arg3[%add3A_20, %dma_wait3A_65, %dma_wait3A_66] : memref<2500x2x128xi32, #tpu.memory_space<hbm>> -> memref<1x2x128xi32, #tpu.memory_space<hbm>>
    %dma_wait3A_68 = arith.constant 78 : i32
    %dma_wait3A_69 = arith.constant 0 : i32
    %dma_wait3A_70 = arith.constant 0 : i32
    %dma_wait3A_71 = tpu.memref_slice %arg5[%dma_wait3A_68, %dma_wait3A_69, %dma_wait3A_70] : memref<79x2x128xi32, #tpu.memory_space<vmem>> -> memref<1x2x128xi32, #tpu.memory_space<vmem>>
    %dma_wait3A_72 = arith.constant 0 : i32
    %dma_wait3A_73 = arith.constant 0 : i32
    %dma_wait3A_74 = tpu.memref_slice %arg3[%add3A_20, %dma_wait3A_72, %dma_wait3A_73] : memref<2500x2x128xi32, #tpu.memory_space<hbm>> -> memref<1x2x128xi32, #tpu.memory_space<hbm>>
    tpu.wait_dma2 semaphore(%arg9 : memref<!tpu.dma_semaphore, #tpu.memory_space<semaphore_mem>>) src(%dma_wait3A_74 : memref<1x2x128xi32, #tpu.memory_space<hbm>>) dst(%dma_wait3A_71 : memref<1x2x128xi32, #tpu.memory_space<vmem>>)
    %barrier3A = arith.constant 0 : index
    tpu.barrier barrier_id(%barrier3A)
    %gt3A = arith.constant 0 : i32
    %gt3A_75 = arith.cmpi sgt, %select_n3A, %gt3A : i32
    %convert_element_type3A = arith.extui %gt3A_75 : i1 to i32
    %cond3A = arith.constant 0 : i32
    %cond3A_76 = arith.cmpi ne, %convert_element_type3A, %cond3A : i32
    scf.if %cond3A_76 {
      %dma_start3A_154 = arith.constant 78 : i32
      %dma_start3A_155 = arith.constant 0 : i32
      %dma_start3A_156 = arith.constant 0 : i32
      %dma_start3A_157 = arith.constant 0 : i32
      %dma_start3A_158 = arith.constant 0 : i32
      %dma_start3A_159 = tpu.memref_slice %arg6[%dma_start3A_156, %dma_start3A_157, %dma_start3A_158] : memref<3x128x16xf32, #tpu.memory_space<vmem>> -> memref<1x128x16xf32, #tpu.memory_space<vmem>>
      %dma_start3A_160 = tpu.memref_squeeze %dma_start3A_159 : memref<1x128x16xf32, #tpu.memory_space<vmem>> -> memref<128x16xf32, #tpu.memory_space<vmem>>
      %dma_start3A_161 = arith.constant 0 : i32
      %dma_start3A_162 = tpu.memref_slice %arg5[%dma_start3A_154, %dma_start3A_155, %dma_start3A_161] : memref<79x2x128xi32, #tpu.memory_space<vmem>> -> memref<1x1x128xi32, #tpu.memory_space<vmem>>
      %dma_start3A_163 = tpu.memref_squeeze %dma_start3A_162 : memref<1x1x128xi32, #tpu.memory_space<vmem>> -> memref<128xi32, #tpu.memory_space<vmem>>
      %dma_start3A_164 = arith.constant 0 : i32
      %dma_start3A_165 = arith.constant 0 : i32
      %dma_start3A_166 = tpu.memref_slice %arg2[%dma_start3A_164, %dma_start3A_165] : memref<10240x16xf32, #tpu.memory_space<hbm>> -> memref<10240x16xf32, #tpu.memory_space<hbm>>
      tpu.enqueue_indirect_dma source(%dma_start3A_166 : memref<10240x16xf32, #tpu.memory_space<hbm>>) target(%dma_start3A_160 : memref<128x16xf32, #tpu.memory_space<vmem>>) offsets(%dma_start3A_163 : memref<128xi32, #tpu.memory_space<vmem>>) semaphore(%arg10 : memref<!tpu.dma_semaphore, #tpu.memory_space<semaphore_mem>>)
      %dma_wait3A_167 = arith.constant 78 : i32
      %dma_wait3A_168 = arith.constant 0 : i32
      %dma_wait3A_169 = arith.constant 0 : i32
      %dma_wait3A_170 = arith.constant 0 : i32
      %dma_wait3A_171 = arith.constant 0 : i32
      %dma_wait3A_172 = tpu.memref_slice %arg6[%dma_wait3A_169, %dma_wait3A_170, %dma_wait3A_171] : memref<3x128x16xf32, #tpu.memory_space<vmem>> -> memref<1x128x16xf32, #tpu.memory_space<vmem>>
      %dma_wait3A_173 = tpu.memref_squeeze %dma_wait3A_172 : memref<1x128x16xf32, #tpu.memory_space<vmem>> -> memref<128x16xf32, #tpu.memory_space<vmem>>
      %dma_wait3A_174 = arith.constant 0 : i32
      %dma_wait3A_175 = tpu.memref_slice %arg5[%dma_wait3A_167, %dma_wait3A_168, %dma_wait3A_174] : memref<79x2x128xi32, #tpu.memory_space<vmem>> -> memref<1x1x128xi32, #tpu.memory_space<vmem>>
      %dma_wait3A_176 = tpu.memref_squeeze %dma_wait3A_175 : memref<1x1x128xi32, #tpu.memory_space<vmem>> -> memref<128xi32, #tpu.memory_space<vmem>>
      %dma_wait3A_177 = arith.constant 0 : i32
      %dma_wait3A_178 = arith.constant 0 : i32
      %dma_wait3A_179 = tpu.memref_slice %arg2[%dma_wait3A_177, %dma_wait3A_178] : memref<10240x16xf32, #tpu.memory_space<hbm>> -> memref<10240x16xf32, #tpu.memory_space<hbm>>
      tpu.wait_indirect_dma semaphore(%arg10 : memref<!tpu.dma_semaphore, #tpu.memory_space<semaphore_mem>>) src(%dma_wait3A_179 : memref<10240x16xf32, #tpu.memory_space<hbm>>) dst(%dma_wait3A_173 : memref<128x16xf32, #tpu.memory_space<vmem>>)
      %run_scoped3A = arith.constant 0 : i32
      %run_scoped3A_180 = arith.constant 78 : i32
      %run_scoped3A_181 = arith.constant 1 : i32
      "tpu.region"() ({
        %run_scoped3A_182 = tpu.sem_alloc : memref<!tpu.dma_semaphore, #tpu.memory_space<semaphore_mem>>
        %dma_start3A_183 = arith.constant 0 : i32
        %dma_start3A_184 = arith.constant 0 : i32
        %dma_start3A_185 = tpu.memref_slice %arg6[%run_scoped3A, %dma_start3A_183, %dma_start3A_184] : memref<3x128x16xf32, #tpu.memory_space<vmem>> -> memref<1x128x16xf32, #tpu.memory_space<vmem>>
        %dma_start3A_186 = tpu.memref_squeeze %dma_start3A_185 : memref<1x128x16xf32, #tpu.memory_space<vmem>> -> memref<128x16xf32, #tpu.memory_space<vmem>>
        %dma_start3A_187 = arith.constant 0 : i32
        %dma_start3A_188 = tpu.memref_slice %arg5[%run_scoped3A_180, %run_scoped3A_181, %dma_start3A_187] : memref<79x2x128xi32, #tpu.memory_space<vmem>> -> memref<1x1x128xi32, #tpu.memory_space<vmem>>
        %dma_start3A_189 = tpu.memref_squeeze %dma_start3A_188 : memref<1x1x128xi32, #tpu.memory_space<vmem>> -> memref<128xi32, #tpu.memory_space<vmem>>
        %dma_start3A_190 = arith.constant 0 : i32
        %dma_start3A_191 = arith.constant 0 : i32
        %dma_start3A_192 = tpu.memref_slice %arg8[%dma_start3A_190, %dma_start3A_191] : memref<10240x16xf32, #tpu.memory_space<vmem_shared>> -> memref<10240x16xf32, #tpu.memory_space<vmem_shared>>
        tpu.enqueue_indirect_dma source(%dma_start3A_186 : memref<128x16xf32, #tpu.memory_space<vmem>>) target(%dma_start3A_192 : memref<10240x16xf32, #tpu.memory_space<vmem_shared>>) offsets(%dma_start3A_189 : memref<128xi32, #tpu.memory_space<vmem>>) semaphore(%run_scoped3A_182 : memref<!tpu.dma_semaphore, #tpu.memory_space<semaphore_mem>>) {add = true}
        %dma_wait3A_193 = arith.constant 0 : i32
        %dma_wait3A_194 = arith.constant 0 : i32
        %dma_wait3A_195 = tpu.memref_slice %arg6[%run_scoped3A, %dma_wait3A_193, %dma_wait3A_194] : memref<3x128x16xf32, #tpu.memory_space<vmem>> -> memref<1x128x16xf32, #tpu.memory_space<vmem>>
        %dma_wait3A_196 = tpu.memref_squeeze %dma_wait3A_195 : memref<1x128x16xf32, #tpu.memory_space<vmem>> -> memref<128x16xf32, #tpu.memory_space<vmem>>
        %dma_wait3A_197 = arith.constant 0 : i32
        %dma_wait3A_198 = tpu.memref_slice %arg5[%run_scoped3A_180, %run_scoped3A_181, %dma_wait3A_197] : memref<79x2x128xi32, #tpu.memory_space<vmem>> -> memref<1x1x128xi32, #tpu.memory_space<vmem>>
        %dma_wait3A_199 = tpu.memref_squeeze %dma_wait3A_198 : memref<1x1x128xi32, #tpu.memory_space<vmem>> -> memref<128xi32, #tpu.memory_space<vmem>>
        %dma_wait3A_200 = arith.constant 0 : i32
        %dma_wait3A_201 = arith.constant 0 : i32
        %dma_wait3A_202 = tpu.memref_slice %arg8[%dma_wait3A_200, %dma_wait3A_201] : memref<10240x16xf32, #tpu.memory_space<vmem_shared>> -> memref<10240x16xf32, #tpu.memory_space<vmem_shared>>
        tpu.wait_indirect_dma semaphore(%run_scoped3A_182 : memref<!tpu.dma_semaphore, #tpu.memory_space<semaphore_mem>>) src(%dma_wait3A_196 : memref<128x16xf32, #tpu.memory_space<vmem>>) dst(%dma_wait3A_202 : memref<10240x16xf32, #tpu.memory_space<vmem_shared>>)
        tpu.yield
      }) : () -> ()
    } else {
    }
    %dma_start3A_77 = arith.constant 0 : i32
    %dma_start3A_78 = arith.constant 0 : i32
    %dma_start3A_79 = arith.constant 0 : i32
    %dma_start3A_80 = arith.constant 0 : i32
    %dma_start3A_81 = arith.constant 0 : i32
    %dma_start3A_82 = tpu.memref_slice %arg6[%dma_start3A_79, %dma_start3A_80, %dma_start3A_81] : memref<3x128x16xf32, #tpu.memory_space<vmem>> -> memref<1x128x16xf32, #tpu.memory_space<vmem>>
    %dma_start3A_83 = tpu.memref_squeeze %dma_start3A_82 : memref<1x128x16xf32, #tpu.memory_space<vmem>> -> memref<128x16xf32, #tpu.memory_space<vmem>>
    %dma_start3A_84 = arith.constant 0 : i32
    %dma_start3A_85 = tpu.memref_slice %arg5[%dma_start3A_77, %dma_start3A_78, %dma_start3A_84] : memref<79x2x128xi32, #tpu.memory_space<vmem>> -> memref<1x1x128xi32, #tpu.memory_space<vmem>>
    %dma_start3A_86 = tpu.memref_squeeze %dma_start3A_85 : memref<1x1x128xi32, #tpu.memory_space<vmem>> -> memref<128xi32, #tpu.memory_space<vmem>>
    %dma_start3A_87 = arith.constant 0 : i32
    %dma_start3A_88 = arith.constant 0 : i32
    %dma_start3A_89 = tpu.memref_slice %arg2[%dma_start3A_87, %dma_start3A_88] : memref<10240x16xf32, #tpu.memory_space<hbm>> -> memref<10240x16xf32, #tpu.memory_space<hbm>>
    tpu.enqueue_indirect_dma source(%dma_start3A_89 : memref<10240x16xf32, #tpu.memory_space<hbm>>) target(%dma_start3A_83 : memref<128x16xf32, #tpu.memory_space<vmem>>) offsets(%dma_start3A_86 : memref<128xi32, #tpu.memory_space<vmem>>) semaphore(%arg10 : memref<!tpu.dma_semaphore, #tpu.memory_space<semaphore_mem>>)
    %dma_start3A_90 = arith.constant 1 : i32
    %dma_start3A_91 = arith.constant 0 : i32
    %dma_start3A_92 = arith.constant 1 : i32
    %dma_start3A_93 = arith.constant 0 : i32
    %dma_start3A_94 = arith.constant 0 : i32
    %dma_start3A_95 = tpu.memref_slice %arg6[%dma_start3A_92, %dma_start3A_93, %dma_start3A_94] : memref<3x128x16xf32, #tpu.memory_space<vmem>> -> memref<1x128x16xf32, #tpu.memory_space<vmem>>
    %dma_start3A_96 = tpu.memref_squeeze %dma_start3A_95 : memref<1x128x16xf32, #tpu.memory_space<vmem>> -> memref<128x16xf32, #tpu.memory_space<vmem>>
    %dma_start3A_97 = arith.constant 0 : i32
    %dma_start3A_98 = tpu.memref_slice %arg5[%dma_start3A_90, %dma_start3A_91, %dma_start3A_97] : memref<79x2x128xi32, #tpu.memory_space<vmem>> -> memref<1x1x128xi32, #tpu.memory_space<vmem>>
    %dma_start3A_99 = tpu.memref_squeeze %dma_start3A_98 : memref<1x1x128xi32, #tpu.memory_space<vmem>> -> memref<128xi32, #tpu.memory_space<vmem>>
    %dma_start3A_100 = arith.constant 0 : i32
    %dma_start3A_101 = arith.constant 0 : i32
    %dma_start3A_102 = tpu.memref_slice %arg2[%dma_start3A_100, %dma_start3A_101] : memref<10240x16xf32, #tpu.memory_space<hbm>> -> memref<10240x16xf32, #tpu.memory_space<hbm>>
    tpu.enqueue_indirect_dma source(%dma_start3A_102 : memref<10240x16xf32, #tpu.memory_space<hbm>>) target(%dma_start3A_96 : memref<128x16xf32, #tpu.memory_space<vmem>>) offsets(%dma_start3A_99 : memref<128xi32, #tpu.memory_space<vmem>>) semaphore(%arg10 : memref<!tpu.dma_semaphore, #tpu.memory_space<semaphore_mem>>)
    %scan3A_103 = arith.constant 0 : i32
    %scan3A_104 = arith.constant 0 : i32
    %scan3A_105 = arith.constant 78 : i32
    %scan3A_106 = arith.addi %scan3A_104, %scan3A_105 : i32
    %scan3A_107 = arith.constant 1 : i32
    %scan3A_108 = scf.for %scan3A_154 = %scan3A_104 to %scan3A_106 step %scan3A_107 iter_args(%scan3A_155 = %scan3A_103) -> (i32)  : i32 {
      %rem3A = arith.constant 3 : i32
      %rem3A_156 = arith.remsi %scan3A_154, %rem3A : i32
      %dma_wait3A_157 = arith.constant 0 : i32
      %dma_wait3A_158 = arith.constant 0 : i32
      %dma_wait3A_159 = arith.constant 0 : i32
      %dma_wait3A_160 = tpu.memref_slice %arg6[%rem3A_156, %dma_wait3A_158, %dma_wait3A_159] : memref<3x128x16xf32, #tpu.memory_space<vmem>> -> memref<1x128x16xf32, #tpu.memory_space<vmem>>
      %dma_wait3A_161 = tpu.memref_squeeze %dma_wait3A_160 : memref<1x128x16xf32, #tpu.memory_space<vmem>> -> memref<128x16xf32, #tpu.memory_space<vmem>>
      %dma_wait3A_162 = arith.constant 0 : i32
      %dma_wait3A_163 = tpu.memref_slice %arg5[%scan3A_154, %dma_wait3A_157, %dma_wait3A_162] : memref<79x2x128xi32, #tpu.memory_space<vmem>> -> memref<1x1x128xi32, #tpu.memory_space<vmem>>
      %dma_wait3A_164 = tpu.memref_squeeze %dma_wait3A_163 : memref<1x1x128xi32, #tpu.memory_space<vmem>> -> memref<128xi32, #tpu.memory_space<vmem>>
      %dma_wait3A_165 = arith.constant 0 : i32
      %dma_wait3A_166 = arith.constant 0 : i32
      %dma_wait3A_167 = tpu.memref_slice %arg2[%dma_wait3A_165, %dma_wait3A_166] : memref<10240x16xf32, #tpu.memory_space<hbm>> -> memref<10240x16xf32, #tpu.memory_space<hbm>>
      tpu.wait_indirect_dma semaphore(%arg10 : memref<!tpu.dma_semaphore, #tpu.memory_space<semaphore_mem>>) src(%dma_wait3A_167 : memref<10240x16xf32, #tpu.memory_space<hbm>>) dst(%dma_wait3A_161 : memref<128x16xf32, #tpu.memory_space<vmem>>)
      %add3A_168 = arith.constant 2 : i32
      %add3A_169 = arith.addi %scan3A_154, %add3A_168 : i32
      %lt3A_170 = arith.constant 78 : i32
      %lt3A_171 = arith.cmpi slt, %add3A_169, %lt3A_170 : i32
      %convert_element_type3A_172 = arith.extui %lt3A_171 : i1 to i32
      %cond3A_173 = arith.constant 0 : i32
      %cond3A_174 = arith.cmpi ne, %convert_element_type3A_172, %cond3A_173 : i32
      scf.if %cond3A_174 {
        %add3A_187 = arith.constant 2 : i32
        %add3A_188 = arith.addi %scan3A_154, %add3A_187 : i32
        %rem3A_189 = arith.constant 3 : i32
        %rem3A_190 = arith.remsi %add3A_188, %rem3A_189 : i32
        %ge3A = arith.constant 1 : i32
        %ge3A_191 = arith.cmpi sge, %scan3A_154, %ge3A : i32
        %convert_element_type3A_192 = arith.extui %ge3A_191 : i1 to i32
        %cond3A_193 = arith.constant 0 : i32
        %cond3A_194 = arith.cmpi ne, %convert_element_type3A_192, %cond3A_193 : i32
        scf.if %cond3A_194 {
          %dma_wait3A_208 = arith.constant 0 : i32
          %dma_wait3A_209 = arith.constant 0 : i32
          %dma_wait3A_210 = arith.constant 0 : i32
          %dma_wait3A_211 = tpu.memref_slice %arg6[%rem3A_190, %dma_wait3A_209, %dma_wait3A_210] : memref<3x128x16xf32, #tpu.memory_space<vmem>> -> memref<1x128x16xf32, #tpu.memory_space<vmem>>
          %dma_wait3A_212 = tpu.memref_squeeze %dma_wait3A_211 : memref<1x128x16xf32, #tpu.memory_space<vmem>> -> memref<128x16xf32, #tpu.memory_space<vmem>>
          %dma_wait3A_213 = arith.constant 0 : i32
          %dma_wait3A_214 = tpu.memref_slice %arg5[%scan3A_154, %dma_wait3A_208, %dma_wait3A_213] : memref<79x2x128xi32, #tpu.memory_space<vmem>> -> memref<1x1x128xi32, #tpu.memory_space<vmem>>
          %dma_wait3A_215 = tpu.memref_squeeze %dma_wait3A_214 : memref<1x1x128xi32, #tpu.memory_space<vmem>> -> memref<128xi32, #tpu.memory_space<vmem>>
          %dma_wait3A_216 = arith.constant 0 : i32
          %dma_wait3A_217 = arith.constant 0 : i32
          %dma_wait3A_218 = tpu.memref_slice %arg2[%dma_wait3A_216, %dma_wait3A_217] : memref<10240x16xf32, #tpu.memory_space<hbm>> -> memref<10240x16xf32, #tpu.memory_space<hbm>>
          tpu.wait_indirect_dma semaphore(%arg11 : memref<!tpu.dma_semaphore, #tpu.memory_space<semaphore_mem>>) src(%dma_wait3A_218 : memref<10240x16xf32, #tpu.memory_space<hbm>>) dst(%dma_wait3A_212 : memref<128x16xf32, #tpu.memory_space<vmem>>)
        } else {
        }
        %add3A_195 = arith.constant 2 : i32
        %add3A_196 = arith.addi %scan3A_154, %add3A_195 : i32
        %dma_start3A_197 = arith.constant 0 : i32
        %dma_start3A_198 = arith.constant 0 : i32
        %dma_start3A_199 = arith.constant 0 : i32
        %dma_start3A_200 = tpu.memref_slice %arg6[%rem3A_190, %dma_start3A_198, %dma_start3A_199] : memref<3x128x16xf32, #tpu.memory_space<vmem>> -> memref<1x128x16xf32, #tpu.memory_space<vmem>>
        %dma_start3A_201 = tpu.memref_squeeze %dma_start3A_200 : memref<1x128x16xf32, #tpu.memory_space<vmem>> -> memref<128x16xf32, #tpu.memory_space<vmem>>
        %dma_start3A_202 = arith.constant 0 : i32
        %dma_start3A_203 = tpu.memref_slice %arg5[%add3A_196, %dma_start3A_197, %dma_start3A_202] : memref<79x2x128xi32, #tpu.memory_space<vmem>> -> memref<1x1x128xi32, #tpu.memory_space<vmem>>
        %dma_start3A_204 = tpu.memref_squeeze %dma_start3A_203 : memref<1x1x128xi32, #tpu.memory_space<vmem>> -> memref<128xi32, #tpu.memory_space<vmem>>
        %dma_start3A_205 = arith.constant 0 : i32
        %dma_start3A_206 = arith.constant 0 : i32
        %dma_start3A_207 = tpu.memref_slice %arg2[%dma_start3A_205, %dma_start3A_206] : memref<10240x16xf32, #tpu.memory_space<hbm>> -> memref<10240x16xf32, #tpu.memory_space<hbm>>
        tpu.enqueue_indirect_dma source(%dma_start3A_207 : memref<10240x16xf32, #tpu.memory_space<hbm>>) target(%dma_start3A_201 : memref<128x16xf32, #tpu.memory_space<vmem>>) offsets(%dma_start3A_204 : memref<128xi32, #tpu.memory_space<vmem>>) semaphore(%arg10 : memref<!tpu.dma_semaphore, #tpu.memory_space<semaphore_mem>>)
      } else {
      }
      %dma_start3A_175 = arith.constant 1 : i32
      %dma_start3A_176 = arith.constant 0 : i32
      %dma_start3A_177 = arith.constant 0 : i32
      %dma_start3A_178 = tpu.memref_slice %arg6[%rem3A_156, %dma_start3A_176, %dma_start3A_177] : memref<3x128x16xf32, #tpu.memory_space<vmem>> -> memref<1x128x16xf32, #tpu.memory_space<vmem>>
      %dma_start3A_179 = tpu.memref_squeeze %dma_start3A_178 : memref<1x128x16xf32, #tpu.memory_space<vmem>> -> memref<128x16xf32, #tpu.memory_space<vmem>>
      %dma_start3A_180 = arith.constant 0 : i32
      %dma_start3A_181 = tpu.memref_slice %arg5[%scan3A_154, %dma_start3A_175, %dma_start3A_180] : memref<79x2x128xi32, #tpu.memory_space<vmem>> -> memref<1x1x128xi32, #tpu.memory_space<vmem>>
      %dma_start3A_182 = tpu.memref_squeeze %dma_start3A_181 : memref<1x1x128xi32, #tpu.memory_space<vmem>> -> memref<128xi32, #tpu.memory_space<vmem>>
      %dma_start3A_183 = arith.constant 0 : i32
      %dma_start3A_184 = arith.constant 0 : i32
      %dma_start3A_185 = tpu.memref_slice %arg8[%dma_start3A_183, %dma_start3A_184] : memref<10240x16xf32, #tpu.memory_space<vmem_shared>> -> memref<10240x16xf32, #tpu.memory_space<vmem_shared>>
      tpu.enqueue_indirect_dma source(%dma_start3A_179 : memref<128x16xf32, #tpu.memory_space<vmem>>) target(%dma_start3A_185 : memref<10240x16xf32, #tpu.memory_space<vmem_shared>>) offsets(%dma_start3A_182 : memref<128xi32, #tpu.memory_space<vmem>>) semaphore(%arg11 : memref<!tpu.dma_semaphore, #tpu.memory_space<semaphore_mem>>) {add = true}
      %scan3A_186 = arith.constant 0 : i32
      scf.yield %scan3A_186 : i32
    }
    %scan3A_109 = arith.constant 78 : i32
    %dma_wait3A_110 = arith.constant 0 : i32
    %dma_wait3A_111 = arith.constant 0 : i32
    %dma_wait3A_112 = arith.constant 0 : i32
    %dma_wait3A_113 = arith.constant 0 : i32
    %dma_wait3A_114 = arith.constant 0 : i32
    %dma_wait3A_115 = tpu.memref_slice %arg6[%dma_wait3A_112, %dma_wait3A_113, %dma_wait3A_114] : memref<3x128x16xf32, #tpu.memory_space<vmem>> -> memref<1x128x16xf32, #tpu.memory_space<vmem>>
    %dma_wait3A_116 = tpu.memref_squeeze %dma_wait3A_115 : memref<1x128x16xf32, #tpu.memory_space<vmem>> -> memref<128x16xf32, #tpu.memory_space<vmem>>
    %dma_wait3A_117 = arith.constant 0 : i32
    %dma_wait3A_118 = tpu.memref_slice %arg5[%dma_wait3A_110, %dma_wait3A_111, %dma_wait3A_117] : memref<79x2x128xi32, #tpu.memory_space<vmem>> -> memref<1x1x128xi32, #tpu.memory_space<vmem>>
    %dma_wait3A_119 = tpu.memref_squeeze %dma_wait3A_118 : memref<1x1x128xi32, #tpu.memory_space<vmem>> -> memref<128xi32, #tpu.memory_space<vmem>>
    %dma_wait3A_120 = arith.constant 0 : i32
    %dma_wait3A_121 = arith.constant 0 : i32
    %dma_wait3A_122 = tpu.memref_slice %arg2[%dma_wait3A_120, %dma_wait3A_121] : memref<10240x16xf32, #tpu.memory_space<hbm>> -> memref<10240x16xf32, #tpu.memory_space<hbm>>
    tpu.wait_indirect_dma semaphore(%arg11 : memref<!tpu.dma_semaphore, #tpu.memory_space<semaphore_mem>>) src(%dma_wait3A_122 : memref<10240x16xf32, #tpu.memory_space<hbm>>) dst(%dma_wait3A_116 : memref<128x16xf32, #tpu.memory_space<vmem>>)
    %dma_wait3A_123 = arith.constant 0 : i32
    %dma_wait3A_124 = arith.constant 0 : i32
    %dma_wait3A_125 = arith.constant 0 : i32
    %dma_wait3A_126 = arith.constant 0 : i32
    %dma_wait3A_127 = arith.constant 0 : i32
    %dma_wait3A_128 = tpu.memref_slice %arg6[%dma_wait3A_125, %dma_wait3A_126, %dma_wait3A_127] : memref<3x128x16xf32, #tpu.memory_space<vmem>> -> memref<1x128x16xf32, #tpu.memory_space<vmem>>
    %dma_wait3A_129 = tpu.memref_squeeze %dma_wait3A_128 : memref<1x128x16xf32, #tpu.memory_space<vmem>> -> memref<128x16xf32, #tpu.memory_space<vmem>>
    %dma_wait3A_130 = arith.constant 0 : i32
    %dma_wait3A_131 = tpu.memref_slice %arg5[%dma_wait3A_123, %dma_wait3A_124, %dma_wait3A_130] : memref<79x2x128xi32, #tpu.memory_space<vmem>> -> memref<1x1x128xi32, #tpu.memory_space<vmem>>
    %dma_wait3A_132 = tpu.memref_squeeze %dma_wait3A_131 : memref<1x1x128xi32, #tpu.memory_space<vmem>> -> memref<128xi32, #tpu.memory_space<vmem>>
    %dma_wait3A_133 = arith.constant 0 : i32
    %dma_wait3A_134 = arith.constant 0 : i32
    %dma_wait3A_135 = tpu.memref_slice %arg2[%dma_wait3A_133, %dma_wait3A_134] : memref<10240x16xf32, #tpu.memory_space<hbm>> -> memref<10240x16xf32, #tpu.memory_space<hbm>>
    tpu.wait_indirect_dma semaphore(%arg11 : memref<!tpu.dma_semaphore, #tpu.memory_space<semaphore_mem>>) src(%dma_wait3A_135 : memref<10240x16xf32, #tpu.memory_space<hbm>>) dst(%dma_wait3A_129 : memref<128x16xf32, #tpu.memory_space<vmem>>)
    %dma_wait3A_136 = arith.constant 0 : i32
    %dma_wait3A_137 = arith.constant 0 : i32
    %dma_wait3A_138 = arith.constant 0 : i32
    %dma_wait3A_139 = arith.constant 0 : i32
    %dma_wait3A_140 = arith.constant 0 : i32
    %dma_wait3A_141 = tpu.memref_slice %arg6[%dma_wait3A_138, %dma_wait3A_139, %dma_wait3A_140] : memref<3x128x16xf32, #tpu.memory_space<vmem>> -> memref<1x128x16xf32, #tpu.memory_space<vmem>>
    %dma_wait3A_142 = tpu.memref_squeeze %dma_wait3A_141 : memref<1x128x16xf32, #tpu.memory_space<vmem>> -> memref<128x16xf32, #tpu.memory_space<vmem>>
    %dma_wait3A_143 = arith.constant 0 : i32
    %dma_wait3A_144 = tpu.memref_slice %arg5[%dma_wait3A_136, %dma_wait3A_137, %dma_wait3A_143] : memref<79x2x128xi32, #tpu.memory_space<vmem>> -> memref<1x1x128xi32, #tpu.memory_space<vmem>>
    %dma_wait3A_145 = tpu.memref_squeeze %dma_wait3A_144 : memref<1x1x128xi32, #tpu.memory_space<vmem>> -> memref<128xi32, #tpu.memory_space<vmem>>
    %dma_wait3A_146 = arith.constant 0 : i32
    %dma_wait3A_147 = arith.constant 0 : i32
    %dma_wait3A_148 = tpu.memref_slice %arg2[%dma_wait3A_146, %dma_wait3A_147] : memref<10240x16xf32, #tpu.memory_space<hbm>> -> memref<10240x16xf32, #tpu.memory_space<hbm>>
    tpu.wait_indirect_dma semaphore(%arg11 : memref<!tpu.dma_semaphore, #tpu.memory_space<semaphore_mem>>) src(%dma_wait3A_148 : memref<10240x16xf32, #tpu.memory_space<hbm>>) dst(%dma_wait3A_142 : memref<128x16xf32, #tpu.memory_space<vmem>>)
    %barrier3A_149 = arith.constant 0 : index
    tpu.barrier barrier_id(%barrier3A_149)
    %mul3A_150 = arith.constant 640 : i32
    %mul3A_151 = arith.muli %arg1, %mul3A_150 : i32
    %mul3A_152 = arith.constant 640 : i32
    %mul3A_153 = arith.muli %arg1, %mul3A_152 : i32
    "tpu.region"() ({
      %run_scoped3A = tpu.sem_alloc : memref<!tpu.dma_semaphore, #tpu.memory_space<semaphore_mem>>
      %dma_start3A_154 = arith.constant 0 : i32
      %dma_start3A_155 = arith.constant 0 : i32
      %dma_start3A_156 = tpu.memref_slice %arg4[%arg0, %dma_start3A_154, %dma_start3A_155] : memref<2x10240x16xf32, #tpu.memory_space<hbm>> -> memref<1x10240x16xf32, #tpu.memory_space<hbm>>
      %dma_start3A_157 = tpu.memref_squeeze %dma_start3A_156 : memref<1x10240x16xf32, #tpu.memory_space<hbm>> -> memref<10240x16xf32, #tpu.memory_space<hbm>>
      %dma_start3A_158 = arith.constant 0 : i32
      %dma_start3A_159 = tpu.memref_slice %dma_start3A_157[%mul3A_153, %dma_start3A_158] : memref<10240x16xf32, #tpu.memory_space<hbm>> -> memref<640x16xf32, #tpu.memory_space<hbm>>
      %dma_start3A_160 = arith.constant 0 : i32
      %dma_start3A_161 = tpu.memref_slice %arg8[%mul3A_151, %dma_start3A_160] : memref<10240x16xf32, #tpu.memory_space<vmem_shared>> -> memref<640x16xf32, #tpu.memory_space<vmem_shared>>
      tpu.enqueue_dma source(%dma_start3A_161 : memref<640x16xf32, #tpu.memory_space<vmem_shared>>) target(%dma_start3A_159 : memref<640x16xf32, #tpu.memory_space<hbm>>) target_semaphore(%run_scoped3A : memref<!tpu.dma_semaphore, #tpu.memory_space<semaphore_mem>>)
      %dma_wait3A_162 = arith.constant 0 : i32
      %dma_wait3A_163 = arith.constant 0 : i32
      %dma_wait3A_164 = tpu.memref_slice %arg4[%arg0, %dma_wait3A_162, %dma_wait3A_163] : memref<2x10240x16xf32, #tpu.memory_space<hbm>> -> memref<1x10240x16xf32, #tpu.memory_space<hbm>>
      %dma_wait3A_165 = tpu.memref_squeeze %dma_wait3A_164 : memref<1x10240x16xf32, #tpu.memory_space<hbm>> -> memref<10240x16xf32, #tpu.memory_space<hbm>>
      %dma_wait3A_166 = arith.constant 0 : i32
      %dma_wait3A_167 = tpu.memref_slice %dma_wait3A_165[%mul3A_153, %dma_wait3A_166] : memref<10240x16xf32, #tpu.memory_space<hbm>> -> memref<640x16xf32, #tpu.memory_space<hbm>>
      %dma_wait3A_168 = arith.constant 0 : i32
      %dma_wait3A_169 = tpu.memref_slice %arg8[%mul3A_151, %dma_wait3A_168] : memref<10240x16xf32, #tpu.memory_space<vmem_shared>> -> memref<640x16xf32, #tpu.memory_space<vmem_shared>>
      tpu.wait_dma2 semaphore(%run_scoped3A : memref<!tpu.dma_semaphore, #tpu.memory_space<semaphore_mem>>) src(%dma_wait3A_169 : memref<640x16xf32, #tpu.memory_space<vmem_shared>>) dst(%dma_wait3A_167 : memref<640x16xf32, #tpu.memory_space<hbm>>)
      tpu.yield
    }) : () -> ()
    return
  }
}

module attributes {stable_mosaic.version = 14 : i64} {
  func.func @_qd_mm_body(%arg0: memref<10000x128xf32, #tpu.memory_space<vmem>>, %arg1: memref<128x16xf32, #tpu.memory_space<vmem>>, %arg2: memref<10000x16xf32, #tpu.memory_space<vmem>>) attributes {dimension_semantics = [], scalar_prefetch = 0 : i64, scratch_operands = 0 : i64, tpu.core_type = #tpu.core_type<tc>} {
    %get3A = arith.constant 0 : index
    %get3A_0 = arith.constant 0 : index
    %get3A_1 = vector.load %arg0[%get3A, %get3A_0] : memref<10000x128xf32, #tpu.memory_space<vmem>>, vector<10000x128xf32>
    %prng_seed3A = arith.constant 12301 : i32
    "tpu.prng_set_seed_32"(%prng_seed3A) : (i32) -> ()
    %prng_random_bits3A = "tpu.prng_random_bits"() : () -> vector<10000x128xi32>
    %shift_right_logical3A = arith.constant 8 : i32
    %shift_right_logical3A_2 = vector.broadcast %shift_right_logical3A : i32 to vector<10000x128xi32>
    %shift_right_logical3A_3 = arith.shrui %prng_random_bits3A, %shift_right_logical3A_2 : vector<10000x128xi32>
    %convert_element_type3A = arith.uitofp %shift_right_logical3A_3 : vector<10000x128xi32> to vector<10000x128xf32>
    %mul3A = arith.constant 5.96046448E-8 : f32
    %mul3A_4 = vector.broadcast %mul3A : f32 to vector<10000x128xf32>
    %mul3A_5 = arith.mulf %convert_element_type3A, %mul3A_4 : vector<10000x128xf32>
    %sub3A = arith.constant 5.000000e-01 : f32
    %sub3A_6 = vector.broadcast %sub3A : f32 to vector<10000x128xf32>
    %sub3A_7 = arith.subf %mul3A_5, %sub3A_6 : vector<10000x128xf32>
    %reduce_min3A = arith.constant dense<0x7F800000> : vector<10000xf32>
    %reduce_min3A_8 = vector.multi_reduction <minimumf>, %get3A_1, %reduce_min3A [1] : vector<10000x128xf32> to vector<10000xf32>
    %broadcast_in_dim3A = vector.shape_cast %reduce_min3A_8 : vector<10000xf32> to vector<10000x1xf32>
    %reduce_max3A = arith.constant dense<0xFF800000> : vector<10000xf32>
    %reduce_max3A_9 = vector.multi_reduction <maximumf>, %get3A_1, %reduce_max3A [1] : vector<10000x128xf32> to vector<10000xf32>
    %broadcast_in_dim3A_10 = vector.shape_cast %reduce_max3A_9 : vector<10000xf32> to vector<10000x1xf32>
    %sub3A_11 = arith.subf %broadcast_in_dim3A_10, %broadcast_in_dim3A : vector<10000x1xf32>
    %max3A = arith.constant 9.99999997E-7 : f32
    %max3A_12 = vector.broadcast %max3A : f32 to vector<10000x1xf32>
    %max3A_13 = arith.maximumf %sub3A_11, %max3A_12 : vector<10000x1xf32>
    %div3A = arith.constant 2.550000e+02 : f32
    %div3A_14 = vector.broadcast %div3A : f32 to vector<10000x1xf32>
    %div3A_15 = arith.divf %div3A_14, %max3A_13 : vector<10000x1xf32>
    %sub3A_16 = vector.broadcast %broadcast_in_dim3A : vector<10000x1xf32> to vector<10000x128xf32>
    %sub3A_17 = arith.subf %get3A_1, %sub3A_16 : vector<10000x128xf32>
    %mul3A_18 = vector.broadcast %div3A_15 : vector<10000x1xf32> to vector<10000x128xf32>
    %mul3A_19 = arith.mulf %sub3A_17, %mul3A_18 : vector<10000x128xf32>
    %add3A = arith.addf %mul3A_19, %sub3A_7 : vector<10000x128xf32>
    %round3A = math.roundeven %add3A : vector<10000x128xf32>
    %jit3A = arith.constant 0.000000e+00 : f32
    %jit3A_20 = arith.constant 2.550000e+02 : f32
    %max3A_21 = vector.broadcast %jit3A : f32 to vector<10000x128xf32>
    %max3A_22 = arith.maximumf %max3A_21, %round3A : vector<10000x128xf32>
    %min3A = vector.broadcast %jit3A_20 : f32 to vector<10000x128xf32>
    %min3A_23 = arith.minimumf %min3A, %max3A_22 : vector<10000x128xf32>
    %div3A_24 = vector.broadcast %div3A_15 : vector<10000x1xf32> to vector<10000x128xf32>
    %div3A_25 = arith.divf %min3A_23, %div3A_24 : vector<10000x128xf32>
    %add3A_26 = vector.broadcast %broadcast_in_dim3A : vector<10000x1xf32> to vector<10000x128xf32>
    %add3A_27 = arith.addf %div3A_25, %add3A_26 : vector<10000x128xf32>
    %get3A_28 = arith.constant 0 : index
    %get3A_29 = arith.constant 0 : index
    %get3A_30 = vector.load %arg1[%get3A_28, %get3A_29] : memref<128x16xf32, #tpu.memory_space<vmem>>, vector<128x16xf32>
    %dot_general3A = arith.constant dense<0.000000e+00> : vector<10000x16xf32>
    %dot_general3A_31 = tpu.matmul %add3A_27, %get3A_30, %dot_general3A {dimension_numbers = #tpu.dot_dimension_numbers<[1], [0], [0], [1], [0, 0, 1, 1], [], []>, transpose_lhs_hint = false} : vector<10000x128xf32>, vector<128x16xf32>, vector<10000x16xf32> -> vector<10000x16xf32>
    %swap3A = arith.constant 0 : index
    %swap3A_32 = arith.constant 0 : index
    %swap3A_33 = vector.load %arg2[%swap3A, %swap3A_32] : memref<10000x16xf32, #tpu.memory_space<vmem>>, vector<10000x16xf32>
    tpu.vector_store %arg2[%swap3A, %swap3A_32], %dot_general3A_31 {strides = array<i32>} : memref<10000x16xf32, #tpu.memory_space<vmem>>, vector<10000x16xf32>,
    return
  }
}

module attributes {stable_mosaic.version = 14 : i64} {
  func.func @_combine_relu_qd_mm_body(%arg0: memref<2x1280x128xf32, #tpu.memory_space<vmem>>, %arg1: memref<128x128xf32, #tpu.memory_space<vmem>>, %arg2: memref<1280x128xf32, #tpu.memory_space<vmem>>) attributes {dimension_semantics = [], scalar_prefetch = 0 : i64, scratch_operands = 0 : i64, tpu.core_type = #tpu.core_type<tc>} {
    %get3A = arith.constant 0 : index
    %get3A_0 = arith.constant 0 : index
    %get3A_1 = arith.constant 0 : index
    %get3A_2 = vector.load %arg0[%get3A, %get3A_0, %get3A_1] : memref<2x1280x128xf32, #tpu.memory_space<vmem>>, vector<1x1280x128xf32>
    %get3A_3 = vector.shape_cast %get3A_2 : vector<1x1280x128xf32> to vector<1280x128xf32>
    %get3A_4 = arith.constant 1 : index
    %get3A_5 = arith.constant 0 : index
    %get3A_6 = arith.constant 0 : index
    %get3A_7 = vector.load %arg0[%get3A_4, %get3A_5, %get3A_6] : memref<2x1280x128xf32, #tpu.memory_space<vmem>>, vector<1x1280x128xf32>
    %get3A_8 = vector.shape_cast %get3A_7 : vector<1x1280x128xf32> to vector<1280x128xf32>
    %add3A = arith.addf %get3A_3, %get3A_8 : vector<1280x128xf32>
    %max3A = arith.constant 0.000000e+00 : f32
    %max3A_9 = vector.broadcast %max3A : f32 to vector<1280x128xf32>
    %max3A_10 = arith.maximumf %add3A, %max3A_9 : vector<1280x128xf32>
    %prng_seed3A = arith.constant 12302 : i32
    "tpu.prng_set_seed_32"(%prng_seed3A) : (i32) -> ()
    %prng_random_bits3A = "tpu.prng_random_bits"() : () -> vector<1280x128xi32>
    %shift_right_logical3A = arith.constant 8 : i32
    %shift_right_logical3A_11 = vector.broadcast %shift_right_logical3A : i32 to vector<1280x128xi32>
    %shift_right_logical3A_12 = arith.shrui %prng_random_bits3A, %shift_right_logical3A_11 : vector<1280x128xi32>
    %convert_element_type3A = arith.uitofp %shift_right_logical3A_12 : vector<1280x128xi32> to vector<1280x128xf32>
    %mul3A = arith.constant 5.96046448E-8 : f32
    %mul3A_13 = vector.broadcast %mul3A : f32 to vector<1280x128xf32>
    %mul3A_14 = arith.mulf %convert_element_type3A, %mul3A_13 : vector<1280x128xf32>
    %sub3A = arith.constant 5.000000e-01 : f32
    %sub3A_15 = vector.broadcast %sub3A : f32 to vector<1280x128xf32>
    %sub3A_16 = arith.subf %mul3A_14, %sub3A_15 : vector<1280x128xf32>
    %slice3A = vector.extract_strided_slice %max3A_10 {offsets = [0, 0], sizes = [1280, 16], strides = [1, 1]} : vector<1280x128xf32> to vector<1280x16xf32>
    %reduce_min3A = arith.constant dense<0x7F800000> : vector<1280xf32>
    %reduce_min3A_17 = vector.multi_reduction <minimumf>, %slice3A, %reduce_min3A [1] : vector<1280x16xf32> to vector<1280xf32>
    %broadcast_in_dim3A = vector.shape_cast %reduce_min3A_17 : vector<1280xf32> to vector<1280x1xf32>
    %reduce_max3A = arith.constant dense<0xFF800000> : vector<1280xf32>
    %reduce_max3A_18 = vector.multi_reduction <maximumf>, %slice3A, %reduce_max3A [1] : vector<1280x16xf32> to vector<1280xf32>
    %broadcast_in_dim3A_19 = vector.shape_cast %reduce_max3A_18 : vector<1280xf32> to vector<1280x1xf32>
    %broadcast_in_dim3A_20 = vector.shape_cast %broadcast_in_dim3A : vector<1280x1xf32> to vector<1280x1xf32>
    %broadcast_in_dim3A_21 = vector.broadcast %broadcast_in_dim3A_20 : vector<1280x1xf32> to vector<1280x16xf32>
    %broadcast_in_dim3A_22 = vector.shape_cast %broadcast_in_dim3A_19 : vector<1280x1xf32> to vector<1280x1xf32>
    %broadcast_in_dim3A_23 = vector.broadcast %broadcast_in_dim3A_22 : vector<1280x1xf32> to vector<1280x16xf32>
    %slice3A_24 = vector.extract_strided_slice %max3A_10 {offsets = [0, 16], sizes = [1280, 16], strides = [1, 1]} : vector<1280x128xf32> to vector<1280x16xf32>
    %reduce_min3A_25 = arith.constant dense<0x7F800000> : vector<1280xf32>
    %reduce_min3A_26 = vector.multi_reduction <minimumf>, %slice3A_24, %reduce_min3A_25 [1] : vector<1280x16xf32> to vector<1280xf32>
    %broadcast_in_dim3A_27 = vector.shape_cast %reduce_min3A_26 : vector<1280xf32> to vector<1280x1xf32>
    %reduce_max3A_28 = arith.constant dense<0xFF800000> : vector<1280xf32>
    %reduce_max3A_29 = vector.multi_reduction <maximumf>, %slice3A_24, %reduce_max3A_28 [1] : vector<1280x16xf32> to vector<1280xf32>
    %broadcast_in_dim3A_30 = vector.shape_cast %reduce_max3A_29 : vector<1280xf32> to vector<1280x1xf32>
    %broadcast_in_dim3A_31 = vector.shape_cast %broadcast_in_dim3A_27 : vector<1280x1xf32> to vector<1280x1xf32>
    %broadcast_in_dim3A_32 = vector.broadcast %broadcast_in_dim3A_31 : vector<1280x1xf32> to vector<1280x16xf32>
    %broadcast_in_dim3A_33 = vector.shape_cast %broadcast_in_dim3A_30 : vector<1280x1xf32> to vector<1280x1xf32>
    %broadcast_in_dim3A_34 = vector.broadcast %broadcast_in_dim3A_33 : vector<1280x1xf32> to vector<1280x16xf32>
    %slice3A_35 = vector.extract_strided_slice %max3A_10 {offsets = [0, 32], sizes = [1280, 16], strides = [1, 1]} : vector<1280x128xf32> to vector<1280x16xf32>
    %reduce_min3A_36 = arith.constant dense<0x7F800000> : vector<1280xf32>
    %reduce_min3A_37 = vector.multi_reduction <minimumf>, %slice3A_35, %reduce_min3A_36 [1] : vector<1280x16xf32> to vector<1280xf32>
    %broadcast_in_dim3A_38 = vector.shape_cast %reduce_min3A_37 : vector<1280xf32> to vector<1280x1xf32>
    %reduce_max3A_39 = arith.constant dense<0xFF800000> : vector<1280xf32>
    %reduce_max3A_40 = vector.multi_reduction <maximumf>, %slice3A_35, %reduce_max3A_39 [1] : vector<1280x16xf32> to vector<1280xf32>
    %broadcast_in_dim3A_41 = vector.shape_cast %reduce_max3A_40 : vector<1280xf32> to vector<1280x1xf32>
    %broadcast_in_dim3A_42 = vector.shape_cast %broadcast_in_dim3A_38 : vector<1280x1xf32> to vector<1280x1xf32>
    %broadcast_in_dim3A_43 = vector.broadcast %broadcast_in_dim3A_42 : vector<1280x1xf32> to vector<1280x16xf32>
    %broadcast_in_dim3A_44 = vector.shape_cast %broadcast_in_dim3A_41 : vector<1280x1xf32> to vector<1280x1xf32>
    %broadcast_in_dim3A_45 = vector.broadcast %broadcast_in_dim3A_44 : vector<1280x1xf32> to vector<1280x16xf32>
    %slice3A_46 = vector.extract_strided_slice %max3A_10 {offsets = [0, 48], sizes = [1280, 16], strides = [1, 1]} : vector<1280x128xf32> to vector<1280x16xf32>
    %reduce_min3A_47 = arith.constant dense<0x7F800000> : vector<1280xf32>
    %reduce_min3A_48 = vector.multi_reduction <minimumf>, %slice3A_46, %reduce_min3A_47 [1] : vector<1280x16xf32> to vector<1280xf32>
    %broadcast_in_dim3A_49 = vector.shape_cast %reduce_min3A_48 : vector<1280xf32> to vector<1280x1xf32>
    %reduce_max3A_50 = arith.constant dense<0xFF800000> : vector<1280xf32>
    %reduce_max3A_51 = vector.multi_reduction <maximumf>, %slice3A_46, %reduce_max3A_50 [1] : vector<1280x16xf32> to vector<1280xf32>
    %broadcast_in_dim3A_52 = vector.shape_cast %reduce_max3A_51 : vector<1280xf32> to vector<1280x1xf32>
    %broadcast_in_dim3A_53 = vector.shape_cast %broadcast_in_dim3A_49 : vector<1280x1xf32> to vector<1280x1xf32>
    %broadcast_in_dim3A_54 = vector.broadcast %broadcast_in_dim3A_53 : vector<1280x1xf32> to vector<1280x16xf32>
    %broadcast_in_dim3A_55 = vector.shape_cast %broadcast_in_dim3A_52 : vector<1280x1xf32> to vector<1280x1xf32>
    %broadcast_in_dim3A_56 = vector.broadcast %broadcast_in_dim3A_55 : vector<1280x1xf32> to vector<1280x16xf32>
    %slice3A_57 = vector.extract_strided_slice %max3A_10 {offsets = [0, 64], sizes = [1280, 16], strides = [1, 1]} : vector<1280x128xf32> to vector<1280x16xf32>
    %reduce_min3A_58 = arith.constant dense<0x7F800000> : vector<1280xf32>
    %reduce_min3A_59 = vector.multi_reduction <minimumf>, %slice3A_57, %reduce_min3A_58 [1] : vector<1280x16xf32> to vector<1280xf32>
    %broadcast_in_dim3A_60 = vector.shape_cast %reduce_min3A_59 : vector<1280xf32> to vector<1280x1xf32>
    %reduce_max3A_61 = arith.constant dense<0xFF800000> : vector<1280xf32>
    %reduce_max3A_62 = vector.multi_reduction <maximumf>, %slice3A_57, %reduce_max3A_61 [1] : vector<1280x16xf32> to vector<1280xf32>
    %broadcast_in_dim3A_63 = vector.shape_cast %reduce_max3A_62 : vector<1280xf32> to vector<1280x1xf32>
    %broadcast_in_dim3A_64 = vector.shape_cast %broadcast_in_dim3A_60 : vector<1280x1xf32> to vector<1280x1xf32>
    %broadcast_in_dim3A_65 = vector.broadcast %broadcast_in_dim3A_64 : vector<1280x1xf32> to vector<1280x16xf32>
    %broadcast_in_dim3A_66 = vector.shape_cast %broadcast_in_dim3A_63 : vector<1280x1xf32> to vector<1280x1xf32>
    %broadcast_in_dim3A_67 = vector.broadcast %broadcast_in_dim3A_66 : vector<1280x1xf32> to vector<1280x16xf32>
    %slice3A_68 = vector.extract_strided_slice %max3A_10 {offsets = [0, 80], sizes = [1280, 16], strides = [1, 1]} : vector<1280x128xf32> to vector<1280x16xf32>
    %reduce_min3A_69 = arith.constant dense<0x7F800000> : vector<1280xf32>
    %reduce_min3A_70 = vector.multi_reduction <minimumf>, %slice3A_68, %reduce_min3A_69 [1] : vector<1280x16xf32> to vector<1280xf32>
    %broadcast_in_dim3A_71 = vector.shape_cast %reduce_min3A_70 : vector<1280xf32> to vector<1280x1xf32>
    %reduce_max3A_72 = arith.constant dense<0xFF800000> : vector<1280xf32>
    %reduce_max3A_73 = vector.multi_reduction <maximumf>, %slice3A_68, %reduce_max3A_72 [1] : vector<1280x16xf32> to vector<1280xf32>
    %broadcast_in_dim3A_74 = vector.shape_cast %reduce_max3A_73 : vector<1280xf32> to vector<1280x1xf32>
    %broadcast_in_dim3A_75 = vector.shape_cast %broadcast_in_dim3A_71 : vector<1280x1xf32> to vector<1280x1xf32>
    %broadcast_in_dim3A_76 = vector.broadcast %broadcast_in_dim3A_75 : vector<1280x1xf32> to vector<1280x16xf32>
    %broadcast_in_dim3A_77 = vector.shape_cast %broadcast_in_dim3A_74 : vector<1280x1xf32> to vector<1280x1xf32>
    %broadcast_in_dim3A_78 = vector.broadcast %broadcast_in_dim3A_77 : vector<1280x1xf32> to vector<1280x16xf32>
    %slice3A_79 = vector.extract_strided_slice %max3A_10 {offsets = [0, 96], sizes = [1280, 16], strides = [1, 1]} : vector<1280x128xf32> to vector<1280x16xf32>
    %reduce_min3A_80 = arith.constant dense<0x7F800000> : vector<1280xf32>
    %reduce_min3A_81 = vector.multi_reduction <minimumf>, %slice3A_79, %reduce_min3A_80 [1] : vector<1280x16xf32> to vector<1280xf32>
    %broadcast_in_dim3A_82 = vector.shape_cast %reduce_min3A_81 : vector<1280xf32> to vector<1280x1xf32>
    %reduce_max3A_83 = arith.constant dense<0xFF800000> : vector<1280xf32>
    %reduce_max3A_84 = vector.multi_reduction <maximumf>, %slice3A_79, %reduce_max3A_83 [1] : vector<1280x16xf32> to vector<1280xf32>
    %broadcast_in_dim3A_85 = vector.shape_cast %reduce_max3A_84 : vector<1280xf32> to vector<1280x1xf32>
    %broadcast_in_dim3A_86 = vector.shape_cast %broadcast_in_dim3A_82 : vector<1280x1xf32> to vector<1280x1xf32>
    %broadcast_in_dim3A_87 = vector.broadcast %broadcast_in_dim3A_86 : vector<1280x1xf32> to vector<1280x16xf32>
    %broadcast_in_dim3A_88 = vector.shape_cast %broadcast_in_dim3A_85 : vector<1280x1xf32> to vector<1280x1xf32>
    %broadcast_in_dim3A_89 = vector.broadcast %broadcast_in_dim3A_88 : vector<1280x1xf32> to vector<1280x16xf32>
    %slice3A_90 = vector.extract_strided_slice %max3A_10 {offsets = [0, 112], sizes = [1280, 16], strides = [1, 1]} : vector<1280x128xf32> to vector<1280x16xf32>
    %reduce_min3A_91 = arith.constant dense<0x7F800000> : vector<1280xf32>
    %reduce_min3A_92 = vector.multi_reduction <minimumf>, %slice3A_90, %reduce_min3A_91 [1] : vector<1280x16xf32> to vector<1280xf32>
    %broadcast_in_dim3A_93 = vector.shape_cast %reduce_min3A_92 : vector<1280xf32> to vector<1280x1xf32>
    %reduce_max3A_94 = arith.constant dense<0xFF800000> : vector<1280xf32>
    %reduce_max3A_95 = vector.multi_reduction <maximumf>, %slice3A_90, %reduce_max3A_94 [1] : vector<1280x16xf32> to vector<1280xf32>
    %broadcast_in_dim3A_96 = vector.shape_cast %reduce_max3A_95 : vector<1280xf32> to vector<1280x1xf32>
    %broadcast_in_dim3A_97 = vector.shape_cast %broadcast_in_dim3A_93 : vector<1280x1xf32> to vector<1280x1xf32>
    %broadcast_in_dim3A_98 = vector.broadcast %broadcast_in_dim3A_97 : vector<1280x1xf32> to vector<1280x16xf32>
    %broadcast_in_dim3A_99 = vector.shape_cast %broadcast_in_dim3A_96 : vector<1280x1xf32> to vector<1280x1xf32>
    %broadcast_in_dim3A_100 = vector.broadcast %broadcast_in_dim3A_99 : vector<1280x1xf32> to vector<1280x16xf32>
    %concatenate3A = tpu.concatenate %broadcast_in_dim3A_21, %broadcast_in_dim3A_32, %broadcast_in_dim3A_43, %broadcast_in_dim3A_54, %broadcast_in_dim3A_65, %broadcast_in_dim3A_76, %broadcast_in_dim3A_87, %broadcast_in_dim3A_98 in 1 : vector<1280x16xf32>, vector<1280x16xf32>, vector<1280x16xf32>, vector<1280x16xf32>, vector<1280x16xf32>, vector<1280x16xf32>, vector<1280x16xf32>, vector<1280x16xf32> -> vector<1280x128xf32>
    %concatenate3A_101 = tpu.concatenate %broadcast_in_dim3A_23, %broadcast_in_dim3A_34, %broadcast_in_dim3A_45, %broadcast_in_dim3A_56, %broadcast_in_dim3A_67, %broadcast_in_dim3A_78, %broadcast_in_dim3A_89, %broadcast_in_dim3A_100 in 1 : vector<1280x16xf32>, vector<1280x16xf32>, vector<1280x16xf32>, vector<1280x16xf32>, vector<1280x16xf32>, vector<1280x16xf32>, vector<1280x16xf32>, vector<1280x16xf32> -> vector<1280x128xf32>
    %sub3A_102 = arith.subf %concatenate3A_101, %concatenate3A : vector<1280x128xf32>
    %max3A_103 = arith.constant 9.99999997E-7 : f32
    %max3A_104 = vector.broadcast %max3A_103 : f32 to vector<1280x128xf32>
    %max3A_105 = arith.maximumf %sub3A_102, %max3A_104 : vector<1280x128xf32>
    %div3A = arith.constant 2.550000e+02 : f32
    %div3A_106 = vector.broadcast %div3A : f32 to vector<1280x128xf32>
    %div3A_107 = arith.divf %div3A_106, %max3A_105 : vector<1280x128xf32>
    %sub3A_108 = arith.subf %max3A_10, %concatenate3A : vector<1280x128xf32>
    %mul3A_109 = arith.mulf %sub3A_108, %div3A_107 : vector<1280x128xf32>
    %add3A_110 = arith.addf %mul3A_109, %sub3A_16 : vector<1280x128xf32>
    %round3A = math.roundeven %add3A_110 : vector<1280x128xf32>
    %jit3A = arith.constant 0.000000e+00 : f32
    %jit3A_111 = arith.constant 2.550000e+02 : f32
    %max3A_112 = vector.broadcast %jit3A : f32 to vector<1280x128xf32>
    %max3A_113 = arith.maximumf %max3A_112, %round3A : vector<1280x128xf32>
    %min3A = vector.broadcast %jit3A_111 : f32 to vector<1280x128xf32>
    %min3A_114 = arith.minimumf %min3A, %max3A_113 : vector<1280x128xf32>
    %div3A_115 = arith.divf %min3A_114, %div3A_107 : vector<1280x128xf32>
    %add3A_116 = arith.addf %div3A_115, %concatenate3A : vector<1280x128xf32>
    %get3A_117 = arith.constant 0 : index
    %get3A_118 = arith.constant 0 : index
    %get3A_119 = vector.load %arg1[%get3A_117, %get3A_118] : memref<128x128xf32, #tpu.memory_space<vmem>>, vector<128x128xf32>
    %dot_general3A = arith.constant dense<0.000000e+00> : vector<1280x128xf32>
    %dot_general3A_120 = tpu.matmul %add3A_116, %get3A_119, %dot_general3A {dimension_numbers = #tpu.dot_dimension_numbers<[1], [0], [0], [1], [0, 0, 1, 1], [], []>, transpose_lhs_hint = false} : vector<1280x128xf32>, vector<128x128xf32>, vector<1280x128xf32> -> vector<1280x128xf32>
    %swap3A = arith.constant 0 : index
    %swap3A_121 = arith.constant 0 : index
    %swap3A_122 = vector.load %arg2[%swap3A, %swap3A_121] : memref<1280x128xf32, #tpu.memory_space<vmem>>, vector<1280x128xf32>
    tpu.vector_store %arg2[%swap3A, %swap3A_121], %dot_general3A_120 {strides = array<i32>} : memref<1280x128xf32, #tpu.memory_space<vmem>>, vector<1280x128xf32>,
    return
  }
}

module attributes {stable_mosaic.version = 14 : i64} {
  func.func @_combine_relu_qd_body(%arg0: memref<2x1280x128xf32, #tpu.memory_space<vmem>>, %arg1: memref<1280x128xf32, #tpu.memory_space<vmem>>) attributes {dimension_semantics = [], scalar_prefetch = 0 : i64, scratch_operands = 0 : i64, tpu.core_type = #tpu.core_type<tc>} {
    %get3A = arith.constant 0 : index
    %get3A_0 = arith.constant 0 : index
    %get3A_1 = arith.constant 0 : index
    %get3A_2 = vector.load %arg0[%get3A, %get3A_0, %get3A_1] : memref<2x1280x128xf32, #tpu.memory_space<vmem>>, vector<1x1280x128xf32>
    %get3A_3 = vector.shape_cast %get3A_2 : vector<1x1280x128xf32> to vector<1280x128xf32>
    %get3A_4 = arith.constant 1 : index
    %get3A_5 = arith.constant 0 : index
    %get3A_6 = arith.constant 0 : index
    %get3A_7 = vector.load %arg0[%get3A_4, %get3A_5, %get3A_6] : memref<2x1280x128xf32, #tpu.memory_space<vmem>>, vector<1x1280x128xf32>
    %get3A_8 = vector.shape_cast %get3A_7 : vector<1x1280x128xf32> to vector<1280x128xf32>
    %add3A = arith.addf %get3A_3, %get3A_8 : vector<1280x128xf32>
    %max3A = arith.constant 0.000000e+00 : f32
    %max3A_9 = vector.broadcast %max3A : f32 to vector<1280x128xf32>
    %max3A_10 = arith.maximumf %add3A, %max3A_9 : vector<1280x128xf32>
    %prng_seed3A = arith.constant 12303 : i32
    "tpu.prng_set_seed_32"(%prng_seed3A) : (i32) -> ()
    %prng_random_bits3A = "tpu.prng_random_bits"() : () -> vector<1280x128xi32>
    %shift_right_logical3A = arith.constant 8 : i32
    %shift_right_logical3A_11 = vector.broadcast %shift_right_logical3A : i32 to vector<1280x128xi32>
    %shift_right_logical3A_12 = arith.shrui %prng_random_bits3A, %shift_right_logical3A_11 : vector<1280x128xi32>
    %convert_element_type3A = arith.uitofp %shift_right_logical3A_12 : vector<1280x128xi32> to vector<1280x128xf32>
    %mul3A = arith.constant 5.96046448E-8 : f32
    %mul3A_13 = vector.broadcast %mul3A : f32 to vector<1280x128xf32>
    %mul3A_14 = arith.mulf %convert_element_type3A, %mul3A_13 : vector<1280x128xf32>
    %sub3A = arith.constant 5.000000e-01 : f32
    %sub3A_15 = vector.broadcast %sub3A : f32 to vector<1280x128xf32>
    %sub3A_16 = arith.subf %mul3A_14, %sub3A_15 : vector<1280x128xf32>
    %slice3A = vector.extract_strided_slice %max3A_10 {offsets = [0, 0], sizes = [1280, 16], strides = [1, 1]} : vector<1280x128xf32> to vector<1280x16xf32>
    %reduce_min3A = arith.constant dense<0x7F800000> : vector<1280xf32>
    %reduce_min3A_17 = vector.multi_reduction <minimumf>, %slice3A, %reduce_min3A [1] : vector<1280x16xf32> to vector<1280xf32>
    %broadcast_in_dim3A = vector.shape_cast %reduce_min3A_17 : vector<1280xf32> to vector<1280x1xf32>
    %reduce_max3A = arith.constant dense<0xFF800000> : vector<1280xf32>
    %reduce_max3A_18 = vector.multi_reduction <maximumf>, %slice3A, %reduce_max3A [1] : vector<1280x16xf32> to vector<1280xf32>
    %broadcast_in_dim3A_19 = vector.shape_cast %reduce_max3A_18 : vector<1280xf32> to vector<1280x1xf32>
    %broadcast_in_dim3A_20 = vector.shape_cast %broadcast_in_dim3A : vector<1280x1xf32> to vector<1280x1xf32>
    %broadcast_in_dim3A_21 = vector.broadcast %broadcast_in_dim3A_20 : vector<1280x1xf32> to vector<1280x16xf32>
    %broadcast_in_dim3A_22 = vector.shape_cast %broadcast_in_dim3A_19 : vector<1280x1xf32> to vector<1280x1xf32>
    %broadcast_in_dim3A_23 = vector.broadcast %broadcast_in_dim3A_22 : vector<1280x1xf32> to vector<1280x16xf32>
    %slice3A_24 = vector.extract_strided_slice %max3A_10 {offsets = [0, 16], sizes = [1280, 16], strides = [1, 1]} : vector<1280x128xf32> to vector<1280x16xf32>
    %reduce_min3A_25 = arith.constant dense<0x7F800000> : vector<1280xf32>
    %reduce_min3A_26 = vector.multi_reduction <minimumf>, %slice3A_24, %reduce_min3A_25 [1] : vector<1280x16xf32> to vector<1280xf32>
    %broadcast_in_dim3A_27 = vector.shape_cast %reduce_min3A_26 : vector<1280xf32> to vector<1280x1xf32>
    %reduce_max3A_28 = arith.constant dense<0xFF800000> : vector<1280xf32>
    %reduce_max3A_29 = vector.multi_reduction <maximumf>, %slice3A_24, %reduce_max3A_28 [1] : vector<1280x16xf32> to vector<1280xf32>
    %broadcast_in_dim3A_30 = vector.shape_cast %reduce_max3A_29 : vector<1280xf32> to vector<1280x1xf32>
    %broadcast_in_dim3A_31 = vector.shape_cast %broadcast_in_dim3A_27 : vector<1280x1xf32> to vector<1280x1xf32>
    %broadcast_in_dim3A_32 = vector.broadcast %broadcast_in_dim3A_31 : vector<1280x1xf32> to vector<1280x16xf32>
    %broadcast_in_dim3A_33 = vector.shape_cast %broadcast_in_dim3A_30 : vector<1280x1xf32> to vector<1280x1xf32>
    %broadcast_in_dim3A_34 = vector.broadcast %broadcast_in_dim3A_33 : vector<1280x1xf32> to vector<1280x16xf32>
    %slice3A_35 = vector.extract_strided_slice %max3A_10 {offsets = [0, 32], sizes = [1280, 16], strides = [1, 1]} : vector<1280x128xf32> to vector<1280x16xf32>
    %reduce_min3A_36 = arith.constant dense<0x7F800000> : vector<1280xf32>
    %reduce_min3A_37 = vector.multi_reduction <minimumf>, %slice3A_35, %reduce_min3A_36 [1] : vector<1280x16xf32> to vector<1280xf32>
    %broadcast_in_dim3A_38 = vector.shape_cast %reduce_min3A_37 : vector<1280xf32> to vector<1280x1xf32>
    %reduce_max3A_39 = arith.constant dense<0xFF800000> : vector<1280xf32>
    %reduce_max3A_40 = vector.multi_reduction <maximumf>, %slice3A_35, %reduce_max3A_39 [1] : vector<1280x16xf32> to vector<1280xf32>
    %broadcast_in_dim3A_41 = vector.shape_cast %reduce_max3A_40 : vector<1280xf32> to vector<1280x1xf32>
    %broadcast_in_dim3A_42 = vector.shape_cast %broadcast_in_dim3A_38 : vector<1280x1xf32> to vector<1280x1xf32>
    %broadcast_in_dim3A_43 = vector.broadcast %broadcast_in_dim3A_42 : vector<1280x1xf32> to vector<1280x16xf32>
    %broadcast_in_dim3A_44 = vector.shape_cast %broadcast_in_dim3A_41 : vector<1280x1xf32> to vector<1280x1xf32>
    %broadcast_in_dim3A_45 = vector.broadcast %broadcast_in_dim3A_44 : vector<1280x1xf32> to vector<1280x16xf32>
    %slice3A_46 = vector.extract_strided_slice %max3A_10 {offsets = [0, 48], sizes = [1280, 16], strides = [1, 1]} : vector<1280x128xf32> to vector<1280x16xf32>
    %reduce_min3A_47 = arith.constant dense<0x7F800000> : vector<1280xf32>
    %reduce_min3A_48 = vector.multi_reduction <minimumf>, %slice3A_46, %reduce_min3A_47 [1] : vector<1280x16xf32> to vector<1280xf32>
    %broadcast_in_dim3A_49 = vector.shape_cast %reduce_min3A_48 : vector<1280xf32> to vector<1280x1xf32>
    %reduce_max3A_50 = arith.constant dense<0xFF800000> : vector<1280xf32>
    %reduce_max3A_51 = vector.multi_reduction <maximumf>, %slice3A_46, %reduce_max3A_50 [1] : vector<1280x16xf32> to vector<1280xf32>
    %broadcast_in_dim3A_52 = vector.shape_cast %reduce_max3A_51 : vector<1280xf32> to vector<1280x1xf32>
    %broadcast_in_dim3A_53 = vector.shape_cast %broadcast_in_dim3A_49 : vector<1280x1xf32> to vector<1280x1xf32>
    %broadcast_in_dim3A_54 = vector.broadcast %broadcast_in_dim3A_53 : vector<1280x1xf32> to vector<1280x16xf32>
    %broadcast_in_dim3A_55 = vector.shape_cast %broadcast_in_dim3A_52 : vector<1280x1xf32> to vector<1280x1xf32>
    %broadcast_in_dim3A_56 = vector.broadcast %broadcast_in_dim3A_55 : vector<1280x1xf32> to vector<1280x16xf32>
    %slice3A_57 = vector.extract_strided_slice %max3A_10 {offsets = [0, 64], sizes = [1280, 16], strides = [1, 1]} : vector<1280x128xf32> to vector<1280x16xf32>
    %reduce_min3A_58 = arith.constant dense<0x7F800000> : vector<1280xf32>
    %reduce_min3A_59 = vector.multi_reduction <minimumf>, %slice3A_57, %reduce_min3A_58 [1] : vector<1280x16xf32> to vector<1280xf32>
    %broadcast_in_dim3A_60 = vector.shape_cast %reduce_min3A_59 : vector<1280xf32> to vector<1280x1xf32>
    %reduce_max3A_61 = arith.constant dense<0xFF800000> : vector<1280xf32>
    %reduce_max3A_62 = vector.multi_reduction <maximumf>, %slice3A_57, %reduce_max3A_61 [1] : vector<1280x16xf32> to vector<1280xf32>
    %broadcast_in_dim3A_63 = vector.shape_cast %reduce_max3A_62 : vector<1280xf32> to vector<1280x1xf32>
    %broadcast_in_dim3A_64 = vector.shape_cast %broadcast_in_dim3A_60 : vector<1280x1xf32> to vector<1280x1xf32>
    %broadcast_in_dim3A_65 = vector.broadcast %broadcast_in_dim3A_64 : vector<1280x1xf32> to vector<1280x16xf32>
    %broadcast_in_dim3A_66 = vector.shape_cast %broadcast_in_dim3A_63 : vector<1280x1xf32> to vector<1280x1xf32>
    %broadcast_in_dim3A_67 = vector.broadcast %broadcast_in_dim3A_66 : vector<1280x1xf32> to vector<1280x16xf32>
    %slice3A_68 = vector.extract_strided_slice %max3A_10 {offsets = [0, 80], sizes = [1280, 16], strides = [1, 1]} : vector<1280x128xf32> to vector<1280x16xf32>
    %reduce_min3A_69 = arith.constant dense<0x7F800000> : vector<1280xf32>
    %reduce_min3A_70 = vector.multi_reduction <minimumf>, %slice3A_68, %reduce_min3A_69 [1] : vector<1280x16xf32> to vector<1280xf32>
    %broadcast_in_dim3A_71 = vector.shape_cast %reduce_min3A_70 : vector<1280xf32> to vector<1280x1xf32>
    %reduce_max3A_72 = arith.constant dense<0xFF800000> : vector<1280xf32>
    %reduce_max3A_73 = vector.multi_reduction <maximumf>, %slice3A_68, %reduce_max3A_72 [1] : vector<1280x16xf32> to vector<1280xf32>
    %broadcast_in_dim3A_74 = vector.shape_cast %reduce_max3A_73 : vector<1280xf32> to vector<1280x1xf32>
    %broadcast_in_dim3A_75 = vector.shape_cast %broadcast_in_dim3A_71 : vector<1280x1xf32> to vector<1280x1xf32>
    %broadcast_in_dim3A_76 = vector.broadcast %broadcast_in_dim3A_75 : vector<1280x1xf32> to vector<1280x16xf32>
    %broadcast_in_dim3A_77 = vector.shape_cast %broadcast_in_dim3A_74 : vector<1280x1xf32> to vector<1280x1xf32>
    %broadcast_in_dim3A_78 = vector.broadcast %broadcast_in_dim3A_77 : vector<1280x1xf32> to vector<1280x16xf32>
    %slice3A_79 = vector.extract_strided_slice %max3A_10 {offsets = [0, 96], sizes = [1280, 16], strides = [1, 1]} : vector<1280x128xf32> to vector<1280x16xf32>
    %reduce_min3A_80 = arith.constant dense<0x7F800000> : vector<1280xf32>
    %reduce_min3A_81 = vector.multi_reduction <minimumf>, %slice3A_79, %reduce_min3A_80 [1] : vector<1280x16xf32> to vector<1280xf32>
    %broadcast_in_dim3A_82 = vector.shape_cast %reduce_min3A_81 : vector<1280xf32> to vector<1280x1xf32>
    %reduce_max3A_83 = arith.constant dense<0xFF800000> : vector<1280xf32>
    %reduce_max3A_84 = vector.multi_reduction <maximumf>, %slice3A_79, %reduce_max3A_83 [1] : vector<1280x16xf32> to vector<1280xf32>
    %broadcast_in_dim3A_85 = vector.shape_cast %reduce_max3A_84 : vector<1280xf32> to vector<1280x1xf32>
    %broadcast_in_dim3A_86 = vector.shape_cast %broadcast_in_dim3A_82 : vector<1280x1xf32> to vector<1280x1xf32>
    %broadcast_in_dim3A_87 = vector.broadcast %broadcast_in_dim3A_86 : vector<1280x1xf32> to vector<1280x16xf32>
    %broadcast_in_dim3A_88 = vector.shape_cast %broadcast_in_dim3A_85 : vector<1280x1xf32> to vector<1280x1xf32>
    %broadcast_in_dim3A_89 = vector.broadcast %broadcast_in_dim3A_88 : vector<1280x1xf32> to vector<1280x16xf32>
    %slice3A_90 = vector.extract_strided_slice %max3A_10 {offsets = [0, 112], sizes = [1280, 16], strides = [1, 1]} : vector<1280x128xf32> to vector<1280x16xf32>
    %reduce_min3A_91 = arith.constant dense<0x7F800000> : vector<1280xf32>
    %reduce_min3A_92 = vector.multi_reduction <minimumf>, %slice3A_90, %reduce_min3A_91 [1] : vector<1280x16xf32> to vector<1280xf32>
    %broadcast_in_dim3A_93 = vector.shape_cast %reduce_min3A_92 : vector<1280xf32> to vector<1280x1xf32>
    %reduce_max3A_94 = arith.constant dense<0xFF800000> : vector<1280xf32>
    %reduce_max3A_95 = vector.multi_reduction <maximumf>, %slice3A_90, %reduce_max3A_94 [1] : vector<1280x16xf32> to vector<1280xf32>
    %broadcast_in_dim3A_96 = vector.shape_cast %reduce_max3A_95 : vector<1280xf32> to vector<1280x1xf32>
    %broadcast_in_dim3A_97 = vector.shape_cast %broadcast_in_dim3A_93 : vector<1280x1xf32> to vector<1280x1xf32>
    %broadcast_in_dim3A_98 = vector.broadcast %broadcast_in_dim3A_97 : vector<1280x1xf32> to vector<1280x16xf32>
    %broadcast_in_dim3A_99 = vector.shape_cast %broadcast_in_dim3A_96 : vector<1280x1xf32> to vector<1280x1xf32>
    %broadcast_in_dim3A_100 = vector.broadcast %broadcast_in_dim3A_99 : vector<1280x1xf32> to vector<1280x16xf32>
    %concatenate3A = tpu.concatenate %broadcast_in_dim3A_21, %broadcast_in_dim3A_32, %broadcast_in_dim3A_43, %broadcast_in_dim3A_54, %broadcast_in_dim3A_65, %broadcast_in_dim3A_76, %broadcast_in_dim3A_87, %broadcast_in_dim3A_98 in 1 : vector<1280x16xf32>, vector<1280x16xf32>, vector<1280x16xf32>, vector<1280x16xf32>, vector<1280x16xf32>, vector<1280x16xf32>, vector<1280x16xf32>, vector<1280x16xf32> -> vector<1280x128xf32>
    %concatenate3A_101 = tpu.concatenate %broadcast_in_dim3A_23, %broadcast_in_dim3A_34, %broadcast_in_dim3A_45, %broadcast_in_dim3A_56, %broadcast_in_dim3A_67, %broadcast_in_dim3A_78, %broadcast_in_dim3A_89, %broadcast_in_dim3A_100 in 1 : vector<1280x16xf32>, vector<1280x16xf32>, vector<1280x16xf32>, vector<1280x16xf32>, vector<1280x16xf32>, vector<1280x16xf32>, vector<1280x16xf32>, vector<1280x16xf32> -> vector<1280x128xf32>
    %sub3A_102 = arith.subf %concatenate3A_101, %concatenate3A : vector<1280x128xf32>
    %max3A_103 = arith.constant 9.99999997E-7 : f32
    %max3A_104 = vector.broadcast %max3A_103 : f32 to vector<1280x128xf32>
    %max3A_105 = arith.maximumf %sub3A_102, %max3A_104 : vector<1280x128xf32>
    %div3A = arith.constant 2.550000e+02 : f32
    %div3A_106 = vector.broadcast %div3A : f32 to vector<1280x128xf32>
    %div3A_107 = arith.divf %div3A_106, %max3A_105 : vector<1280x128xf32>
    %sub3A_108 = arith.subf %max3A_10, %concatenate3A : vector<1280x128xf32>
    %mul3A_109 = arith.mulf %sub3A_108, %div3A_107 : vector<1280x128xf32>
    %add3A_110 = arith.addf %mul3A_109, %sub3A_16 : vector<1280x128xf32>
    %round3A = math.roundeven %add3A_110 : vector<1280x128xf32>
    %jit3A = arith.constant 0.000000e+00 : f32
    %jit3A_111 = arith.constant 2.550000e+02 : f32
    %max3A_112 = vector.broadcast %jit3A : f32 to vector<1280x128xf32>
    %max3A_113 = arith.maximumf %max3A_112, %round3A : vector<1280x128xf32>
    %min3A = vector.broadcast %jit3A_111 : f32 to vector<1280x128xf32>
    %min3A_114 = arith.minimumf %min3A, %max3A_113 : vector<1280x128xf32>
    %div3A_115 = arith.divf %min3A_114, %div3A_107 : vector<1280x128xf32>
    %add3A_116 = arith.addf %div3A_115, %concatenate3A : vector<1280x128xf32>
    %swap3A = arith.constant 0 : index
    %swap3A_117 = arith.constant 0 : index
    %swap3A_118 = vector.load %arg1[%swap3A, %swap3A_117] : memref<1280x128xf32, #tpu.memory_space<vmem>>, vector<1280x128xf32>
    tpu.vector_store %arg1[%swap3A, %swap3A_117], %add3A_116 {strides = array<i32>} : memref<1280x128xf32, #tpu.memory_space<vmem>>, vector<1280x128xf32>,
    return
  }
}

module attributes {stable_mosaic.version = 14 : i64} {
  func.func @_combine_mm_body(%arg0: memref<2x10240x16xf32, #tpu.memory_space<vmem>>, %arg1: memref<16x40xf32, #tpu.memory_space<vmem>>, %arg2: memref<40x10000xf32, #tpu.memory_space<vmem>>) attributes {dimension_semantics = [], scalar_prefetch = 0 : i64, scratch_operands = 0 : i64, tpu.core_type = #tpu.core_type<tc>} {
    %get3A = arith.constant 0 : index
    %get3A_0 = arith.constant 0 : index
    %get3A_1 = arith.constant 0 : index
    %get3A_2 = vector.load %arg0[%get3A, %get3A_0, %get3A_1] : memref<2x10240x16xf32, #tpu.memory_space<vmem>>, vector<1x10240x16xf32>
    %get3A_3 = vector.shape_cast %get3A_2 : vector<1x10240x16xf32> to vector<10240x16xf32>
    %get3A_4 = arith.constant 1 : index
    %get3A_5 = arith.constant 0 : index
    %get3A_6 = arith.constant 0 : index
    %get3A_7 = vector.load %arg0[%get3A_4, %get3A_5, %get3A_6] : memref<2x10240x16xf32, #tpu.memory_space<vmem>>, vector<1x10240x16xf32>
    %get3A_8 = vector.shape_cast %get3A_7 : vector<1x10240x16xf32> to vector<10240x16xf32>
    %add3A = arith.addf %get3A_3, %get3A_8 : vector<10240x16xf32>
    %get3A_9 = arith.constant 0 : index
    %get3A_10 = arith.constant 0 : index
    %get3A_11 = vector.load %arg1[%get3A_9, %get3A_10] : memref<16x40xf32, #tpu.memory_space<vmem>>, vector<16x40xf32>
    %dot_general3A = arith.constant dense<0.000000e+00> : vector<40x10240xf32>
    %dot_general3A_12 = tpu.matmul %get3A_11, %add3A, %dot_general3A {dimension_numbers = #tpu.dot_dimension_numbers<[0], [1], [1], [0], [0, 1, 1, 0], [], []>, transpose_lhs_hint = false} : vector<16x40xf32>, vector<10240x16xf32>, vector<40x10240xf32> -> vector<40x10240xf32>
    %slice3A = vector.extract_strided_slice %dot_general3A_12 {offsets = [0, 0], sizes = [40, 10000], strides = [1, 1]} : vector<40x10240xf32> to vector<40x10000xf32>
    %swap3A = arith.constant 0 : index
    %swap3A_13 = arith.constant 0 : index
    %swap3A_14 = vector.load %arg2[%swap3A, %swap3A_13] : memref<40x10000xf32, #tpu.memory_space<vmem>>, vector<40x10000xf32>
    tpu.vector_store %arg2[%swap3A, %swap3A_13], %slice3A {strides = array<i32>} : memref<40x10000xf32, #tpu.memory_space<vmem>>, vector<40x10000xf32>,
    return
  }
}

</mosaic_0001>

<sc_bundles>
// kernel: kernel.12.cloned.1.call-start
scs
__scs_entry_jumppad:
0x0: {  	(pc) =	sbr.rel $0x88, $3  }
0x1: {  	(tag) =	ssettag $0x0;
	lr =	simm.s32 $0x1  }
0x2: {  	[smem:$0x3F9C] =	sst lr;
	_ =	strace $0xD0000000  }
0x3: {  	_ = 	snop  }
0x4: {  	_ = 	snop  }
0x5: {  	_ = 	snop  }
0x6: {  	_ = 	snop  }
0x7: {  	_ = 	snop  }
__scs_overlays_trampoline_lowered:
0x8: {  	[smem:$0x3FAB] =	sst s0  }
0x9: {  	[smem:$0x3FAC] =	sst s1  }
0xa: {  	[smem:$0x3FAD] =	sst s2  }
0xb: {  	[smem:$0x3FAE] =	sst s3  }
0xc: {  	[smem:$0x3FAF] =	sst s4  }
0xd: {  	[smem:$0x3FB0] =	sst s5  }
0xe: {  	[smem:$0x3FB1] =	sst s6  }
0xf: {  	[smem:$0x3FB2] =	sst s7  }
0x10: {  	[smem:$0x3FB3] =	sst s8  }
0x11: {  	[smem:$0x3FB4] =	sst s9;
	s0 =	simm.s32 @!p0 $0x0  }
0x12: {  	s1 =	sld [smem:$0x3F9A];
	s0 =	simm.s32 @p0 $0x1  }
0x13: {  	[smem:$0x3FB5] =	sst s0;
	s0 =	simm.s32 @!p1 $0x0  }
0x14: {  	s2 =	sld [smem:$0x3F99];
	s0 =	simm.s32 @p1 $0x1  }
0x15: {  	[smem:$0x3FB6] =	sst s0;
	s0 =	simm.s32 @!p2 $0x0  }
0x16: {  	s3 =	sld [smem:$0x3FDB];
	s0 =	simm.s32 @p2 $0x1  }
0x17: {  	s4 =	simm.s32 $0x1BF5;
	[smem:$0x3FB8] =	sst s0  }
0x18: {  	s0 =	sld [smem:$0x3F9B];
	_ =	swait.ge [sflag:s4], $0x0  }
0x19: {  	s7 =	sld [smem:$0x3F9C]  }
0x1a: {  	s8 =	sadd.s32 $0xFFFFE003, lr  }
0x1b: {  	s9 =	sadd.s32 $0xFFFFFEF7, lr;
	s5 =	simm.s32 $0xFFFFFFFF;
	p2 =	slt.u32 s8, $0xFFFFF086  }
0x1c: {  	p1 =	slt.u32 s9, $0xF7A;
	s5 =	simm.s32 @!p2 $0x0  }
0x1d: {  	s5 =	simm.s32 @p1 $0x1;
	p0 =	seq.s32 s7, s2  }
0x1e: {  	s7 =	smul.u32 @!p0 $0xF7A, s2;
	p2 =	seq.s32 @!p0 s5, $0x0  }
0x1f: {  	s9 =	smul.u32 $0xF7A, s1;
	s8 =	simm.s32 @!p0 $0x1BF5;
	p2 =	por !p2, p0  }
0x20: {  	[sflag:s8] =	ssyncset.s32 @!p0 $0xFFFFF086;
	s6 =	sadd.s32 @!p0 s3, s7;
	s7 =	simm.s32 @!p0 $0x108  }
0x21: {  	s3 =	sadd.s32 s3, s9;
	s6 =	sadd.s32 @!p0 $0x88, s6;
	s7 =	simm.s32 @p2 $0x1082  }
0x22: {  	[simem:s7], [sflag:s8] =	dma.local @!p0 [hbm:s6], $0xF7A  }
0x23: {  	s9 =	sor.u32 $0xD0000000, s2;
	s6 =	simm.s32 $0x108;
	_ =	swait.ge @!p0 [sflag:s8], $0x0  }
0x24: {  	s3 =	sadd.s32 $0x88, s3;
	s6 =	simm.s32 @!p1 $0x1082;
	[sflag:s4] =	ssyncset.s32 $0xFFFFF086  }
0x25: {  	[simem:s6], [sflag:s4] =	dma.local [hbm:s3], $0xF7A  }
0x26: {  	[smem:$0x3F9C] =	sst s1;
	(tag) =	ssettag s2;
	_ =	strace s9  }
0x27: {  	s1 =	sld [smem:$0x3FAC]  }
0x28: {  	s2 =	sld [smem:$0x3FAD]  }
0x29: {  	s4 =	sld [smem:$0x3FAF]  }
0x2a: {  	p0 =	seq.s32 s5, $0x0;
	s5 =	sld [smem:$0x3FB0]  }
0x2b: {  	s6 =	sld [smem:$0x3FB1]  }
0x2c: {  	s7 =	sld [smem:$0x3FB2]  }
0x2d: {  	s3 =	simm.s32 $0x108;
	s8 =	sld [smem:$0x3FB3]  }
0x2e: {  	s3 =	simm.s32 @!p0 $0x1082;
	s9 =	sld [smem:$0x3FB4]  }
0x2f: {  	lr =	sadd.s32 s0, s3;
	s0 =	sld [smem:$0x3FAB]  }
0x30: {  	s3 =	sld [smem:$0x3FAE]  }
0x31: {  	[smem:$0x3FB7] =	sst s10  }
0x32: {  	s10 =	sld [smem:$0x3FB5];
	_ =	sdelay $0x3  }
0x33: {  	p0 =	seq.s32 s10, $0x1;
	s10 =	sld [smem:$0x3FB7];
	_ =	sdelay $0x3  }
0x34: {  	[smem:$0x3FB7] =	sst s10  }
0x35: {  	s10 =	sld [smem:$0x3FB6];
	_ =	sdelay $0x3  }
0x36: {  	p1 =	seq.s32 s10, $0x1;
	s10 =	sld [smem:$0x3FB7];
	_ =	sdelay $0x3  }
0x37: {  	[smem:$0x3FB7] =	sst s10  }
0x38: {  	s10 =	sld [smem:$0x3FB8]  }
0x39: {  	_ = 	snop;
	(pc) =	sbr.ind lr, $3  }
0x3a: {  	_ = 	snop  }
0x3b: {  	_ = 	snop  }
0x3c: {  	p2 =	seq.s32 s10, $0x1;
	s10 =	sld [smem:$0x3FB7]  }
0x3d: {  	_ =	shalt  }
0x3e: {  	_ =	shalt  }
0x3f: {  	_ =	shalt  }
0x40: {  	_ =	shalt  }
0x41: {  	_ =	shalt  }
0x42: {  	_ =	shalt  }
0x43: {  	_ =	shalt  }
0x44: {  	_ =	shalt  }
0x45: {  	_ =	shalt  }
0x46: {  	_ =	shalt  }
0x47: {  	_ =	shalt  }
0x48: {  	_ =	shalt  }
0x49: {  	_ =	shalt  }
0x4a: {  	_ =	shalt  }
0x4b: {  	_ =	shalt  }
0x4c: {  	_ =	shalt  }
0x4d: {  	_ =	shalt  }
0x4e: {  	_ =	shalt  }
0x4f: {  	_ =	shalt  }
0x50: {  	_ =	shalt  }
0x51: {  	_ =	shalt  }
0x52: {  	_ =	shalt  }
0x53: {  	_ =	shalt  }
0x54: {  	_ =	shalt  }
0x55: {  	_ =	shalt  }
0x56: {  	_ =	shalt  }
0x57: {  	_ =	shalt  }
0x58: {  	_ =	shalt  }
0x59: {  	_ =	shalt  }
0x5a: {  	_ =	shalt  }
0x5b: {  	_ =	shalt  }
0x5c: {  	_ =	shalt  }
0x5d: {  	_ =	shalt  }
0x5e: {  	_ =	shalt  }
0x5f: {  	_ =	shalt  }
0x60: {  	_ =	shalt  }
0x61: {  	_ =	shalt  }
0x62: {  	_ =	shalt  }
0x63: {  	_ =	shalt  }
0x64: {  	_ =	shalt  }
0x65: {  	_ =	shalt  }
0x66: {  	_ =	shalt  }
0x67: {  	_ =	shalt  }
0x68: {  	_ =	shalt  }
0x69: {  	_ =	shalt  }
0x6a: {  	_ =	shalt  }
0x6b: {  	_ =	shalt  }
0x6c: {  	_ =	shalt  }
0x6d: {  	_ =	shalt  }
0x6e: {  	_ =	shalt  }
0x6f: {  	_ =	shalt  }
0x70: {  	_ =	shalt  }
0x71: {  	_ =	shalt  }
0x72: {  	_ =	shalt  }
0x73: {  	_ =	shalt  }
0x74: {  	_ =	shalt  }
0x75: {  	_ =	shalt  }
0x76: {  	_ =	shalt  }
0x77: {  	_ =	shalt  }
0x78: {  	_ =	shalt  }
0x79: {  	_ =	shalt  }
0x7a: {  	_ =	shalt  }
0x7b: {  	_ =	shalt  }
0x7c: {  	_ =	shalt  }
0x7d: {  	_ =	shalt  }
0x7e: {  	_ =	shalt  }
0x7f: {  	_ =	shalt  }
0x80: {  	_ =	shalt  }
0x81: {  	_ =	shalt  }
0x82: {  	_ =	shalt  }
0x83: {  	_ =	shalt  }
0x84: {  	_ =	shalt  }
0x85: {  	_ =	shalt  }
0x86: {  	_ =	shalt  }
0x87: {  	_ =	shalt  }
.Lfunc_end0:
.L_simem_size_0:
called_computation.1_lowered:
.L_overlay_start_0:
0x88: {  	s2 =	sld [smem:$0x3FD9]  }
0x89: {  	s3 =	sld [smem:$0x3FFE];
	_ =	sdelay $0x1  }
0x8a: {  	s1 =	srdreg.scid  }
0x8b: {  	s0 =	sand.u32 $0x1, s1  }
0x8c: {  	s17 =	sshll.u32 s0, $0xA;
	s2 =	sadd.s32 s3, s2  }
0x8d: {  	s2 =	sadd.s32 s2, s17  }
0x8e: {  	[smem:$0x3FC3] =	sst s2  }
0x8f: {  	_ = 	snop  }
0x90: {  	s2 =	sld [smem:$0x3FC8]  }
0x91: {  	s18 =	sld [smem:$0x3FD0];
	(tm) =	ssettm $0x1  }
0x92: {  	s4 =	sld [smem:$0x3FFB];
	_ =	sdelay $0x3  }
0x93: {  	_ =	strace s4  }
0x94: {  	s4 =	sld [smem:$0x3FFC];
	_ =	sdelay $0x3  }
0x95: {  	_ =	strace s4  }
0x96: {  	s4 =	sld [smem:$0x3FFD];
	_ =	sdelay $0x3  }
0x97: {  	_ =	strace s4  }
0x98: {  	_ =	strace $0x8FFFFFFF  }
0x99: {  	s19 =	sld [smem:$0x3FDB];
	_ =	sdelay $0x1  }
0x9a: {  	s5 =	simm.s32 $_scs_section_size  }
0x9b: {  	s6 =	simm.s32 $_size__tile_overlayer_lowered;
	s7 =	simm.s32 $_tile_overlayer_lowered  }
0x9c: {  	s22 =	simm.s32 $0x1BFF;
	s21 =	sshll.u32 s7, $0x1;
	s4 =	sadd.s32 s5, s19  }
0x9d: {  	s8 =	simm.s32 $0x0;
	s20 =	sshll.u32 s6, $0x1;
	s6 =	sadd.s32 s21, s4  }
0x9e: {  	[timem:s8], [sflag:s22] =	dma.local [hbm:s6], s20  }
0x9f: {  	_ =	swait.ge [sflag:s22], s20  }
0xa0: {  	s5 =	ssub.s32 $0x0, s20;
	[sflag:s22] =	ssyncset.done $0x0  }
0xa1: {  	[sflag:s22] =	ssyncadd.s32 s5;
	_ =	sdelay $0x1  }
0xa2: {  	s23 =	simm.s32 $0x1B8B  }
0xa3: {  	_ =	swait.ge [sflag:s23], $0x1  }
0xa4: {  	[sflag:s23] =	ssyncset.done $0x0  }
0xa5: {  	s25 =	simm.s32 $0x1B8E;
	s24 =	sld [smem:$0x3FFE];
	[sflag:s23] =	ssyncadd.s32 $0xFFFFFFFF  }
0xa6: {  	s26 =	simm.s32 $execute0_lowered;
	[smem:$0x3FD2] =	sst s25  }
0xa7: {  	s6 =	sshll.u32 s26, $0x1;
	_ =	strace $0x80000049;
	[dreg:$0x1] =	wrdreg $0xFFFFFFFF  }
0xa8: {  	s28 =	simm.s32 $_size_execute0_lowered;
	s4 =	sadd.s32 s4, s6;
	[dreg:$0x0] =	wrdreg $0x0  }
0xa9: {  	s6 =	sshll.u32 s28, $0x1;
	[dreg:$0x2] =	wrdreg s4  }
0xaa: {  	[dreg:$0x3] =	wrdreg s6  }
0xab: {  	[dreg:$0x4] =	wrdreg $0xC0  }
0xac: {  	_ =	task [dreg:s8], $0x5FFFF  }
0xad: {  	[dreg:$0x1] =	wrdreg $0xFFFFFFFF  }
0xae: {  	[dreg:$0x0] =	wrdreg $0x60  }
0xaf: {  	[dreg:$0x2] =	wrdreg s24  }
0xb0: {  	[dreg:$0x3] =	wrdreg s2  }
0xb1: {  	[dreg:$0x4] =	wrdreg s18  }
0xb2: {  	[dreg:$0x5] =	wrdreg $0x6F000  }
0xb3: {  	[dreg:$0x6] =	wrdreg $0x9  }
0xb4: {  	_ =	task.clear_ibuf [dreg:s8], $0x7FFFF;
	_ =	strace $0x90000049  }
0xb5: {  	s29 =	simm.s32 $0x9;
	_ =	strace $0x8000004B  }
0xb6: {  	_ =	swait.ge [sflag:s29], $0x1  }
0xb7: {  	[sflag:s29] =	ssyncadd.s32 $0xFFFFFFFF  }
0xb8: {  	_ =	strace $0x9000004B  }
0xb9: {  	_ =	sfence  }
0xba: {  	s30 =	sld [smem:$0x0];
	_ =	sdelay $0x2  }
0xbb: {  	s31 =	sshll.u32 s1, $0xD;
	s1 =	sshrl.u32 s1, $0x2  }
0xbc: {  	s3 =	sand.u32 $0x4000, s31;
	s1 =	sadd.s32 s1, s30  }
0xbd: {  	s0 =	sor.u32 s3, s0;
	s1 =	sshll.u32 s1, $0x11  }
0xbe: {  	s0 =	sor.u32 s1, s0  }
0xbf: {  	s0 =	sadd.s32 $0x8F2B, s0  }
0xc0: {  	[sflag:s0] =	ssyncadd.remote.s32 $0x1  }
0xc1: {  	_ =	sfence.sel $0xFFFF  }
0xc2: {  	[dreg:$0x0] =	wrdreg $0xFFFFFFFF;
	(pc) =	sbr.abs _section_cstart, $3  }
0xc3: {  	[dreg:$0x1] =	wrdreg $0xFFFFFFFF  }
0xc4: {  	_ =	task.clear_ibuf [dreg:s8], $0x2FFFF;
	_ =	strace $0x9FFFFFFF  }
0xc5: {  	(tm) =	ssettm $0x7FFFFFFF  }
tec
execute0_lowered:
.L_overlay_start_1:
0x0: {  	(tag) =	ssettag $0x1  }
0x1: {  	s4 =	rddreg [dreg:$0x0]  }
0x2: {  	s6 =	rddreg [dreg:$0x1]  }
0x3: {  	s8 =	rddreg [dreg:$0x2]  }
0x4: {  	s2 =	rddreg [dreg:$0x3]  }
0x5: {  	s3 =	simm.s32 $0x0;
	s5 =	srdreg.scid;
	s0 =	stileid.u32  }
0x6: {  	s13 =	stileid.u32;
	s14 =	simm.s32 $0x6700;
	s15 =	simm.s32 $0x4  }
0x7: {  	s16 =	simm.s32 $0x1;
	s17 =	simm.s32 $0x80;
	s18 =	simm.s32 $0x4F00  }
0x8: {  	s19 =	simm.s32 $0x100;
	s20 =	simm.s32 $0x5700;
	s21 =	simm.s32 $0x2  }
0x9: {  	s22 =	simm.s32 $0x3;
	[smem:$0x7FF] =	sst s3;
	s7 =	sand.u32 $0x1, s5  }
0xa: {  	s26 =	sshll.u32 s0, $0x1;
	s4 =	sadd.s32 $0x1A00, s4;
	s12 =	smul.u32 $0xA000, s0  }
0xb: {  	s31 =	smul.u32 $0x2800, s0;
	p0 =	sgt.u32 s0, $0x1;
	_ =	strace $0x8000004A  }
0xc: {  	s9 =	ssub.s32 $0x2, s7;
	s5 =	sor.u32 s7, s26;
	s29 =	smul.u32 $0x5000, s7  }
0xd: {  	s10 =	sshrl.u32 s9, $0x1;
	s11 =	smul.u32 $0x9C0, s5;
	s28 =	smin.u32 s5, $0x3  }
0xe: {  	s30 =	sshrl.u32 s12, $0x2;
	s24 =	sshrl.u32 s31, $0x3;
	s25 =	sadd.s32 s31, s2  }
0xf: {  	s9 =	ssub.s32 s9, s10;
	s10 =	sshll.u32 s28, $0x5;
	s7 =	sadd.s32 s30, s2  }
0x10: {  	s23 =	sadd.s32 s8, s29;
	s5 =	sadd.s32 s6, s11;
	s6 =	sadd.s32 s10, s6  }
0x11: {  	s8 =	smax.u32 s9, $0x1;
	s9 =	sadd.s32 $0x800, s7;
	s10 =	sadd.s32 $0x1000, s7  }
0x12: {  	s11 =	sadd.s32 $0x1800, s7;
	s12 =	sadd.s32 $0x2000, s7;
	s23 =	sadd.s32 s24, s23  }
0x13: {  	v0 =	vimm.f32 $0.0e+00;
	s24 =	sshrl.u32 s25, $0x3;
	s25 =	simm.s32 $0x0;
	s6 =	sadd.s32 $0x13800, s6  }
.LBB2_1:
0x14: {  	[tilespmem:s3], [sflag:$0x1] =	stream.linear.gather [hbm4b:s5+s3], $0x4E00, $0x38;
	[tilespmem:$0x9700] =	vst v63  }
0x15: {  	s0 =	simm.s32 $0x4E00;
	s26 =	simm.s32 $0x40;
	s28 =	simm.s32 $0x0  }
0x16: {  	[tilespmem:s0], [sflag:$0x1] =	stream.linear.gather [hbm4b:s6+s3], $0x100, $0x38;
	[tilespmem:$0x9700] =	vst v63  }
.LBB2_2:
0x17: {  	p1 =	sne.s32 s26, $0x1FC0;
	[tilespmem:s28+$0x6700] =	vst v0;
	s28 =	smov.u32 s26;
	s26 =	sadd.s32 $0x40, s26  }
.Ltmp0:
0x18: {  	(pc) =	sbr.rel @p1 .LBB2_2-.Ltmp0, $2  }
0x19: {  	_ =	sdelay $0x2  }
0x1a: {  	s28 =	sshra.s32 s28, $0x2  }
0x1b: {  	[tilespmem:s28+$0x6700] =	vst v0  }
0x1c: {  	[spmem:s7] =	stream.linear.scatter [tilespmem:s14], [sflag:$0x4], $0x800, $0x38;
	[tilespmem:$0x9700] =	vst v63  }
0x1d: {  	_ =	swait.ge [sflag:s15], $0x800  }
0x1e: {  	[sflag:s15] =	ssyncset.done $0x0  }
0x1f: {  	[sflag:s15] =	ssyncadd.s32 $0xFFFFF800  }
0x20: {  	[spmem:s9] =	stream.linear.scatter [tilespmem:s14], [sflag:$0x4], $0x800, $0x38;
	[tilespmem:$0x9700] =	vst v63  }
0x21: {  	_ =	swait.ge [sflag:s15], $0x800  }
0x22: {  	[sflag:s15] =	ssyncset.done $0x0  }
0x23: {  	[sflag:s15] =	ssyncadd.s32 $0xFFFFF800  }
0x24: {  	[spmem:s10] =	stream.linear.scatter [tilespmem:s14], [sflag:$0x4], $0x800, $0x38;
	[tilespmem:$0x9700] =	vst v63  }
0x25: {  	_ =	swait.ge [sflag:s15], $0x800  }
0x26: {  	[sflag:s15] =	ssyncset.done $0x0  }
0x27: {  	[sflag:s15] =	ssyncadd.s32 $0xFFFFF800  }
0x28: {  	[spmem:s11] =	stream.linear.scatter [tilespmem:s14], [sflag:$0x4], $0x800, $0x38;
	[tilespmem:$0x9700] =	vst v63  }
0x29: {  	_ =	swait.ge [sflag:s15], $0x800  }
0x2a: {  	[sflag:s15] =	ssyncset.done $0x0  }
0x2b: {  	[sflag:s15] =	ssyncadd.s32 $0xFFFFF800  }
0x2c: {  	[spmem:s12] =	stream.linear.scatter [tilespmem:s14], [sflag:$0x4], $0x800, $0x38;
	[tilespmem:$0x9700] =	vst v63  }
0x2d: {  	_ =	swait.ge [sflag:s15], $0x800  }
0x2e: {  	[sflag:s15] =	ssyncset.done $0x0  }
0x2f: {  	[sflag:s15] =	ssyncadd.s32 $0xFFFFF800  }
0x30: {  	_ =	swait.ge [sflag:s16], $0x4E00  }
0x31: {  	[sflag:s16] =	ssyncset.done $0x0  }
0x32: {  	[sflag:s16] =	ssyncadd.s32 $0xFFFFB200  }
0x33: {  	_ =	swait.ge [sflag:s16], $0x100  }
0x34: {  	[sflag:s16] =	ssyncset.done $0x0  }
0x35: {  	s26 =	simm.s32 @!p0 $0x80;
	[sflag:s16] =	ssyncadd.s32 $0xFFFFFF00  }
0x36: {  	s28 =	simm.s32 @!p0 $0x4E00;
	s29 =	simm.s32 @!p0 $0x4F00;
	[bflag:$0x0] =	sbarrier.arrive $0xFFFF  }
0x37: {  	[tilespmem:s29], [sflag:$0x2] =	stream.indirect.gather @!p0 [hbm4b:s4+s26], $0x10, s28, s26, $0xb8;
	[tilespmem:$0x9700] =	vst v63  }
0x38: {  	s28 =	simm.s32 @!p0 $0x2  }
0x39: {  	_ =	swait.ge @!p0 [sflag:s28], $0x800  }
0x3a: {  	[sflag:s28] =	ssyncset.done @!p0 $0x0  }
0x3b: {  	[sflag:s28] =	ssyncadd.s32 @!p0 $0xFFFFF800;
	s28 =	simm.s32 @!p0 $0x4E80  }
0x3c: {  	[spmem:s2] =	stream.indirect.scatter.add.f32 @!p0 [tilespmem:s29], [sflag:$0x4], $0x10, s28, s26, $0xb8;
	[tilespmem:$0x9700] =	vst v63  }
0x3d: {  	s26 =	simm.s32 @!p0 $0x4  }
0x3e: {  	_ =	swait.ge @!p0 [sflag:s26], $0x800  }
0x3f: {  	p1 =	por $0x0, $0x0;
	s28 =	simm.s32 $0x2;
	[sflag:s26] =	ssyncset.done @!p0 $0x0  }
0x40: {  	s31 =	simm.s32 $0x0;
	s28 =	smul.u32 @!p1 $0xAB, s28;
	[sflag:s26] =	ssyncadd.s32 @!p0 $0xFFFFF800  }
0x41: {  	[tilespmem:s18], [sflag:$0x2] =	stream.indirect.gather [hbm4b:s4+s17], $0x10, s31, s17, $0xb8;
	[tilespmem:$0x9700] =	vst v63  }
0x42: {  	p2 =	por @!p1 $0x1, $0x1;
	s28 =	sshrl.u32 @!p1 s28, $0x9  }
0x43: {  	[tilespmem:s20], [sflag:$0x2] =	stream.indirect.gather [hbm4b:s4+s17], $0x10, s19, s17, $0xb8;
	[tilespmem:$0x9700] =	vst v63  }
0x44: {  	s26 =	smul.u32 $0xAB, s31;
	s28 =	sand.u32 @!p1 $0x7F, s28;
	_ =	swait.ge [sflag:s21], $0x800  }
0x45: {  	p2 =	por p2, p1;
	s28 =	smul.u32 @!p1 $0x3, s28;
	[sflag:s21] =	ssyncset.done $0x0  }
0x46: {  	s29 =	simm.s32 @!p2 $0x3;
	s26 =	sshrl.u32 s26, $0x9;
	[sflag:s21] =	ssyncadd.s32 $0xFFFFF800  }
0x47: {  	s26 =	sand.u32 $0x7F, s26;
	s28 =	ssub.s32 @!p1 $0x2, s28;
	_ =	swait.ge @!p2 [sflag:s29], $0x800  }
0x48: {  	s26 =	smul.u32 $0x3, s26;
	s28 =	sand.u32 @!p1 $0xFF, s28;
	[sflag:s29] =	ssyncset.done @!p2 $0x0  }
0x49: {  	s30 =	simm.s32 $0x200;
	s28 =	sshll.u32 @!p1 s28, $0xB;
	[sflag:s29] =	ssyncadd.s32 @!p2 $0xFFFFF800  }
0x4a: {  	s29 =	ssub.s32 $0x0, s26;
	s26 =	sadd.s32 @!p1 $0x4F00, s28;
	s28 =	simm.s32 @!p1 $0x80  }
0x4b: {  	[tilespmem:s26], [sflag:$0x2] =	stream.indirect.gather @!p1 [hbm4b:s4+s28], $0x10, s30, s28, $0xb8;
	[tilespmem:$0x9700] =	vst v63  }
0x4c: {  	s26 =	simm.s32 $0x1;
	s28 =	sand.u32 $0xFF, s29  }
0x4d: {  	s29 =	simm.s32 $0x80;
	s30 =	sshll.u32 s28, $0xB;
	s28 =	simm.s32 $0x300  }
.LBB2_4:
0x4e: {  	s31 =	sadd.s32 $0x2, s26  }
0x4f: {  	p1 =	sgt.u32 s26, $0x4B;
	s30 =	sadd.s32 $0x4F00, s30;
	s0 =	smov.u32 s26  }
0x50: {  	[spmem:s2] =	stream.indirect.scatter.add.f32 [tilespmem:s30], [sflag:$0x3], $0x10, s29, s17, $0xb8;
	[tilespmem:$0x9700] =	vst v63  }
0x51: {  	s29 =	smul.u32 @!p1 $0xAB, s31;
	p2 =	seq.s32 @!p1 s26, $0x0;
	_ =	swait.ge [sflag:s21], $0x800  }
0x52: {  	s26 =	sadd.s32 $0x1, s26;
	p3 =	por p2, p1;
	[sflag:s21] =	ssyncset.done $0x0  }
0x53: {  	s30 =	smul.u32 $0xAB, s0;
	s29 =	sshrl.u32 @!p1 s29, $0x9;
	[sflag:s21] =	ssyncadd.s32 $0xFFFFF800  }
0x54: {  	p2 =	sne.s32 s26, $0x4E;
	s1 =	simm.s32 @!p3 $0x3;
	s29 =	sand.u32 @!p1 $0x7F, s29  }
0x55: {  	s30 =	sshrl.u32 s30, $0x9;
	s29 =	smul.u32 @!p1 $0x3, s29;
	_ =	swait.ge @!p3 [sflag:s1], $0x800  }
0x56: {  	s30 =	sand.u32 $0x7F, s30;
	[sflag:s1] =	ssyncset.done @!p3 $0x0  }
0x57: {  	s30 =	smul.u32 $0x3, s30;
	s29 =	ssub.s32 @!p1 s31, s29;
	[sflag:s1] =	ssyncadd.s32 @!p3 $0xFFFFF800  }
.Ltmp1:
0x58: {  	s1 =	sand.u32 @!p1 $0xFF, s29;
	(pc) =	sbr.rel @p2 .LBB2_4-.Ltmp1, $4  }
0x59: {  	s0 =	ssub.s32 s0, s30;
	s1 =	sshll.u32 @!p1 s1, $0xB  }
0x5a: {  	s0 =	sand.u32 $0xFF, s0;
	s29 =	simm.s32 @!p1 $0x80;
	s1 =	sadd.s32 @!p1 $0x4F00, s1  }
0x5b: {  	[tilespmem:s1], [sflag:$0x2] =	stream.indirect.gather @!p1 [hbm4b:s4+s29], $0x10, s28, s29, $0xb8;
	[tilespmem:$0x9700] =	vst v63  }
0x5c: {  	s30 =	sshll.u32 s0, $0xB;
	s29 =	sadd.s32 $0xFFFFFE80, s28;
	s28 =	sadd.s32 $0x100, s28  }
0x5d: {  	s0 =	sadd.s32 $0x4F00, s30  }
0x5e: {  	[spmem:s2] =	stream.indirect.scatter.add.f32 [tilespmem:s0], [sflag:$0x3], $0x10, s29, s17, $0xb8;
	[tilespmem:$0x9700] =	vst v63  }
0x5f: {  	_ =	swait.ge [sflag:s22], $0x800  }
0x60: {  	[sflag:s22] =	ssyncset.done $0x0  }
0x61: {  	[sflag:s22] =	ssyncadd.s32 $0xFFFFF800  }
0x62: {  	_ =	swait.ge [sflag:s22], $0x800  }
0x63: {  	[sflag:s22] =	ssyncset.done $0x0  }
0x64: {  	[sflag:s22] =	ssyncadd.s32 $0xFFFFF800  }
0x65: {  	_ =	swait.ge [sflag:s22], $0x800  }
0x66: {  	s25 =	sadd.s32 $0x1, s25;
	[sflag:s22] =	ssyncset.done $0x0  }
0x67: {  	s31 =	sshll.u32 s13, $0x6;
	p1 =	sne.s32 s25, s8;
	[sflag:s22] =	ssyncadd.s32 $0xFFFFF800  }
.Ltmp2:
0x68: {  	s0 =	sor.u32 $0x1C04, s31;
	[bflag:$0x0] =	sbarrier.arrive $0xFFFF;
	(pc) =	sbr.rel @p1 .LBB2_1-.Ltmp2, $4  }
0x69: {  	[hbm:s23], [sflag:s0] =	dma.local [spmem:s24], $0x500  }
0x6a: {  	_ =	swait.ge [sflag:s15], $0x500  }
0x6b: {  	[sflag:s15] =	ssyncset.done $0x0  }
0x6c: {  	[sflag:s15] =	ssyncadd.s32 $0xFFFFFB00  }
0x6d: {  	_ =	sfence.sel $0x180000  }
0x6e: {  	[bflag:$0x0] =	sbarrier.arrive $0xFFFF  }
0x6f: {  	_ =	strace $0x9000004A  }
0x70: {  	[bflag:$0x2] =	sbarrier.arrive $0xFFFF  }
0x71: {  	p0 =	sne.s32 s13, $0x0;
	s0 =	rddreg [dreg:$0x4]  }
0x72: {  	s0 =	sadd.s32 @!p0 $0x100000, s0  }
0x73: {  	[sflag:s0] =	ssyncadd.tile.s32 @!p0 $0x1;
	_ =	shalt  }
.Lfunc_end2:
_tile_overlayer_lowered:
.L_overlay_start_2:
0x74: {  	(tag) =	ssettag $0x2  }
0x75: {  	s0 =	rddreg [dreg:$0x0];
	s2 =	stileid.u32  }
0x76: {  	s1 =	rddreg [dreg:$0x1];
	p0 =	sne.s32 s2, $0x0  }
0x77: {  	s3 =	rddreg [dreg:$0x2];
	[bflag:$0x3] =	sbarrier.arrive $0xFFFF;
	s2 =	simm.s32 @!p0 $0x1C04  }
0x78: {  	[timem:s3], [sflag:s2] =	dma.local @!p0 [hbm:s0], s1  }
0x79: {  	s0 =	simm.s32 @!p0 $0x4  }
0x7a: {  	_ =	swait.ge @!p0 [sflag:s0], s1  }
0x7b: {  	s1 =	ssub.s32 @!p0 $0x0, s1;
	[sflag:s0] =	ssyncset.done @!p0 $0x0  }
0x7c: {  	[sflag:s0] =	ssyncadd.s32 @!p0 s1  }
0x7d: {  	[bflag:$0x3] =	sbarrier.arrive $0xFFFF  }
0x7e: {  	_ =	shalt  }

// kernel: kernel.15.cloned.1.call-start
scs
__scs_entry_jumppad:
0x0: {  	(pc) =	sbr.rel $0x88, $3  }
0x1: {  	(tag) =	ssettag $0x0;
	lr =	simm.s32 $0x1  }
0x2: {  	[smem:$0x3F9C] =	sst lr;
	_ =	strace $0xD0000000  }
0x3: {  	_ = 	snop  }
0x4: {  	_ = 	snop  }
0x5: {  	_ = 	snop  }
0x6: {  	_ = 	snop  }
0x7: {  	_ = 	snop  }
__scs_overlays_trampoline_lowered:
0x8: {  	[smem:$0x3FAB] =	sst s0  }
0x9: {  	[smem:$0x3FAC] =	sst s1  }
0xa: {  	[smem:$0x3FAD] =	sst s2  }
0xb: {  	[smem:$0x3FAE] =	sst s3  }
0xc: {  	[smem:$0x3FAF] =	sst s4  }
0xd: {  	[smem:$0x3FB0] =	sst s5  }
0xe: {  	[smem:$0x3FB1] =	sst s6  }
0xf: {  	[smem:$0x3FB2] =	sst s7  }
0x10: {  	[smem:$0x3FB3] =	sst s8  }
0x11: {  	[smem:$0x3FB4] =	sst s9;
	s0 =	simm.s32 @!p0 $0x0  }
0x12: {  	s1 =	sld [smem:$0x3F9A];
	s0 =	simm.s32 @p0 $0x1  }
0x13: {  	[smem:$0x3FB5] =	sst s0;
	s0 =	simm.s32 @!p1 $0x0  }
0x14: {  	s2 =	sld [smem:$0x3F99];
	s0 =	simm.s32 @p1 $0x1  }
0x15: {  	[smem:$0x3FB6] =	sst s0;
	s0 =	simm.s32 @!p2 $0x0  }
0x16: {  	s3 =	sld [smem:$0x3FDB];
	s0 =	simm.s32 @p2 $0x1  }
0x17: {  	s4 =	simm.s32 $0x1BF5;
	[smem:$0x3FB8] =	sst s0  }
0x18: {  	s0 =	sld [smem:$0x3F9B];
	_ =	swait.ge [sflag:s4], $0x0  }
0x19: {  	s7 =	sld [smem:$0x3F9C]  }
0x1a: {  	s8 =	sadd.s32 $0xFFFFE003, lr  }
0x1b: {  	s9 =	sadd.s32 $0xFFFFFEF7, lr;
	s5 =	simm.s32 $0xFFFFFFFF;
	p2 =	slt.u32 s8, $0xFFFFF086  }
0x1c: {  	p1 =	slt.u32 s9, $0xF7A;
	s5 =	simm.s32 @!p2 $0x0  }
0x1d: {  	s5 =	simm.s32 @p1 $0x1;
	p0 =	seq.s32 s7, s2  }
0x1e: {  	s7 =	smul.u32 @!p0 $0xF7A, s2;
	p2 =	seq.s32 @!p0 s5, $0x0  }
0x1f: {  	s9 =	smul.u32 $0xF7A, s1;
	s8 =	simm.s32 @!p0 $0x1BF5;
	p2 =	por !p2, p0  }
0x20: {  	[sflag:s8] =	ssyncset.s32 @!p0 $0xFFFFF086;
	s6 =	sadd.s32 @!p0 s3, s7;
	s7 =	simm.s32 @!p0 $0x108  }
0x21: {  	s3 =	sadd.s32 s3, s9;
	s6 =	sadd.s32 @!p0 $0x88, s6;
	s7 =	simm.s32 @p2 $0x1082  }
0x22: {  	[simem:s7], [sflag:s8] =	dma.local @!p0 [hbm:s6], $0xF7A  }
0x23: {  	s9 =	sor.u32 $0xD0000000, s2;
	s6 =	simm.s32 $0x108;
	_ =	swait.ge @!p0 [sflag:s8], $0x0  }
0x24: {  	s3 =	sadd.s32 $0x88, s3;
	s6 =	simm.s32 @!p1 $0x1082;
	[sflag:s4] =	ssyncset.s32 $0xFFFFF086  }
0x25: {  	[simem:s6], [sflag:s4] =	dma.local [hbm:s3], $0xF7A  }
0x26: {  	[smem:$0x3F9C] =	sst s1;
	(tag) =	ssettag s2;
	_ =	strace s9  }
0x27: {  	s1 =	sld [smem:$0x3FAC]  }
0x28: {  	s2 =	sld [smem:$0x3FAD]  }
0x29: {  	s4 =	sld [smem:$0x3FAF]  }
0x2a: {  	p0 =	seq.s32 s5, $0x0;
	s5 =	sld [smem:$0x3FB0]  }
0x2b: {  	s6 =	sld [smem:$0x3FB1]  }
0x2c: {  	s7 =	sld [smem:$0x3FB2]  }
0x2d: {  	s3 =	simm.s32 $0x108;
	s8 =	sld [smem:$0x3FB3]  }
0x2e: {  	s3 =	simm.s32 @!p0 $0x1082;
	s9 =	sld [smem:$0x3FB4]  }
0x2f: {  	lr =	sadd.s32 s0, s3;
	s0 =	sld [smem:$0x3FAB]  }
0x30: {  	s3 =	sld [smem:$0x3FAE]  }
0x31: {  	[smem:$0x3FB7] =	sst s10  }
0x32: {  	s10 =	sld [smem:$0x3FB5];
	_ =	sdelay $0x3  }
0x33: {  	p0 =	seq.s32 s10, $0x1;
	s10 =	sld [smem:$0x3FB7];
	_ =	sdelay $0x3  }
0x34: {  	[smem:$0x3FB7] =	sst s10  }
0x35: {  	s10 =	sld [smem:$0x3FB6];
	_ =	sdelay $0x3  }
0x36: {  	p1 =	seq.s32 s10, $0x1;
	s10 =	sld [smem:$0x3FB7];
	_ =	sdelay $0x3  }
0x37: {  	[smem:$0x3FB7] =	sst s10  }
0x38: {  	s10 =	sld [smem:$0x3FB8]  }
0x39: {  	_ = 	snop;
	(pc) =	sbr.ind lr, $3  }
0x3a: {  	_ = 	snop  }
0x3b: {  	_ = 	snop  }
0x3c: {  	p2 =	seq.s32 s10, $0x1;
	s10 =	sld [smem:$0x3FB7]  }
0x3d: {  	_ =	shalt  }
0x3e: {  	_ =	shalt  }
0x3f: {  	_ =	shalt  }
0x40: {  	_ =	shalt  }
0x41: {  	_ =	shalt  }
0x42: {  	_ =	shalt  }
0x43: {  	_ =	shalt  }
0x44: {  	_ =	shalt  }
0x45: {  	_ =	shalt  }
0x46: {  	_ =	shalt  }
0x47: {  	_ =	shalt  }
0x48: {  	_ =	shalt  }
0x49: {  	_ =	shalt  }
0x4a: {  	_ =	shalt  }
0x4b: {  	_ =	shalt  }
0x4c: {  	_ =	shalt  }
0x4d: {  	_ =	shalt  }
0x4e: {  	_ =	shalt  }
0x4f: {  	_ =	shalt  }
0x50: {  	_ =	shalt  }
0x51: {  	_ =	shalt  }
0x52: {  	_ =	shalt  }
0x53: {  	_ =	shalt  }
0x54: {  	_ =	shalt  }
0x55: {  	_ =	shalt  }
0x56: {  	_ =	shalt  }
0x57: {  	_ =	shalt  }
0x58: {  	_ =	shalt  }
0x59: {  	_ =	shalt  }
0x5a: {  	_ =	shalt  }
0x5b: {  	_ =	shalt  }
0x5c: {  	_ =	shalt  }
0x5d: {  	_ =	shalt  }
0x5e: {  	_ =	shalt  }
0x5f: {  	_ =	shalt  }
0x60: {  	_ =	shalt  }
0x61: {  	_ =	shalt  }
0x62: {  	_ =	shalt  }
0x63: {  	_ =	shalt  }
0x64: {  	_ =	shalt  }
0x65: {  	_ =	shalt  }
0x66: {  	_ =	shalt  }
0x67: {  	_ =	shalt  }
0x68: {  	_ =	shalt  }
0x69: {  	_ =	shalt  }
0x6a: {  	_ =	shalt  }
0x6b: {  	_ =	shalt  }
0x6c: {  	_ =	shalt  }
0x6d: {  	_ =	shalt  }
0x6e: {  	_ =	shalt  }
0x6f: {  	_ =	shalt  }
0x70: {  	_ =	shalt  }
0x71: {  	_ =	shalt  }
0x72: {  	_ =	shalt  }
0x73: {  	_ =	shalt  }
0x74: {  	_ =	shalt  }
0x75: {  	_ =	shalt  }
0x76: {  	_ =	shalt  }
0x77: {  	_ =	shalt  }
0x78: {  	_ =	shalt  }
0x79: {  	_ =	shalt  }
0x7a: {  	_ =	shalt  }
0x7b: {  	_ =	shalt  }
0x7c: {  	_ =	shalt  }
0x7d: {  	_ =	shalt  }
0x7e: {  	_ =	shalt  }
0x7f: {  	_ =	shalt  }
0x80: {  	_ =	shalt  }
0x81: {  	_ =	shalt  }
0x82: {  	_ =	shalt  }
0x83: {  	_ =	shalt  }
0x84: {  	_ =	shalt  }
0x85: {  	_ =	shalt  }
0x86: {  	_ =	shalt  }
0x87: {  	_ =	shalt  }
.Lfunc_end0:
.L_simem_size_0:
called_computation.2_lowered:
.L_overlay_start_0:
0x88: {  	s2 =	sld [smem:$0x3FD9]  }
0x89: {  	s3 =	sld [smem:$0x3FFE];
	_ =	sdelay $0x1  }
0x8a: {  	s1 =	srdreg.scid  }
0x8b: {  	s0 =	sand.u32 $0x1, s1  }
0x8c: {  	s17 =	sshll.u32 s0, $0xA;
	s2 =	sadd.s32 s3, s2  }
0x8d: {  	s2 =	sadd.s32 s2, s17  }
0x8e: {  	[smem:$0x3FC3] =	sst s2  }
0x8f: {  	_ = 	snop  }
0x90: {  	s2 =	sld [smem:$0x3FC8]  }
0x91: {  	s18 =	sld [smem:$0x3FD0];
	(tm) =	ssettm $0x1  }
0x92: {  	s4 =	sld [smem:$0x3FFB];
	_ =	sdelay $0x3  }
0x93: {  	_ =	strace s4  }
0x94: {  	s4 =	sld [smem:$0x3FFC];
	_ =	sdelay $0x3  }
0x95: {  	_ =	strace s4  }
0x96: {  	s4 =	sld [smem:$0x3FFD];
	_ =	sdelay $0x3  }
0x97: {  	_ =	strace s4  }
0x98: {  	_ =	strace $0x8FFFFFFF  }
0x99: {  	s19 =	sld [smem:$0x3FDB];
	_ =	sdelay $0x1  }
0x9a: {  	s5 =	simm.s32 $_scs_section_size  }
0x9b: {  	s6 =	simm.s32 $_size__tile_overlayer_lowered;
	s7 =	simm.s32 $_tile_overlayer_lowered  }
0x9c: {  	s22 =	simm.s32 $0x1BFF;
	s21 =	sshll.u32 s7, $0x1;
	s4 =	sadd.s32 s5, s19  }
0x9d: {  	s8 =	simm.s32 $0x0;
	s20 =	sshll.u32 s6, $0x1;
	s6 =	sadd.s32 s21, s4  }
0x9e: {  	[timem:s8], [sflag:s22] =	dma.local [hbm:s6], s20  }
0x9f: {  	_ =	swait.ge [sflag:s22], s20  }
0xa0: {  	s5 =	ssub.s32 $0x0, s20;
	[sflag:s22] =	ssyncset.done $0x0  }
0xa1: {  	[sflag:s22] =	ssyncadd.s32 s5;
	_ =	sdelay $0x1  }
0xa2: {  	s23 =	simm.s32 $0x1B8B  }
0xa3: {  	_ =	swait.ge [sflag:s23], $0x1  }
0xa4: {  	[sflag:s23] =	ssyncset.done $0x0  }
0xa5: {  	s25 =	simm.s32 $0x1B8E;
	s24 =	sld [smem:$0x3FFE];
	[sflag:s23] =	ssyncadd.s32 $0xFFFFFFFF  }
0xa6: {  	s26 =	simm.s32 $execute0_lowered;
	[smem:$0x3FD2] =	sst s25  }
0xa7: {  	s6 =	sshll.u32 s26, $0x1;
	_ =	strace $0x8000004C;
	[dreg:$0x1] =	wrdreg $0xFFFFFFFF  }
0xa8: {  	s28 =	simm.s32 $_size_execute0_lowered;
	s4 =	sadd.s32 s4, s6;
	[dreg:$0x0] =	wrdreg $0x0  }
0xa9: {  	s6 =	sshll.u32 s28, $0x1;
	[dreg:$0x2] =	wrdreg s4  }
0xaa: {  	[dreg:$0x3] =	wrdreg s6  }
0xab: {  	[dreg:$0x4] =	wrdreg $0xC0  }
0xac: {  	_ =	task [dreg:s8], $0x5FFFF  }
0xad: {  	[dreg:$0x1] =	wrdreg $0xFFFFFFFF  }
0xae: {  	[dreg:$0x0] =	wrdreg $0x60  }
0xaf: {  	[dreg:$0x2] =	wrdreg s24  }
0xb0: {  	[dreg:$0x3] =	wrdreg s2  }
0xb1: {  	[dreg:$0x4] =	wrdreg s18  }
0xb2: {  	[dreg:$0x5] =	wrdreg $0x6F000  }
0xb3: {  	[dreg:$0x6] =	wrdreg $0x9  }
0xb4: {  	_ =	task.clear_ibuf [dreg:s8], $0x7FFFF;
	_ =	strace $0x9000004C  }
0xb5: {  	s29 =	simm.s32 $0x9;
	_ =	strace $0x8000004E  }
0xb6: {  	_ =	swait.ge [sflag:s29], $0x1  }
0xb7: {  	[sflag:s29] =	ssyncadd.s32 $0xFFFFFFFF  }
0xb8: {  	_ =	strace $0x9000004E  }
0xb9: {  	_ =	sfence  }
0xba: {  	s30 =	sld [smem:$0x0];
	_ =	sdelay $0x2  }
0xbb: {  	s31 =	sshll.u32 s1, $0xD;
	s1 =	sshrl.u32 s1, $0x2  }
0xbc: {  	s3 =	sand.u32 $0x4000, s31;
	s1 =	sadd.s32 s1, s30  }
0xbd: {  	s0 =	sor.u32 s3, s0;
	s1 =	sshll.u32 s1, $0x11  }
0xbe: {  	s0 =	sor.u32 s1, s0  }
0xbf: {  	s0 =	sadd.s32 $0x8F2B, s0  }
0xc0: {  	[sflag:s0] =	ssyncadd.remote.s32 $0x1  }
0xc1: {  	_ =	sfence.sel $0xFFFF  }
0xc2: {  	[dreg:$0x0] =	wrdreg $0xFFFFFFFF;
	(pc) =	sbr.abs _section_cstart, $3  }
0xc3: {  	[dreg:$0x1] =	wrdreg $0xFFFFFFFF  }
0xc4: {  	_ =	task.clear_ibuf [dreg:s8], $0x2FFFF;
	_ =	strace $0x9FFFFFFF  }
0xc5: {  	(tm) =	ssettm $0x7FFFFFFF  }
tec
execute0_lowered:
.L_overlay_start_1:
0x0: {  	(tag) =	ssettag $0x1  }
0x1: {  	s4 =	rddreg [dreg:$0x0]  }
0x2: {  	s6 =	rddreg [dreg:$0x1]  }
0x3: {  	s8 =	rddreg [dreg:$0x2]  }
0x4: {  	s2 =	rddreg [dreg:$0x3]  }
0x5: {  	s3 =	simm.s32 $0x0;
	s5 =	srdreg.scid;
	s0 =	stileid.u32  }
0x6: {  	s13 =	stileid.u32;
	s14 =	simm.s32 $0x6700;
	s15 =	simm.s32 $0x4  }
0x7: {  	s16 =	simm.s32 $0x1;
	s17 =	simm.s32 $0x80;
	s18 =	simm.s32 $0x4F00  }
0x8: {  	s19 =	simm.s32 $0x100;
	s20 =	simm.s32 $0x5700;
	s21 =	simm.s32 $0x2  }
0x9: {  	s22 =	simm.s32 $0x3;
	[smem:$0x7FF] =	sst s3;
	s7 =	sand.u32 $0x1, s5  }
0xa: {  	s26 =	sshll.u32 s0, $0x1;
	s4 =	sadd.s32 $0x1A00, s4;
	s12 =	smul.u32 $0xA000, s0  }
0xb: {  	s31 =	smul.u32 $0x2800, s0;
	p0 =	sgt.u32 s0, $0x1;
	_ =	strace $0x8000004D  }
0xc: {  	s9 =	ssub.s32 $0x2, s7;
	s5 =	sor.u32 s7, s26;
	s29 =	smul.u32 $0x5000, s7  }
0xd: {  	s10 =	sshrl.u32 s9, $0x1;
	s11 =	smul.u32 $0x9C0, s5;
	s28 =	smin.u32 s5, $0x3  }
0xe: {  	s30 =	sshrl.u32 s12, $0x2;
	s24 =	sshrl.u32 s31, $0x3;
	s25 =	sadd.s32 s31, s2  }
0xf: {  	s9 =	ssub.s32 s9, s10;
	s10 =	sshll.u32 s28, $0x5;
	s7 =	sadd.s32 s30, s2  }
0x10: {  	s23 =	sadd.s32 s8, s29;
	s5 =	sadd.s32 s6, s11;
	s6 =	sadd.s32 s10, s6  }
0x11: {  	s8 =	smax.u32 s9, $0x1;
	s9 =	sadd.s32 $0x800, s7;
	s10 =	sadd.s32 $0x1000, s7  }
0x12: {  	s11 =	sadd.s32 $0x1800, s7;
	s12 =	sadd.s32 $0x2000, s7;
	s23 =	sadd.s32 s24, s23  }
0x13: {  	v0 =	vimm.f32 $0.0e+00;
	s24 =	sshrl.u32 s25, $0x3;
	s25 =	simm.s32 $0x0;
	s6 =	sadd.s32 $0x13800, s6  }
.LBB2_1:
0x14: {  	[tilespmem:s3], [sflag:$0x1] =	stream.linear.gather [hbm4b:s5+s3], $0x4E00, $0x38;
	[tilespmem:$0x9700] =	vst v63  }
0x15: {  	s0 =	simm.s32 $0x4E00;
	s26 =	simm.s32 $0x40;
	s28 =	simm.s32 $0x0  }
0x16: {  	[tilespmem:s0], [sflag:$0x1] =	stream.linear.gather [hbm4b:s6+s3], $0x100, $0x38;
	[tilespmem:$0x9700] =	vst v63  }
.LBB2_2:
0x17: {  	p1 =	sne.s32 s26, $0x1FC0;
	[tilespmem:s28+$0x6700] =	vst v0;
	s28 =	smov.u32 s26;
	s26 =	sadd.s32 $0x40, s26  }
.Ltmp0:
0x18: {  	(pc) =	sbr.rel @p1 .LBB2_2-.Ltmp0, $2  }
0x19: {  	_ =	sdelay $0x2  }
0x1a: {  	s28 =	sshra.s32 s28, $0x2  }
0x1b: {  	[tilespmem:s28+$0x6700] =	vst v0  }
0x1c: {  	[spmem:s7] =	stream.linear.scatter [tilespmem:s14], [sflag:$0x4], $0x800, $0x38;
	[tilespmem:$0x9700] =	vst v63  }
0x1d: {  	_ =	swait.ge [sflag:s15], $0x800  }
0x1e: {  	[sflag:s15] =	ssyncset.done $0x0  }
0x1f: {  	[sflag:s15] =	ssyncadd.s32 $0xFFFFF800  }
0x20: {  	[spmem:s9] =	stream.linear.scatter [tilespmem:s14], [sflag:$0x4], $0x800, $0x38;
	[tilespmem:$0x9700] =	vst v63  }
0x21: {  	_ =	swait.ge [sflag:s15], $0x800  }
0x22: {  	[sflag:s15] =	ssyncset.done $0x0  }
0x23: {  	[sflag:s15] =	ssyncadd.s32 $0xFFFFF800  }
0x24: {  	[spmem:s10] =	stream.linear.scatter [tilespmem:s14], [sflag:$0x4], $0x800, $0x38;
	[tilespmem:$0x9700] =	vst v63  }
0x25: {  	_ =	swait.ge [sflag:s15], $0x800  }
0x26: {  	[sflag:s15] =	ssyncset.done $0x0  }
0x27: {  	[sflag:s15] =	ssyncadd.s32 $0xFFFFF800  }
0x28: {  	[spmem:s11] =	stream.linear.scatter [tilespmem:s14], [sflag:$0x4], $0x800, $0x38;
	[tilespmem:$0x9700] =	vst v63  }
0x29: {  	_ =	swait.ge [sflag:s15], $0x800  }
0x2a: {  	[sflag:s15] =	ssyncset.done $0x0  }
0x2b: {  	[sflag:s15] =	ssyncadd.s32 $0xFFFFF800  }
0x2c: {  	[spmem:s12] =	stream.linear.scatter [tilespmem:s14], [sflag:$0x4], $0x800, $0x38;
	[tilespmem:$0x9700] =	vst v63  }
0x2d: {  	_ =	swait.ge [sflag:s15], $0x800  }
0x2e: {  	[sflag:s15] =	ssyncset.done $0x0  }
0x2f: {  	[sflag:s15] =	ssyncadd.s32 $0xFFFFF800  }
0x30: {  	_ =	swait.ge [sflag:s16], $0x4E00  }
0x31: {  	[sflag:s16] =	ssyncset.done $0x0  }
0x32: {  	[sflag:s16] =	ssyncadd.s32 $0xFFFFB200  }
0x33: {  	_ =	swait.ge [sflag:s16], $0x100  }
0x34: {  	[sflag:s16] =	ssyncset.done $0x0  }
0x35: {  	s26 =	simm.s32 @!p0 $0x80;
	[sflag:s16] =	ssyncadd.s32 $0xFFFFFF00  }
0x36: {  	s28 =	simm.s32 @!p0 $0x4E00;
	s29 =	simm.s32 @!p0 $0x4F00;
	[bflag:$0x0] =	sbarrier.arrive $0xFFFF  }
0x37: {  	[tilespmem:s29], [sflag:$0x2] =	stream.indirect.gather @!p0 [hbm4b:s4+s26], $0x10, s28, s26, $0xb8;
	[tilespmem:$0x9700] =	vst v63  }
0x38: {  	s28 =	simm.s32 @!p0 $0x2  }
0x39: {  	_ =	swait.ge @!p0 [sflag:s28], $0x800  }
0x3a: {  	[sflag:s28] =	ssyncset.done @!p0 $0x0  }
0x3b: {  	[sflag:s28] =	ssyncadd.s32 @!p0 $0xFFFFF800;
	s28 =	simm.s32 @!p0 $0x4E80  }
0x3c: {  	[spmem:s2] =	stream.indirect.scatter.add.f32 @!p0 [tilespmem:s29], [sflag:$0x4], $0x10, s28, s26, $0xb8;
	[tilespmem:$0x9700] =	vst v63  }
0x3d: {  	s26 =	simm.s32 @!p0 $0x4  }
0x3e: {  	_ =	swait.ge @!p0 [sflag:s26], $0x800  }
0x3f: {  	p1 =	por $0x0, $0x0;
	s28 =	simm.s32 $0x2;
	[sflag:s26] =	ssyncset.done @!p0 $0x0  }
0x40: {  	s31 =	simm.s32 $0x0;
	s28 =	smul.u32 @!p1 $0xAB, s28;
	[sflag:s26] =	ssyncadd.s32 @!p0 $0xFFFFF800  }
0x41: {  	[tilespmem:s18], [sflag:$0x2] =	stream.indirect.gather [hbm4b:s4+s17], $0x10, s31, s17, $0xb8;
	[tilespmem:$0x9700] =	vst v63  }
0x42: {  	p2 =	por @!p1 $0x1, $0x1;
	s28 =	sshrl.u32 @!p1 s28, $0x9  }
0x43: {  	[tilespmem:s20], [sflag:$0x2] =	stream.indirect.gather [hbm4b:s4+s17], $0x10, s19, s17, $0xb8;
	[tilespmem:$0x9700] =	vst v63  }
0x44: {  	s26 =	smul.u32 $0xAB, s31;
	s28 =	sand.u32 @!p1 $0x7F, s28;
	_ =	swait.ge [sflag:s21], $0x800  }
0x45: {  	p2 =	por p2, p1;
	s28 =	smul.u32 @!p1 $0x3, s28;
	[sflag:s21] =	ssyncset.done $0x0  }
0x46: {  	s29 =	simm.s32 @!p2 $0x3;
	s26 =	sshrl.u32 s26, $0x9;
	[sflag:s21] =	ssyncadd.s32 $0xFFFFF800  }
0x47: {  	s26 =	sand.u32 $0x7F, s26;
	s28 =	ssub.s32 @!p1 $0x2, s28;
	_ =	swait.ge @!p2 [sflag:s29], $0x800  }
0x48: {  	s26 =	smul.u32 $0x3, s26;
	s28 =	sand.u32 @!p1 $0xFF, s28;
	[sflag:s29] =	ssyncset.done @!p2 $0x0  }
0x49: {  	s30 =	simm.s32 $0x200;
	s28 =	sshll.u32 @!p1 s28, $0xB;
	[sflag:s29] =	ssyncadd.s32 @!p2 $0xFFFFF800  }
0x4a: {  	s29 =	ssub.s32 $0x0, s26;
	s26 =	sadd.s32 @!p1 $0x4F00, s28;
	s28 =	simm.s32 @!p1 $0x80  }
0x4b: {  	[tilespmem:s26], [sflag:$0x2] =	stream.indirect.gather @!p1 [hbm4b:s4+s28], $0x10, s30, s28, $0xb8;
	[tilespmem:$0x9700] =	vst v63  }
0x4c: {  	s26 =	simm.s32 $0x1;
	s28 =	sand.u32 $0xFF, s29  }
0x4d: {  	s29 =	simm.s32 $0x80;
	s30 =	sshll.u32 s28, $0xB;
	s28 =	simm.s32 $0x300  }
.LBB2_4:
0x4e: {  	s31 =	sadd.s32 $0x2, s26  }
0x4f: {  	p1 =	sgt.u32 s26, $0x4B;
	s30 =	sadd.s32 $0x4F00, s30;
	s0 =	smov.u32 s26  }
0x50: {  	[spmem:s2] =	stream.indirect.scatter.add.f32 [tilespmem:s30], [sflag:$0x3], $0x10, s29, s17, $0xb8;
	[tilespmem:$0x9700] =	vst v63  }
0x51: {  	s29 =	smul.u32 @!p1 $0xAB, s31;
	p2 =	seq.s32 @!p1 s26, $0x0;
	_ =	swait.ge [sflag:s21], $0x800  }
0x52: {  	s26 =	sadd.s32 $0x1, s26;
	p3 =	por p2, p1;
	[sflag:s21] =	ssyncset.done $0x0  }
0x53: {  	s30 =	smul.u32 $0xAB, s0;
	s29 =	sshrl.u32 @!p1 s29, $0x9;
	[sflag:s21] =	ssyncadd.s32 $0xFFFFF800  }
0x54: {  	p2 =	sne.s32 s26, $0x4E;
	s1 =	simm.s32 @!p3 $0x3;
	s29 =	sand.u32 @!p1 $0x7F, s29  }
0x55: {  	s30 =	sshrl.u32 s30, $0x9;
	s29 =	smul.u32 @!p1 $0x3, s29;
	_ =	swait.ge @!p3 [sflag:s1], $0x800  }
0x56: {  	s30 =	sand.u32 $0x7F, s30;
	[sflag:s1] =	ssyncset.done @!p3 $0x0  }
0x57: {  	s30 =	smul.u32 $0x3, s30;
	s29 =	ssub.s32 @!p1 s31, s29;
	[sflag:s1] =	ssyncadd.s32 @!p3 $0xFFFFF800  }
.Ltmp1:
0x58: {  	s1 =	sand.u32 @!p1 $0xFF, s29;
	(pc) =	sbr.rel @p2 .LBB2_4-.Ltmp1, $4  }
0x59: {  	s0 =	ssub.s32 s0, s30;
	s1 =	sshll.u32 @!p1 s1, $0xB  }
0x5a: {  	s0 =	sand.u32 $0xFF, s0;
	s29 =	simm.s32 @!p1 $0x80;
	s1 =	sadd.s32 @!p1 $0x4F00, s1  }
0x5b: {  	[tilespmem:s1], [sflag:$0x2] =	stream.indirect.gather @!p1 [hbm4b:s4+s29], $0x10, s28, s29, $0xb8;
	[tilespmem:$0x9700] =	vst v63  }
0x5c: {  	s30 =	sshll.u32 s0, $0xB;
	s29 =	sadd.s32 $0xFFFFFE80, s28;
	s28 =	sadd.s32 $0x100, s28  }
0x5d: {  	s0 =	sadd.s32 $0x4F00, s30  }
0x5e: {  	[spmem:s2] =	stream.indirect.scatter.add.f32 [tilespmem:s0], [sflag:$0x3], $0x10, s29, s17, $0xb8;
	[tilespmem:$0x9700] =	vst v63  }
0x5f: {  	_ =	swait.ge [sflag:s22], $0x800  }
0x60: {  	[sflag:s22] =	ssyncset.done $0x0  }
0x61: {  	[sflag:s22] =	ssyncadd.s32 $0xFFFFF800  }
0x62: {  	_ =	swait.ge [sflag:s22], $0x800  }
0x63: {  	[sflag:s22] =	ssyncset.done $0x0  }
0x64: {  	[sflag:s22] =	ssyncadd.s32 $0xFFFFF800  }
0x65: {  	_ =	swait.ge [sflag:s22], $0x800  }
0x66: {  	s25 =	sadd.s32 $0x1, s25;
	[sflag:s22] =	ssyncset.done $0x0  }
0x67: {  	s31 =	sshll.u32 s13, $0x6;
	p1 =	sne.s32 s25, s8;
	[sflag:s22] =	ssyncadd.s32 $0xFFFFF800  }
.Ltmp2:
0x68: {  	s0 =	sor.u32 $0x1C04, s31;
	[bflag:$0x0] =	sbarrier.arrive $0xFFFF;
	(pc) =	sbr.rel @p1 .LBB2_1-.Ltmp2, $4  }
0x69: {  	[hbm:s23], [sflag:s0] =	dma.local [spmem:s24], $0x500  }
0x6a: {  	_ =	swait.ge [sflag:s15], $0x500  }
0x6b: {  	[sflag:s15] =	ssyncset.done $0x0  }
0x6c: {  	[sflag:s15] =	ssyncadd.s32 $0xFFFFFB00  }
0x6d: {  	_ =	sfence.sel $0x180000  }
0x6e: {  	[bflag:$0x0] =	sbarrier.arrive $0xFFFF  }
0x6f: {  	_ =	strace $0x9000004D  }
0x70: {  	[bflag:$0x2] =	sbarrier.arrive $0xFFFF  }
0x71: {  	p0 =	sne.s32 s13, $0x0;
	s0 =	rddreg [dreg:$0x4]  }
0x72: {  	s0 =	sadd.s32 @!p0 $0x100000, s0  }
0x73: {  	[sflag:s0] =	ssyncadd.tile.s32 @!p0 $0x1;
	_ =	shalt  }
.Lfunc_end2:
_tile_overlayer_lowered:
.L_overlay_start_2:
0x74: {  	(tag) =	ssettag $0x2  }
0x75: {  	s0 =	rddreg [dreg:$0x0];
	s2 =	stileid.u32  }
0x76: {  	s1 =	rddreg [dreg:$0x1];
	p0 =	sne.s32 s2, $0x0  }
0x77: {  	s3 =	rddreg [dreg:$0x2];
	[bflag:$0x3] =	sbarrier.arrive $0xFFFF;
	s2 =	simm.s32 @!p0 $0x1C04  }
0x78: {  	[timem:s3], [sflag:s2] =	dma.local @!p0 [hbm:s0], s1  }
0x79: {  	s0 =	simm.s32 @!p0 $0x4  }
0x7a: {  	_ =	swait.ge @!p0 [sflag:s0], s1  }
0x7b: {  	s1 =	ssub.s32 @!p0 $0x0, s1;
	[sflag:s0] =	ssyncset.done @!p0 $0x0  }
0x7c: {  	[sflag:s0] =	ssyncadd.s32 @!p0 s1  }
0x7d: {  	[bflag:$0x3] =	sbarrier.arrive $0xFFFF  }
0x7e: {  	_ =	shalt  }

// kernel: kernel.9.cloned.1.call-start
scs
__scs_entry_jumppad:
0x0: {  	(pc) =	sbr.rel $0x88, $3  }
0x1: {  	(tag) =	ssettag $0x0;
	lr =	simm.s32 $0x1  }
0x2: {  	[smem:$0x3F9C] =	sst lr;
	_ =	strace $0xD0000000  }
0x3: {  	_ = 	snop  }
0x4: {  	_ = 	snop  }
0x5: {  	_ = 	snop  }
0x6: {  	_ = 	snop  }
0x7: {  	_ = 	snop  }
__scs_overlays_trampoline_lowered:
0x8: {  	[smem:$0x3FAB] =	sst s0  }
0x9: {  	[smem:$0x3FAC] =	sst s1  }
0xa: {  	[smem:$0x3FAD] =	sst s2  }
0xb: {  	[smem:$0x3FAE] =	sst s3  }
0xc: {  	[smem:$0x3FAF] =	sst s4  }
0xd: {  	[smem:$0x3FB0] =	sst s5  }
0xe: {  	[smem:$0x3FB1] =	sst s6  }
0xf: {  	[smem:$0x3FB2] =	sst s7  }
0x10: {  	[smem:$0x3FB3] =	sst s8  }
0x11: {  	[smem:$0x3FB4] =	sst s9;
	s0 =	simm.s32 @!p0 $0x0  }
0x12: {  	s1 =	sld [smem:$0x3F9A];
	s0 =	simm.s32 @p0 $0x1  }
0x13: {  	[smem:$0x3FB5] =	sst s0;
	s0 =	simm.s32 @!p1 $0x0  }
0x14: {  	s2 =	sld [smem:$0x3F99];
	s0 =	simm.s32 @p1 $0x1  }
0x15: {  	[smem:$0x3FB6] =	sst s0;
	s0 =	simm.s32 @!p2 $0x0  }
0x16: {  	s3 =	sld [smem:$0x3FDB];
	s0 =	simm.s32 @p2 $0x1  }
0x17: {  	s4 =	simm.s32 $0x1BF5;
	[smem:$0x3FB8] =	sst s0  }
0x18: {  	s0 =	sld [smem:$0x3F9B];
	_ =	swait.ge [sflag:s4], $0x0  }
0x19: {  	s7 =	sld [smem:$0x3F9C]  }
0x1a: {  	s8 =	sadd.s32 $0xFFFFE003, lr  }
0x1b: {  	s9 =	sadd.s32 $0xFFFFFEF7, lr;
	s5 =	simm.s32 $0xFFFFFFFF;
	p2 =	slt.u32 s8, $0xFFFFF086  }
0x1c: {  	p1 =	slt.u32 s9, $0xF7A;
	s5 =	simm.s32 @!p2 $0x0  }
0x1d: {  	s5 =	simm.s32 @p1 $0x1;
	p0 =	seq.s32 s7, s2  }
0x1e: {  	s7 =	smul.u32 @!p0 $0xF7A, s2;
	p2 =	seq.s32 @!p0 s5, $0x0  }
0x1f: {  	s9 =	smul.u32 $0xF7A, s1;
	s8 =	simm.s32 @!p0 $0x1BF5;
	p2 =	por !p2, p0  }
0x20: {  	[sflag:s8] =	ssyncset.s32 @!p0 $0xFFFFF086;
	s6 =	sadd.s32 @!p0 s3, s7;
	s7 =	simm.s32 @!p0 $0x108  }
0x21: {  	s3 =	sadd.s32 s3, s9;
	s6 =	sadd.s32 @!p0 $0x88, s6;
	s7 =	simm.s32 @p2 $0x1082  }
0x22: {  	[simem:s7], [sflag:s8] =	dma.local @!p0 [hbm:s6], $0xF7A  }
0x23: {  	s9 =	sor.u32 $0xD0000000, s2;
	s6 =	simm.s32 $0x108;
	_ =	swait.ge @!p0 [sflag:s8], $0x0  }
0x24: {  	s3 =	sadd.s32 $0x88, s3;
	s6 =	simm.s32 @!p1 $0x1082;
	[sflag:s4] =	ssyncset.s32 $0xFFFFF086  }
0x25: {  	[simem:s6], [sflag:s4] =	dma.local [hbm:s3], $0xF7A  }
0x26: {  	[smem:$0x3F9C] =	sst s1;
	(tag) =	ssettag s2;
	_ =	strace s9  }
0x27: {  	s1 =	sld [smem:$0x3FAC]  }
0x28: {  	s2 =	sld [smem:$0x3FAD]  }
0x29: {  	s4 =	sld [smem:$0x3FAF]  }
0x2a: {  	p0 =	seq.s32 s5, $0x0;
	s5 =	sld [smem:$0x3FB0]  }
0x2b: {  	s6 =	sld [smem:$0x3FB1]  }
0x2c: {  	s7 =	sld [smem:$0x3FB2]  }
0x2d: {  	s3 =	simm.s32 $0x108;
	s8 =	sld [smem:$0x3FB3]  }
0x2e: {  	s3 =	simm.s32 @!p0 $0x1082;
	s9 =	sld [smem:$0x3FB4]  }
0x2f: {  	lr =	sadd.s32 s0, s3;
	s0 =	sld [smem:$0x3FAB]  }
0x30: {  	s3 =	sld [smem:$0x3FAE]  }
0x31: {  	[smem:$0x3FB7] =	sst s10  }
0x32: {  	s10 =	sld [smem:$0x3FB5];
	_ =	sdelay $0x3  }
0x33: {  	p0 =	seq.s32 s10, $0x1;
	s10 =	sld [smem:$0x3FB7];
	_ =	sdelay $0x3  }
0x34: {  	[smem:$0x3FB7] =	sst s10  }
0x35: {  	s10 =	sld [smem:$0x3FB6];
	_ =	sdelay $0x3  }
0x36: {  	p1 =	seq.s32 s10, $0x1;
	s10 =	sld [smem:$0x3FB7];
	_ =	sdelay $0x3  }
0x37: {  	[smem:$0x3FB7] =	sst s10  }
0x38: {  	s10 =	sld [smem:$0x3FB8]  }
0x39: {  	_ = 	snop;
	(pc) =	sbr.ind lr, $3  }
0x3a: {  	_ = 	snop  }
0x3b: {  	_ = 	snop  }
0x3c: {  	p2 =	seq.s32 s10, $0x1;
	s10 =	sld [smem:$0x3FB7]  }
0x3d: {  	_ =	shalt  }
0x3e: {  	_ =	shalt  }
0x3f: {  	_ =	shalt  }
0x40: {  	_ =	shalt  }
0x41: {  	_ =	shalt  }
0x42: {  	_ =	shalt  }
0x43: {  	_ =	shalt  }
0x44: {  	_ =	shalt  }
0x45: {  	_ =	shalt  }
0x46: {  	_ =	shalt  }
0x47: {  	_ =	shalt  }
0x48: {  	_ =	shalt  }
0x49: {  	_ =	shalt  }
0x4a: {  	_ =	shalt  }
0x4b: {  	_ =	shalt  }
0x4c: {  	_ =	shalt  }
0x4d: {  	_ =	shalt  }
0x4e: {  	_ =	shalt  }
0x4f: {  	_ =	shalt  }
0x50: {  	_ =	shalt  }
0x51: {  	_ =	shalt  }
0x52: {  	_ =	shalt  }
0x53: {  	_ =	shalt  }
0x54: {  	_ =	shalt  }
0x55: {  	_ =	shalt  }
0x56: {  	_ =	shalt  }
0x57: {  	_ =	shalt  }
0x58: {  	_ =	shalt  }
0x59: {  	_ =	shalt  }
0x5a: {  	_ =	shalt  }
0x5b: {  	_ =	shalt  }
0x5c: {  	_ =	shalt  }
0x5d: {  	_ =	shalt  }
0x5e: {  	_ =	shalt  }
0x5f: {  	_ =	shalt  }
0x60: {  	_ =	shalt  }
0x61: {  	_ =	shalt  }
0x62: {  	_ =	shalt  }
0x63: {  	_ =	shalt  }
0x64: {  	_ =	shalt  }
0x65: {  	_ =	shalt  }
0x66: {  	_ =	shalt  }
0x67: {  	_ =	shalt  }
0x68: {  	_ =	shalt  }
0x69: {  	_ =	shalt  }
0x6a: {  	_ =	shalt  }
0x6b: {  	_ =	shalt  }
0x6c: {  	_ =	shalt  }
0x6d: {  	_ =	shalt  }
0x6e: {  	_ =	shalt  }
0x6f: {  	_ =	shalt  }
0x70: {  	_ =	shalt  }
0x71: {  	_ =	shalt  }
0x72: {  	_ =	shalt  }
0x73: {  	_ =	shalt  }
0x74: {  	_ =	shalt  }
0x75: {  	_ =	shalt  }
0x76: {  	_ =	shalt  }
0x77: {  	_ =	shalt  }
0x78: {  	_ =	shalt  }
0x79: {  	_ =	shalt  }
0x7a: {  	_ =	shalt  }
0x7b: {  	_ =	shalt  }
0x7c: {  	_ =	shalt  }
0x7d: {  	_ =	shalt  }
0x7e: {  	_ =	shalt  }
0x7f: {  	_ =	shalt  }
0x80: {  	_ =	shalt  }
0x81: {  	_ =	shalt  }
0x82: {  	_ =	shalt  }
0x83: {  	_ =	shalt  }
0x84: {  	_ =	shalt  }
0x85: {  	_ =	shalt  }
0x86: {  	_ =	shalt  }
0x87: {  	_ =	shalt  }
.Lfunc_end0:
.L_simem_size_0:
called_computation_lowered:
.L_overlay_start_0:
0x88: {  	s2 =	sld [smem:$0x3FD9]  }
0x89: {  	s3 =	sld [smem:$0x3FFE];
	_ =	sdelay $0x1  }
0x8a: {  	s1 =	srdreg.scid  }
0x8b: {  	s0 =	sand.u32 $0x1, s1  }
0x8c: {  	s17 =	sshll.u32 s0, $0xA;
	s2 =	sadd.s32 s3, s2  }
0x8d: {  	s2 =	sadd.s32 s2, s17  }
0x8e: {  	[smem:$0x3FC3] =	sst s2  }
0x8f: {  	_ = 	snop  }
0x90: {  	s2 =	sld [smem:$0x3FC8]  }
0x91: {  	s18 =	sld [smem:$0x3FD0];
	(tm) =	ssettm $0x1  }
0x92: {  	s4 =	sld [smem:$0x3FFB];
	_ =	sdelay $0x3  }
0x93: {  	_ =	strace s4  }
0x94: {  	s4 =	sld [smem:$0x3FFC];
	_ =	sdelay $0x3  }
0x95: {  	_ =	strace s4  }
0x96: {  	s4 =	sld [smem:$0x3FFD];
	_ =	sdelay $0x3  }
0x97: {  	_ =	strace s4  }
0x98: {  	_ =	strace $0x8FFFFFFF  }
0x99: {  	s19 =	sld [smem:$0x3FDB];
	_ =	sdelay $0x1  }
0x9a: {  	s5 =	simm.s32 $_scs_section_size  }
0x9b: {  	s6 =	simm.s32 $_size__tile_overlayer_lowered;
	s7 =	simm.s32 $_tile_overlayer_lowered  }
0x9c: {  	s22 =	simm.s32 $0x1BFF;
	s21 =	sshll.u32 s7, $0x1;
	s4 =	sadd.s32 s5, s19  }
0x9d: {  	s8 =	simm.s32 $0x0;
	s20 =	sshll.u32 s6, $0x1;
	s6 =	sadd.s32 s21, s4  }
0x9e: {  	[timem:s8], [sflag:s22] =	dma.local [hbm:s6], s20  }
0x9f: {  	_ =	swait.ge [sflag:s22], s20  }
0xa0: {  	s5 =	ssub.s32 $0x0, s20;
	[sflag:s22] =	ssyncset.done $0x0  }
0xa1: {  	[sflag:s22] =	ssyncadd.s32 s5;
	_ =	sdelay $0x1  }
0xa2: {  	s23 =	simm.s32 $0x1B8B  }
0xa3: {  	_ =	swait.ge [sflag:s23], $0x1  }
0xa4: {  	[sflag:s23] =	ssyncset.done $0x0  }
0xa5: {  	s25 =	simm.s32 $0x1B8E;
	s24 =	sld [smem:$0x3FFE];
	[sflag:s23] =	ssyncadd.s32 $0xFFFFFFFF  }
0xa6: {  	s26 =	simm.s32 $execute0_lowered;
	[smem:$0x3FD2] =	sst s25  }
0xa7: {  	s6 =	sshll.u32 s26, $0x1;
	_ =	strace $0x80000046;
	[dreg:$0x1] =	wrdreg $0xFFFFFFFF  }
0xa8: {  	s28 =	simm.s32 $_size_execute0_lowered;
	s4 =	sadd.s32 s4, s6;
	[dreg:$0x0] =	wrdreg $0x0  }
0xa9: {  	s6 =	sshll.u32 s28, $0x1;
	[dreg:$0x2] =	wrdreg s4  }
0xaa: {  	[dreg:$0x3] =	wrdreg s6  }
0xab: {  	[dreg:$0x4] =	wrdreg $0xC0  }
0xac: {  	_ =	task [dreg:s8], $0x5FFFF  }
0xad: {  	[dreg:$0x1] =	wrdreg $0xFFFFFFFF  }
0xae: {  	[dreg:$0x0] =	wrdreg $0x60  }
0xaf: {  	[dreg:$0x2] =	wrdreg s24  }
0xb0: {  	[dreg:$0x3] =	wrdreg s2  }
0xb1: {  	[dreg:$0x4] =	wrdreg s18  }
0xb2: {  	[dreg:$0x5] =	wrdreg $0x6F000  }
0xb3: {  	[dreg:$0x6] =	wrdreg $0x9  }
0xb4: {  	_ =	task.clear_ibuf [dreg:s8], $0x7FFFF;
	_ =	strace $0x90000046  }
0xb5: {  	s29 =	simm.s32 $0x9;
	_ =	strace $0x80000048  }
0xb6: {  	_ =	swait.ge [sflag:s29], $0x1  }
0xb7: {  	[sflag:s29] =	ssyncadd.s32 $0xFFFFFFFF  }
0xb8: {  	_ =	strace $0x90000048  }
0xb9: {  	_ =	sfence  }
0xba: {  	s30 =	sld [smem:$0x0];
	_ =	sdelay $0x2  }
0xbb: {  	s31 =	sshll.u32 s1, $0xD;
	s1 =	sshrl.u32 s1, $0x2  }
0xbc: {  	s3 =	sand.u32 $0x4000, s31;
	s1 =	sadd.s32 s1, s30  }
0xbd: {  	s0 =	sor.u32 s3, s0;
	s1 =	sshll.u32 s1, $0x11  }
0xbe: {  	s0 =	sor.u32 s1, s0  }
0xbf: {  	s0 =	sadd.s32 $0x8F2B, s0  }
0xc0: {  	[sflag:s0] =	ssyncadd.remote.s32 $0x1  }
0xc1: {  	_ =	sfence.sel $0xFFFF  }
0xc2: {  	[dreg:$0x0] =	wrdreg $0xFFFFFFFF;
	(pc) =	sbr.abs _section_cstart, $3  }
0xc3: {  	[dreg:$0x1] =	wrdreg $0xFFFFFFFF  }
0xc4: {  	_ =	task.clear_ibuf [dreg:s8], $0x2FFFF;
	_ =	strace $0x9FFFFFFF  }
0xc5: {  	(tm) =	ssettm $0x7FFFFFFF  }
tec
execute0_lowered:
.L_overlay_start_1:
0x0: {  	(tag) =	ssettag $0x1  }
0x1: {  	s4 =	rddreg [dreg:$0x0]  }
0x2: {  	s6 =	rddreg [dreg:$0x1]  }
0x3: {  	s8 =	rddreg [dreg:$0x2]  }
0x4: {  	s2 =	rddreg [dreg:$0x3]  }
0x5: {  	s3 =	simm.s32 $0x0;
	s5 =	srdreg.scid;
	s0 =	stileid.u32  }
0x6: {  	s13 =	stileid.u32;
	s14 =	simm.s32 $0x6700;
	s15 =	simm.s32 $0x4  }
0x7: {  	s16 =	simm.s32 $0x1;
	s17 =	simm.s32 $0x80;
	s18 =	simm.s32 $0x4F00  }
0x8: {  	s19 =	simm.s32 $0x100;
	s20 =	simm.s32 $0x5700;
	s21 =	simm.s32 $0x2  }
0x9: {  	s22 =	simm.s32 $0x3;
	[smem:$0x7FF] =	sst s3;
	s7 =	sand.u32 $0x1, s5  }
0xa: {  	s26 =	sshll.u32 s0, $0x1;
	s4 =	sadd.s32 $0x1A00, s4;
	s12 =	smul.u32 $0xA000, s0  }
0xb: {  	s31 =	smul.u32 $0x2800, s0;
	p0 =	sgt.u32 s0, $0x1;
	_ =	strace $0x80000047  }
0xc: {  	s9 =	ssub.s32 $0x2, s7;
	s5 =	sor.u32 s7, s26;
	s29 =	smul.u32 $0x5000, s7  }
0xd: {  	s10 =	sshrl.u32 s9, $0x1;
	s11 =	smul.u32 $0x9C0, s5;
	s28 =	smin.u32 s5, $0x3  }
0xe: {  	s30 =	sshrl.u32 s12, $0x2;
	s24 =	sshrl.u32 s31, $0x3;
	s25 =	sadd.s32 s31, s2  }
0xf: {  	s9 =	ssub.s32 s9, s10;
	s10 =	sshll.u32 s28, $0x5;
	s7 =	sadd.s32 s30, s2  }
0x10: {  	s23 =	sadd.s32 s8, s29;
	s5 =	sadd.s32 s6, s11;
	s6 =	sadd.s32 s10, s6  }
0x11: {  	s8 =	smax.u32 s9, $0x1;
	s9 =	sadd.s32 $0x800, s7;
	s10 =	sadd.s32 $0x1000, s7  }
0x12: {  	s11 =	sadd.s32 $0x1800, s7;
	s12 =	sadd.s32 $0x2000, s7;
	s23 =	sadd.s32 s24, s23  }
0x13: {  	v0 =	vimm.f32 $0.0e+00;
	s24 =	sshrl.u32 s25, $0x3;
	s25 =	simm.s32 $0x0;
	s6 =	sadd.s32 $0x13800, s6  }
.LBB2_1:
0x14: {  	[tilespmem:s3], [sflag:$0x1] =	stream.linear.gather [hbm4b:s5+s3], $0x4E00, $0x38;
	[tilespmem:$0x9700] =	vst v63  }
0x15: {  	s0 =	simm.s32 $0x4E00;
	s26 =	simm.s32 $0x40;
	s28 =	simm.s32 $0x0  }
0x16: {  	[tilespmem:s0], [sflag:$0x1] =	stream.linear.gather [hbm4b:s6+s3], $0x100, $0x38;
	[tilespmem:$0x9700] =	vst v63  }
.LBB2_2:
0x17: {  	p1 =	sne.s32 s26, $0x1FC0;
	[tilespmem:s28+$0x6700] =	vst v0;
	s28 =	smov.u32 s26;
	s26 =	sadd.s32 $0x40, s26  }
.Ltmp0:
0x18: {  	(pc) =	sbr.rel @p1 .LBB2_2-.Ltmp0, $2  }
0x19: {  	_ =	sdelay $0x2  }
0x1a: {  	s28 =	sshra.s32 s28, $0x2  }
0x1b: {  	[tilespmem:s28+$0x6700] =	vst v0  }
0x1c: {  	[spmem:s7] =	stream.linear.scatter [tilespmem:s14], [sflag:$0x4], $0x800, $0x38;
	[tilespmem:$0x9700] =	vst v63  }
0x1d: {  	_ =	swait.ge [sflag:s15], $0x800  }
0x1e: {  	[sflag:s15] =	ssyncset.done $0x0  }
0x1f: {  	[sflag:s15] =	ssyncadd.s32 $0xFFFFF800  }
0x20: {  	[spmem:s9] =	stream.linear.scatter [tilespmem:s14], [sflag:$0x4], $0x800, $0x38;
	[tilespmem:$0x9700] =	vst v63  }
0x21: {  	_ =	swait.ge [sflag:s15], $0x800  }
0x22: {  	[sflag:s15] =	ssyncset.done $0x0  }
0x23: {  	[sflag:s15] =	ssyncadd.s32 $0xFFFFF800  }
0x24: {  	[spmem:s10] =	stream.linear.scatter [tilespmem:s14], [sflag:$0x4], $0x800, $0x38;
	[tilespmem:$0x9700] =	vst v63  }
0x25: {  	_ =	swait.ge [sflag:s15], $0x800  }
0x26: {  	[sflag:s15] =	ssyncset.done $0x0  }
0x27: {  	[sflag:s15] =	ssyncadd.s32 $0xFFFFF800  }
0x28: {  	[spmem:s11] =	stream.linear.scatter [tilespmem:s14], [sflag:$0x4], $0x800, $0x38;
	[tilespmem:$0x9700] =	vst v63  }
0x29: {  	_ =	swait.ge [sflag:s15], $0x800  }
0x2a: {  	[sflag:s15] =	ssyncset.done $0x0  }
0x2b: {  	[sflag:s15] =	ssyncadd.s32 $0xFFFFF800  }
0x2c: {  	[spmem:s12] =	stream.linear.scatter [tilespmem:s14], [sflag:$0x4], $0x800, $0x38;
	[tilespmem:$0x9700] =	vst v63  }
0x2d: {  	_ =	swait.ge [sflag:s15], $0x800  }
0x2e: {  	[sflag:s15] =	ssyncset.done $0x0  }
0x2f: {  	[sflag:s15] =	ssyncadd.s32 $0xFFFFF800  }
0x30: {  	_ =	swait.ge [sflag:s16], $0x4E00  }
0x31: {  	[sflag:s16] =	ssyncset.done $0x0  }
0x32: {  	[sflag:s16] =	ssyncadd.s32 $0xFFFFB200  }
0x33: {  	_ =	swait.ge [sflag:s16], $0x100  }
0x34: {  	[sflag:s16] =	ssyncset.done $0x0  }
0x35: {  	s26 =	simm.s32 @!p0 $0x80;
	[sflag:s16] =	ssyncadd.s32 $0xFFFFFF00  }
0x36: {  	s28 =	simm.s32 @!p0 $0x4E00;
	s29 =	simm.s32 @!p0 $0x4F00;
	[bflag:$0x0] =	sbarrier.arrive $0xFFFF  }
0x37: {  	[tilespmem:s29], [sflag:$0x2] =	stream.indirect.gather @!p0 [hbm4b:s4+s26], $0x10, s28, s26, $0xb8;
	[tilespmem:$0x9700] =	vst v63  }
0x38: {  	s28 =	simm.s32 @!p0 $0x2  }
0x39: {  	_ =	swait.ge @!p0 [sflag:s28], $0x800  }
0x3a: {  	[sflag:s28] =	ssyncset.done @!p0 $0x0  }
0x3b: {  	[sflag:s28] =	ssyncadd.s32 @!p0 $0xFFFFF800;
	s28 =	simm.s32 @!p0 $0x4E80  }
0x3c: {  	[spmem:s2] =	stream.indirect.scatter.add.f32 @!p0 [tilespmem:s29], [sflag:$0x4], $0x10, s28, s26, $0xb8;
	[tilespmem:$0x9700] =	vst v63  }
0x3d: {  	s26 =	simm.s32 @!p0 $0x4  }
0x3e: {  	_ =	swait.ge @!p0 [sflag:s26], $0x800  }
0x3f: {  	p1 =	por $0x0, $0x0;
	s28 =	simm.s32 $0x2;
	[sflag:s26] =	ssyncset.done @!p0 $0x0  }
0x40: {  	s31 =	simm.s32 $0x0;
	s28 =	smul.u32 @!p1 $0xAB, s28;
	[sflag:s26] =	ssyncadd.s32 @!p0 $0xFFFFF800  }
0x41: {  	[tilespmem:s18], [sflag:$0x2] =	stream.indirect.gather [hbm4b:s4+s17], $0x10, s31, s17, $0xb8;
	[tilespmem:$0x9700] =	vst v63  }
0x42: {  	p2 =	por @!p1 $0x1, $0x1;
	s28 =	sshrl.u32 @!p1 s28, $0x9  }
0x43: {  	[tilespmem:s20], [sflag:$0x2] =	stream.indirect.gather [hbm4b:s4+s17], $0x10, s19, s17, $0xb8;
	[tilespmem:$0x9700] =	vst v63  }
0x44: {  	s26 =	smul.u32 $0xAB, s31;
	s28 =	sand.u32 @!p1 $0x7F, s28;
	_ =	swait.ge [sflag:s21], $0x800  }
0x45: {  	p2 =	por p2, p1;
	s28 =	smul.u32 @!p1 $0x3, s28;
	[sflag:s21] =	ssyncset.done $0x0  }
0x46: {  	s29 =	simm.s32 @!p2 $0x3;
	s26 =	sshrl.u32 s26, $0x9;
	[sflag:s21] =	ssyncadd.s32 $0xFFFFF800  }
0x47: {  	s26 =	sand.u32 $0x7F, s26;
	s28 =	ssub.s32 @!p1 $0x2, s28;
	_ =	swait.ge @!p2 [sflag:s29], $0x800  }
0x48: {  	s26 =	smul.u32 $0x3, s26;
	s28 =	sand.u32 @!p1 $0xFF, s28;
	[sflag:s29] =	ssyncset.done @!p2 $0x0  }
0x49: {  	s30 =	simm.s32 $0x200;
	s28 =	sshll.u32 @!p1 s28, $0xB;
	[sflag:s29] =	ssyncadd.s32 @!p2 $0xFFFFF800  }
0x4a: {  	s29 =	ssub.s32 $0x0, s26;
	s26 =	sadd.s32 @!p1 $0x4F00, s28;
	s28 =	simm.s32 @!p1 $0x80  }
0x4b: {  	[tilespmem:s26], [sflag:$0x2] =	stream.indirect.gather @!p1 [hbm4b:s4+s28], $0x10, s30, s28, $0xb8;
	[tilespmem:$0x9700] =	vst v63  }
0x4c: {  	s26 =	simm.s32 $0x1;
	s28 =	sand.u32 $0xFF, s29  }
0x4d: {  	s29 =	simm.s32 $0x80;
	s30 =	sshll.u32 s28, $0xB;
	s28 =	simm.s32 $0x300  }
.LBB2_4:
0x4e: {  	s31 =	sadd.s32 $0x2, s26  }
0x4f: {  	p1 =	sgt.u32 s26, $0x4B;
	s30 =	sadd.s32 $0x4F00, s30;
	s0 =	smov.u32 s26  }
0x50: {  	[spmem:s2] =	stream.indirect.scatter.add.f32 [tilespmem:s30], [sflag:$0x3], $0x10, s29, s17, $0xb8;
	[tilespmem:$0x9700] =	vst v63  }
0x51: {  	s29 =	smul.u32 @!p1 $0xAB, s31;
	p2 =	seq.s32 @!p1 s26, $0x0;
	_ =	swait.ge [sflag:s21], $0x800  }
0x52: {  	s26 =	sadd.s32 $0x1, s26;
	p3 =	por p2, p1;
	[sflag:s21] =	ssyncset.done $0x0  }
0x53: {  	s30 =	smul.u32 $0xAB, s0;
	s29 =	sshrl.u32 @!p1 s29, $0x9;
	[sflag:s21] =	ssyncadd.s32 $0xFFFFF800  }
0x54: {  	p2 =	sne.s32 s26, $0x4E;
	s1 =	simm.s32 @!p3 $0x3;
	s29 =	sand.u32 @!p1 $0x7F, s29  }
0x55: {  	s30 =	sshrl.u32 s30, $0x9;
	s29 =	smul.u32 @!p1 $0x3, s29;
	_ =	swait.ge @!p3 [sflag:s1], $0x800  }
0x56: {  	s30 =	sand.u32 $0x7F, s30;
	[sflag:s1] =	ssyncset.done @!p3 $0x0  }
0x57: {  	s30 =	smul.u32 $0x3, s30;
	s29 =	ssub.s32 @!p1 s31, s29;
	[sflag:s1] =	ssyncadd.s32 @!p3 $0xFFFFF800  }
.Ltmp1:
0x58: {  	s1 =	sand.u32 @!p1 $0xFF, s29;
	(pc) =	sbr.rel @p2 .LBB2_4-.Ltmp1, $4  }
0x59: {  	s0 =	ssub.s32 s0, s30;
	s1 =	sshll.u32 @!p1 s1, $0xB  }
0x5a: {  	s0 =	sand.u32 $0xFF, s0;
	s29 =	simm.s32 @!p1 $0x80;
	s1 =	sadd.s32 @!p1 $0x4F00, s1  }
0x5b: {  	[tilespmem:s1], [sflag:$0x2] =	stream.indirect.gather @!p1 [hbm4b:s4+s29], $0x10, s28, s29, $0xb8;
	[tilespmem:$0x9700] =	vst v63  }
0x5c: {  	s30 =	sshll.u32 s0, $0xB;
	s29 =	sadd.s32 $0xFFFFFE80, s28;
	s28 =	sadd.s32 $0x100, s28  }
0x5d: {  	s0 =	sadd.s32 $0x4F00, s30  }
0x5e: {  	[spmem:s2] =	stream.indirect.scatter.add.f32 [tilespmem:s0], [sflag:$0x3], $0x10, s29, s17, $0xb8;
	[tilespmem:$0x9700] =	vst v63  }
0x5f: {  	_ =	swait.ge [sflag:s22], $0x800  }
0x60: {  	[sflag:s22] =	ssyncset.done $0x0  }
0x61: {  	[sflag:s22] =	ssyncadd.s32 $0xFFFFF800  }
0x62: {  	_ =	swait.ge [sflag:s22], $0x800  }
0x63: {  	[sflag:s22] =	ssyncset.done $0x0  }
0x64: {  	[sflag:s22] =	ssyncadd.s32 $0xFFFFF800  }
0x65: {  	_ =	swait.ge [sflag:s22], $0x800  }
0x66: {  	s25 =	sadd.s32 $0x1, s25;
	[sflag:s22] =	ssyncset.done $0x0  }
0x67: {  	s31 =	sshll.u32 s13, $0x6;
	p1 =	sne.s32 s25, s8;
	[sflag:s22] =	ssyncadd.s32 $0xFFFFF800  }
.Ltmp2:
0x68: {  	s0 =	sor.u32 $0x1C04, s31;
	[bflag:$0x0] =	sbarrier.arrive $0xFFFF;
	(pc) =	sbr.rel @p1 .LBB2_1-.Ltmp2, $4  }
0x69: {  	[hbm:s23], [sflag:s0] =	dma.local [spmem:s24], $0x500  }
0x6a: {  	_ =	swait.ge [sflag:s15], $0x500  }
0x6b: {  	[sflag:s15] =	ssyncset.done $0x0  }
0x6c: {  	[sflag:s15] =	ssyncadd.s32 $0xFFFFFB00  }
0x6d: {  	_ =	sfence.sel $0x180000  }
0x6e: {  	[bflag:$0x0] =	sbarrier.arrive $0xFFFF  }
0x6f: {  	_ =	strace $0x90000047  }
0x70: {  	[bflag:$0x2] =	sbarrier.arrive $0xFFFF  }
0x71: {  	p0 =	sne.s32 s13, $0x0;
	s0 =	rddreg [dreg:$0x4]  }
0x72: {  	s0 =	sadd.s32 @!p0 $0x100000, s0  }
0x73: {  	[sflag:s0] =	ssyncadd.tile.s32 @!p0 $0x1;
	_ =	shalt  }
.Lfunc_end2:
_tile_overlayer_lowered:
.L_overlay_start_2:
0x74: {  	(tag) =	ssettag $0x2  }
0x75: {  	s0 =	rddreg [dreg:$0x0];
	s2 =	stileid.u32  }
0x76: {  	s1 =	rddreg [dreg:$0x1];
	p0 =	sne.s32 s2, $0x0  }
0x77: {  	s3 =	rddreg [dreg:$0x2];
	[bflag:$0x3] =	sbarrier.arrive $0xFFFF;
	s2 =	simm.s32 @!p0 $0x1C04  }
0x78: {  	[timem:s3], [sflag:s2] =	dma.local @!p0 [hbm:s0], s1  }
0x79: {  	s0 =	simm.s32 @!p0 $0x4  }
0x7a: {  	_ =	swait.ge @!p0 [sflag:s0], s1  }
0x7b: {  	s1 =	ssub.s32 @!p0 $0x0, s1;
	[sflag:s0] =	ssyncset.done @!p0 $0x0  }
0x7c: {  	[sflag:s0] =	ssyncadd.s32 @!p0 s1  }
0x7d: {  	[bflag:$0x3] =	sbarrier.arrive $0xFFFF  }
0x7e: {  	_ =	shalt  }

</sc_bundles>
